<compile_context>
chip_gen: v7x
topology: tpu7x:2x2x1
jax: 0.10.2.dev20260603
libtpu: 0.0.44.dev20260713+nightly
codegen_flags: <defaults>
</compile_context>

<pallas_src>
import functools

import jax
import jax.numpy as jnp
from jax import lax
from jax.experimental import pallas as pl
from jax.experimental.pallas import tpu as pltpu
from jax.experimental.pallas import tpu_sc as plsc

CH = 32
V = CH // 16


def _roi_align_sc(table, props_t, B, N, H, W, C, PH, PW):
    S = B * N * PH * PW
    n_chunks = S // CH
    NW = 32
    base_chunks = n_chunks // NW
    extra = n_chunks % NW
    NB = B * N
    PAIRS = (base_chunks + 2) // 2

    mesh = plsc.VectorSubcoreMesh(core_axis_name="c", subcore_axis_name="s")

    @functools.partial(
        pl.kernel,
        mesh=mesh,
        compiler_params=pltpu.CompilerParams(needs_layout_passes=False),
        out_type=jax.ShapeDtypeStruct((S, C), jnp.float32),
        scratch_types=[
            pltpu.VMEM((4 * NB,), jnp.float32),
            pltpu.VMEM((4 * CH,), jnp.int32),
            pltpu.VMEM((4 * CH,), jnp.int32),
            pltpu.VMEM((4 * CH,), jnp.float32),
            pltpu.VMEM((4 * CH,), jnp.float32),
            pltpu.VMEM((4 * CH, C), jnp.float32),
            pltpu.VMEM((4 * CH, C), jnp.float32),
            pltpu.VMEM((CH, C), jnp.float32),
            pltpu.VMEM((CH, C), jnp.float32),
            pltpu.SemaphoreType.DMA,
            pltpu.SemaphoreType.DMA,
            pltpu.SemaphoreType.DMA,
            pltpu.SemaphoreType.DMA,
        ],
    )
    def sc_kernel(table_hbm, props_hbm, out_hbm, props_v, idx0, idx1,
                  w0, w1, rows0, rows1, outv0, outv1,
                  sem0, sem1, osem0, osem1):
        idx = [idx0, idx1]
        wv = [w0, w1]
        rows = [rows0, rows1]
        outv = [outv0, outv1]
        sems = [sem0, sem1]
        osems = [osem0, osem1]

        cid = lax.axis_index("c")
        sid = lax.axis_index("s")
        wid = sid * 2 + cid
        pltpu.sync_copy(props_hbm, props_v)
        n = base_chunks + jnp.where(wid < extra, 1, 0)

        yscale = jnp.float32((H - 1) / (PH - 1))
        xscale = jnp.float32((W - 1) / (PW - 1))
        half = jnp.float32(0.5)
        r_pp = jnp.float32(1.0 / (PH * PW))
        r_pw = jnp.float32(1.0 / PW)
        r_n = jnp.float32(1.0 / N)

        def fire(t, b):

            @pl.when(t < n)
            def _():
                chunk = wid + t * NW
                for v in range(V):
                    s = chunk * CH + v * 16 + lax.iota(jnp.int32, 16)
                    sf = s.astype(jnp.float32) + half
                    box = (sf * r_pp).astype(jnp.int32)
                    r = s - box * jnp.int32(PH * PW)
                    rf = r.astype(jnp.float32) + half
                    py = (rf * r_pw).astype(jnp.int32)
                    px = r - py * jnp.int32(PW)
                    bb = ((box.astype(jnp.float32) + half)
                          * r_n).astype(jnp.int32)

                    x1 = plsc.load_gather(props_v, [box])
                    y1 = plsc.load_gather(props_v, [box + NB])
                    x2 = plsc.load_gather(props_v, [box + 2 * NB])
                    y2 = plsc.load_gather(props_v, [box + 3 * NB])

                    hs = (y2 - y1) * yscale
                    ws = (x2 - x1) * xscale
                    in_y = (y1 * jnp.float32(H - 1)
                            + py.astype(jnp.float32) * hs)
                    in_x = (x1 * jnp.float32(W - 1)
                            + px.astype(jnp.float32) * ws)
                    in_y = jnp.minimum(jnp.maximum(in_y, jnp.float32(0.0)),
                                       jnp.float32(H - 1))
                    in_x = jnp.minimum(jnp.maximum(in_x, jnp.float32(0.0)),
                                       jnp.float32(W - 1))
                    y_lo = in_y.astype(jnp.int32)
                    x_lo = in_x.astype(jnp.int32)
                    ly = in_y - y_lo.astype(jnp.float32)
                    lx = in_x - x_lo.astype(jnp.float32)
                    y_hi = jnp.minimum(y_lo + 1, jnp.int32(H - 1))
                    x_hi = jnp.minimum(x_lo + 1, jnp.int32(W - 1))

                    row_lo = bb * jnp.int32(H * W) + y_lo * jnp.int32(W)
                    row_hi = bb * jnp.int32(H * W) + y_hi * jnp.int32(W)
                    o = v * 16
                    idx[b][pl.ds(o, 16)] = row_lo + x_lo
                    idx[b][pl.ds(CH + o, 16)] = row_lo + x_hi
                    idx[b][pl.ds(2 * CH + o, 16)] = row_hi + x_lo
                    idx[b][pl.ds(3 * CH + o, 16)] = row_hi + x_hi

                    one = jnp.float32(1.0)
                    wv[b][pl.ds(o, 16)] = (one - ly) * (one - lx)
                    wv[b][pl.ds(CH + o, 16)] = (one - ly) * lx
                    wv[b][pl.ds(2 * CH + o, 16)] = ly * (one - lx)
                    wv[b][pl.ds(3 * CH + o, 16)] = ly * lx

                pltpu.async_copy(table_hbm.at[idx[b]], rows[b], sems[b])

        def consume(t, b):

            @pl.when(t < n)
            def _():
                pltpu.make_async_copy(table_hbm.at[idx[b]], rows[b],
                                      sems[b]).wait()

                @pl.when(t >= 2)
                def _():
                    s0p = (wid + (t - 2) * NW) * CH
                    pltpu.make_async_copy(
                        outv[b], out_hbm.at[pl.ds(s0p, CH)], osems[b]).wait()

                zero = jnp.zeros((16,), jnp.int32)
                rb = rows[b]
                wb = wv[b]
                ob = outv[b]

                def sample_body(i, c2):
                    i_splat = zero + i
                    wtl = plsc.load_gather(wb, [i_splat])
                    wtr = plsc.load_gather(wb, [i_splat + CH])
                    wbl = plsc.load_gather(wb, [i_splat + 2 * CH])
                    wbr = plsc.load_gather(wb, [i_splat + 3 * CH])
                    for cq in range(C // 16):
                        sl = pl.ds(cq * 16, 16)
                        ob[i, sl] = (wtl * rb[i, sl]
                                     + wtr * rb[i + CH, sl]
                                     + wbl * rb[i + 2 * CH, sl]
                                     + wbr * rb[i + 3 * CH, sl])
                    return c2

                lax.fori_loop(0, CH, sample_body, 0)
                s0 = (wid + t * NW) * CH
                pltpu.async_copy(ob, out_hbm.at[pl.ds(s0, CH)], osems[b])

        fire(jnp.int32(0), 0)

        def pair_body(p, carry):
            t0 = 2 * p
            fire(t0 + 1, 1)
            consume(t0, 0)
            fire(t0 + 2, 0)
            consume(t0 + 1, 1)
            return carry

        lax.fori_loop(0, PAIRS, pair_body, 0)

        for par in range(2):
            t_par = (n - 1) - jnp.bitwise_and(n - 1 - par, 1)

            @pl.when(t_par >= 0)
            def _(par=par, t_par=t_par):
                s0p = (wid + t_par * NW) * CH
                pltpu.make_async_copy(
                    outv[par], out_hbm.at[pl.ds(s0p, CH)],
                    osems[par]).wait()

    return sc_kernel(table, props_t)


def kernel(feature, proposals):
    B, H, W, C = feature.shape
    N = proposals.shape[1]
    PH = PW = 7
    props_t = proposals.reshape(B * N, 4).T.reshape(-1)
    table = feature.reshape(B * H * W, C)
    out = _roi_align_sc(table, props_t, B, N, H, W, C, PH, PW)
    return out.reshape(B, N, PH, PW, C)

# --- scband reference (transcript-rebuilt; emitter-appended) ---
"""Pipeline reference for scband-roi-align-52123723104378 (READ-ONLY COPY).

The authoritative reference and input builder live on the scoring server;
editing this copy changes nothing except your own understanding.
"""

import jax, jax.numpy as jnp
import numpy as np


def roi2level(bbox, n_level, input_shape=(224, 224)):
    scale = jnp.tile(jnp.asarray(input_shape[::-1], bbox.dtype), (2,))
    bbox = jnp.where(jnp.max(bbox) > 1.0, bbox / scale, bbox)
    x1, y1, x2, y2 = jnp.split(bbox, 4, axis=-1)
    h = y2 - y1
    w = x2 - x1
    bbox_area = h * w
    image_area = jnp.asarray(input_shape[0] * input_shape[1], bbox.dtype)
    roi_level = jnp.floor(
        jnp.log(jnp.sqrt(bbox_area) / (56.0 / jnp.sqrt(image_area) + 1e-06)) / jnp.log(2.0)
    ).astype(jnp.int32)
    roi_level = jnp.clip(roi_level, 0, n_level - 1)
    return jnp.squeeze(roi_level, axis=-1)


def crop_and_resize(image, boxes, box_indices, crop_size):
    # Faithful bilinear tf.image.crop_and_resize (extrapolation_value=0).
    B, H, W, C = image.shape
    ph, pw = crop_size
    y1 = boxes[:, 0]; x1 = boxes[:, 1]; y2 = boxes[:, 2]; x2 = boxes[:, 3]
    hs = (y2 - y1) * (H - 1) / (ph - 1)
    ws = (x2 - x1) * (W - 1) / (pw - 1)
    in_y = y1[:, None] * (H - 1) + jnp.arange(ph, dtype=image.dtype)[None, :] * hs[:, None]
    in_x = x1[:, None] * (W - 1) + jnp.arange(pw, dtype=image.dtype)[None, :] * ws[:, None]
    valid_y = (in_y >= 0) & (in_y <= H - 1)
    valid_x = (in_x >= 0) & (in_x <= W - 1)
    in_y_c = jnp.clip(in_y, 0, H - 1)
    in_x_c = jnp.clip(in_x, 0, W - 1)
    y_lo = jnp.floor(in_y_c).astype(jnp.int32)
    y_hi = jnp.minimum(y_lo + 1, H - 1)
    x_lo = jnp.floor(in_x_c).astype(jnp.int32)
    x_hi = jnp.minimum(x_lo + 1, W - 1)
    ly = (in_y_c - y_lo.astype(image.dtype))[:, :, None, None]
    lx = (in_x_c - x_lo.astype(image.dtype))[:, None, :, None]
    bidx = box_indices[:, None, None]

    def g(yi, xi):
        return image[bidx, yi[:, :, None], xi[:, None, :], :]  # [n, ph, pw, C] gather

    tl = g(y_lo, x_lo); tr = g(y_lo, x_hi)
    bl = g(y_hi, x_lo); br = g(y_hi, x_hi)
    top = tl + (tr - tl) * lx
    bot = bl + (br - bl) * lx
    out = top + (bot - top) * ly
    mask = (valid_y[:, :, None] & valid_x[:, None, :])[..., None]
    return jnp.where(mask, out, jnp.zeros((), image.dtype))


def setup_inputs(seed: int = 0) -> dict:
    key = jax.random.key(seed)
    kf, k1, k2, k3, k4 = jax.random.split(key, 5)
    B, N, H, W, C = 4, 1000, 128, 128, 256
    feature = jax.random.normal(kf, (B, H, W, C), dtype=jnp.float32)
    x1 = jax.random.uniform(k1, (B, N), minval=0.0, maxval=0.6)
    y1 = jax.random.uniform(k2, (B, N), minval=0.0, maxval=0.6)
    w = jax.random.uniform(k3, (B, N), minval=0.05, maxval=0.35)
    h = jax.random.uniform(k4, (B, N), minval=0.05, maxval=0.35)
    proposals = jnp.stack([x1, y1, x1 + w, y1 + h], axis=-1).astype(jnp.float32)
    return {"feature": feature, "proposals": proposals}


def reference(feature, proposals):
    image_shape = (1024, 1024)
    pool_size = (7, 7)
    features = [feature]
    roi_level = roi2level(proposals, len(features), image_shape)  # [B, N]
    x1, y1, x2, y2 = jnp.split(proposals, 4, axis=-1)
    props = jnp.concatenate([y1, x1, y2, x2], axis=-1)
    indices_list = []
    results = []
    for level, x in enumerate(features):
        nz = jnp.nonzero(roi_level == level, size=roi_level.size)
        li = jnp.stack(nz, axis=1)  # [n, 2]
        bbox = props[li[:, 0], li[:, 1]]
        bbox = jax.lax.stop_gradient(bbox)
        bbox_indices = jax.lax.stop_gradient(li[:, 0].astype(jnp.int32))
        out = crop_and_resize(x, bbox, bbox_indices, pool_size)
        indices_list.append(li)
        results.append(out)
    indices = jnp.concatenate(indices_list, axis=0)
    result = jnp.concatenate(results, axis=0)
    n = indices.shape[0]
    sort_range = jnp.arange(n, dtype=jnp.int32)[:, None]
    indices = jnp.concatenate([indices.astype(jnp.int32), sort_range], axis=1)
    sort_key = indices[:, 0] * 100000 + indices[:, 1]
    _, top_idx = jax.lax.top_k(sort_key, n)
    sorted_indices = top_idx[::-1]
    order = indices[:, 2][sorted_indices]
    result = result[order]
    B, N = proposals.shape[0], proposals.shape[1]
    return result.reshape(B, N, pool_size[0], pool_size[1], feature.shape[-1])

if __name__ == "__main__":
    import jax
    _d = setup_inputs()
    print(jax.jit(kernel)(*tuple(_d.values())))

</pallas_src>

<mosaic_0001>
#map = affine_map<(d0, d1) -> (0, 0)>
#map1 = affine_map<(d0, d1) -> (0)>
module attributes {stable_mosaic.version = 14 : i64} {
  func.func @sc_kernel(%arg0: i32, %arg1: i32, %arg2: memref<65536x256xf32, #tpu.memory_space<hbm>>, %arg3: memref<16000xf32, #tpu.memory_space<hbm>>, %arg4: memref<196000x256xf32, #tpu.memory_space<hbm>>, %arg5: memref<16000xf32, #tpu.memory_space<vmem>>, %arg6: memref<128xi32, #tpu.memory_space<vmem>>, %arg7: memref<128xi32, #tpu.memory_space<vmem>>, %arg8: memref<128xf32, #tpu.memory_space<vmem>>, %arg9: memref<128xf32, #tpu.memory_space<vmem>>, %arg10: memref<128x256xf32, #tpu.memory_space<vmem>>, %arg11: memref<128x256xf32, #tpu.memory_space<vmem>>, %arg12: memref<32x256xf32, #tpu.memory_space<vmem>>, %arg13: memref<32x256xf32, #tpu.memory_space<vmem>>, %arg14: memref<!tpu.dma_semaphore, #tpu.memory_space<semaphore_mem>>, %arg15: memref<!tpu.dma_semaphore, #tpu.memory_space<semaphore_mem>>, %arg16: memref<!tpu.dma_semaphore, #tpu.memory_space<semaphore_mem>>, %arg17: memref<!tpu.dma_semaphore, #tpu.memory_space<semaphore_mem>>) attributes {dimension_semantics = [#tpu.dimension_semantics<core_parallel>, #tpu.dimension_semantics<subcore_parallel>], iteration_bounds = array<i64: 2, 16>, scalar_prefetch = 0 : i64, scratch_operands = 13 : i64, tpu.core_type = #tpu.core_type<sc_vector_subcore>, window_params = [{transform_indices = #map}, {transform_indices = #map1}, {transform_indices = #map}]} {
    %mul3A = arith.constant 2 : i32
    %mul3A_0 = arith.muli %arg1, %mul3A : i32
    %add3A = arith.addi %mul3A_0, %arg0 : i32
    "tpu.region"() ({
      %run_scoped3A = tpu.sem_alloc : memref<!tpu.dma_semaphore, #tpu.memory_space<semaphore_mem>>
      tpu.enqueue_dma source(%arg3 : memref<16000xf32, #tpu.memory_space<hbm>>) target(%arg5 : memref<16000xf32, #tpu.memory_space<vmem>>) target_semaphore(%run_scoped3A : memref<!tpu.dma_semaphore, #tpu.memory_space<semaphore_mem>>)
      tpu.wait_dma2 semaphore(%run_scoped3A : memref<!tpu.dma_semaphore, #tpu.memory_space<semaphore_mem>>) src(%arg3 : memref<16000xf32, #tpu.memory_space<hbm>>) dst(%arg5 : memref<16000xf32, #tpu.memory_space<vmem>>)
      tpu.yield
    }) : () -> ()
    %lt3A = arith.constant 13 : i32
    %lt3A_1 = arith.cmpi slt, %add3A, %lt3A : i32
    %jit3A = arith.constant 1 : i32
    %jit3A_2 = arith.constant 0 : i32
    %select_n3A = arith.select %lt3A_1, %jit3A, %jit3A_2 : i32
    %add3A_3 = arith.constant 191 : i32
    %add3A_4 = arith.addi %add3A_3, %select_n3A : i32
    %lt3A_5 = arith.constant 0 : i32
    %lt3A_6 = arith.cmpi slt, %lt3A_5, %add3A_4 : i32
    %convert_element_type3A = arith.extui %lt3A_6 : i1 to i32
    %cond3A = arith.constant 0 : i32
    %cond3A_7 = arith.constant 5.000000e-01 : f32
    %cond3A_8 = arith.constant 0.0204081628 : f32
    %cond3A_9 = arith.constant 0.142857149 : f32
    %cond3A_10 = arith.constant 1.000000e-03 : f32
    %cond3A_11 = arith.constant 21.166666 : f32
    %cond3A_12 = arith.constant 21.166666 : f32
    %cond3A_13 = arith.constant 0 : i32
    %cond3A_14 = arith.cmpi ne, %convert_element_type3A, %cond3A_13 : i32
    scf.if %cond3A_14 {
      %mul3A_51 = arith.constant 32 : i32
      %mul3A_52 = arith.muli %cond3A, %mul3A_51 : i32
      %add3A_53 = arith.addi %add3A, %mul3A_52 : i32
      %mul3A_54 = arith.constant 32 : i32
      %mul3A_55 = arith.muli %add3A_53, %mul3A_54 : i32
      %add3A_56 = arith.constant 0 : i32
      %add3A_57 = arith.addi %mul3A_55, %add3A_56 : i32
      %iota3A = tpu.iota {dimensions = array<i32: 0>} : vector<16xi32>
      %add3A_58 = vector.broadcast %add3A_57 : i32 to vector<16xi32>
      %add3A_59 = arith.addi %add3A_58, %iota3A : vector<16xi32>
      %convert_element_type3A_60 = arith.sitofp %add3A_59 : vector<16xi32> to vector<16xf32>
      %add3A_61 = vector.broadcast %cond3A_7 : f32 to vector<16xf32>
      %add3A_62 = arith.addf %convert_element_type3A_60, %add3A_61 : vector<16xf32>
      %mul3A_63 = vector.broadcast %cond3A_8 : f32 to vector<16xf32>
      %mul3A_64 = arith.mulf %add3A_62, %mul3A_63 : vector<16xf32>
      %convert_element_type3A_65 = arith.fptosi %mul3A_64 : vector<16xf32> to vector<16xi32>
      %mul3A_66 = arith.constant 49 : i32
      %mul3A_67 = vector.broadcast %mul3A_66 : i32 to vector<16xi32>
      %mul3A_68 = arith.muli %convert_element_type3A_65, %mul3A_67 : vector<16xi32>
      %sub3A_69 = arith.subi %add3A_59, %mul3A_68 : vector<16xi32>
      %convert_element_type3A_70 = arith.sitofp %sub3A_69 : vector<16xi32> to vector<16xf32>
      %add3A_71 = vector.broadcast %cond3A_7 : f32 to vector<16xf32>
      %add3A_72 = arith.addf %convert_element_type3A_70, %add3A_71 : vector<16xf32>
      %mul3A_73 = vector.broadcast %cond3A_9 : f32 to vector<16xf32>
      %mul3A_74 = arith.mulf %add3A_72, %mul3A_73 : vector<16xf32>
      %convert_element_type3A_75 = arith.fptosi %mul3A_74 : vector<16xf32> to vector<16xi32>
      %mul3A_76 = arith.constant 7 : i32
      %mul3A_77 = vector.broadcast %mul3A_76 : i32 to vector<16xi32>
      %mul3A_78 = arith.muli %convert_element_type3A_75, %mul3A_77 : vector<16xi32>
      %sub3A_79 = arith.subi %sub3A_69, %mul3A_78 : vector<16xi32>
      %convert_element_type3A_80 = arith.sitofp %convert_element_type3A_65 : vector<16xi32> to vector<16xf32>
      %add3A_81 = vector.broadcast %cond3A_7 : f32 to vector<16xf32>
      %add3A_82 = arith.addf %convert_element_type3A_80, %add3A_81 : vector<16xf32>
      %mul3A_83 = vector.broadcast %cond3A_10 : f32 to vector<16xf32>
      %mul3A_84 = arith.mulf %add3A_82, %mul3A_83 : vector<16xf32>
      %convert_element_type3A_85 = arith.fptosi %mul3A_84 : vector<16xf32> to vector<16xi32>
      %gather3A = tpu.vector_load_idx %arg5[%convert_element_type3A_65] : memref<16000xf32, #tpu.memory_space<vmem>>[vector<16xi32>], vector<16xf32>,
      %add3A_86 = arith.constant 4000 : i32
      %add3A_87 = vector.broadcast %add3A_86 : i32 to vector<16xi32>
      %add3A_88 = arith.addi %convert_element_type3A_65, %add3A_87 : vector<16xi32>
      %gather3A_89 = tpu.vector_load_idx %arg5[%add3A_88] : memref<16000xf32, #tpu.memory_space<vmem>>[vector<16xi32>], vector<16xf32>,
      %add3A_90 = arith.constant 8000 : i32
      %add3A_91 = vector.broadcast %add3A_90 : i32 to vector<16xi32>
      %add3A_92 = arith.addi %convert_element_type3A_65, %add3A_91 : vector<16xi32>
      %gather3A_93 = tpu.vector_load_idx %arg5[%add3A_92] : memref<16000xf32, #tpu.memory_space<vmem>>[vector<16xi32>], vector<16xf32>,
      %add3A_94 = arith.constant 12000 : i32
      %add3A_95 = vector.broadcast %add3A_94 : i32 to vector<16xi32>
      %add3A_96 = arith.addi %convert_element_type3A_65, %add3A_95 : vector<16xi32>
      %gather3A_97 = tpu.vector_load_idx %arg5[%add3A_96] : memref<16000xf32, #tpu.memory_space<vmem>>[vector<16xi32>], vector<16xf32>,
      %sub3A_98 = arith.subf %gather3A_97, %gather3A_89 : vector<16xf32>
      %mul3A_99 = vector.broadcast %cond3A_11 : f32 to vector<16xf32>
      %mul3A_100 = arith.mulf %sub3A_98, %mul3A_99 : vector<16xf32>
      %sub3A_101 = arith.subf %gather3A_93, %gather3A : vector<16xf32>
      %mul3A_102 = vector.broadcast %cond3A_12 : f32 to vector<16xf32>
      %mul3A_103 = arith.mulf %sub3A_101, %mul3A_102 : vector<16xf32>
      %mul3A_104 = arith.constant 1.270000e+02 : f32
      %mul3A_105 = vector.broadcast %mul3A_104 : f32 to vector<16xf32>
      %mul3A_106 = arith.mulf %gather3A_89, %mul3A_105 : vector<16xf32>
      %convert_element_type3A_107 = arith.sitofp %convert_element_type3A_75 : vector<16xi32> to vector<16xf32>
      %mul3A_108 = arith.mulf %convert_element_type3A_107, %mul3A_100 : vector<16xf32>
      %add3A_109 = arith.addf %mul3A_106, %mul3A_108 : vector<16xf32>
      %mul3A_110 = arith.constant 1.270000e+02 : f32
      %mul3A_111 = vector.broadcast %mul3A_110 : f32 to vector<16xf32>
      %mul3A_112 = arith.mulf %gather3A, %mul3A_111 : vector<16xf32>
      %convert_element_type3A_113 = arith.sitofp %sub3A_79 : vector<16xi32> to vector<16xf32>
      %mul3A_114 = arith.mulf %convert_element_type3A_113, %mul3A_103 : vector<16xf32>
      %add3A_115 = arith.addf %mul3A_112, %mul3A_114 : vector<16xf32>
      %max3A = arith.constant 0.000000e+00 : f32
      %max3A_116 = vector.broadcast %max3A : f32 to vector<16xf32>
      %max3A_117 = arith.maximumf %add3A_109, %max3A_116 : vector<16xf32>
      %min3A = arith.constant 1.270000e+02 : f32
      %min3A_118 = vector.broadcast %min3A : f32 to vector<16xf32>
      %min3A_119 = arith.minimumf %max3A_117, %min3A_118 : vector<16xf32>
      %max3A_120 = arith.constant 0.000000e+00 : f32
      %max3A_121 = vector.broadcast %max3A_120 : f32 to vector<16xf32>
      %max3A_122 = arith.maximumf %add3A_115, %max3A_121 : vector<16xf32>
      %min3A_123 = arith.constant 1.270000e+02 : f32
      %min3A_124 = vector.broadcast %min3A_123 : f32 to vector<16xf32>
      %min3A_125 = arith.minimumf %max3A_122, %min3A_124 : vector<16xf32>
      %convert_element_type3A_126 = arith.fptosi %min3A_119 : vector<16xf32> to vector<16xi32>
      %convert_element_type3A_127 = arith.fptosi %min3A_125 : vector<16xf32> to vector<16xi32>
      %convert_element_type3A_128 = arith.sitofp %convert_element_type3A_126 : vector<16xi32> to vector<16xf32>
      %sub3A_129 = arith.subf %min3A_119, %convert_element_type3A_128 : vector<16xf32>
      %convert_element_type3A_130 = arith.sitofp %convert_element_type3A_127 : vector<16xi32> to vector<16xf32>
      %sub3A_131 = arith.subf %min3A_125, %convert_element_type3A_130 : vector<16xf32>
      %add3A_132 = arith.constant 1 : i32
      %add3A_133 = vector.broadcast %add3A_132 : i32 to vector<16xi32>
      %add3A_134 = arith.addi %convert_element_type3A_126, %add3A_133 : vector<16xi32>
      %min3A_135 = arith.constant 127 : i32
      %min3A_136 = vector.broadcast %min3A_135 : i32 to vector<16xi32>
      %min3A_137 = arith.minsi %add3A_134, %min3A_136 : vector<16xi32>
      %add3A_138 = arith.constant 1 : i32
      %add3A_139 = vector.broadcast %add3A_138 : i32 to vector<16xi32>
      %add3A_140 = arith.addi %convert_element_type3A_127, %add3A_139 : vector<16xi32>
      %min3A_141 = arith.constant 127 : i32
      %min3A_142 = vector.broadcast %min3A_141 : i32 to vector<16xi32>
      %min3A_143 = arith.minsi %add3A_140, %min3A_142 : vector<16xi32>
      %mul3A_144 = arith.constant 16384 : i32
      %mul3A_145 = vector.broadcast %mul3A_144 : i32 to vector<16xi32>
      %mul3A_146 = arith.muli %convert_element_type3A_85, %mul3A_145 : vector<16xi32>
      %mul3A_147 = arith.constant 128 : i32
      %mul3A_148 = vector.broadcast %mul3A_147 : i32 to vector<16xi32>
      %mul3A_149 = arith.muli %convert_element_type3A_126, %mul3A_148 : vector<16xi32>
      %add3A_150 = arith.addi %mul3A_146, %mul3A_149 : vector<16xi32>
      %mul3A_151 = arith.constant 16384 : i32
      %mul3A_152 = vector.broadcast %mul3A_151 : i32 to vector<16xi32>
      %mul3A_153 = arith.muli %convert_element_type3A_85, %mul3A_152 : vector<16xi32>
      %mul3A_154 = arith.constant 128 : i32
      %mul3A_155 = vector.broadcast %mul3A_154 : i32 to vector<16xi32>
      %mul3A_156 = arith.muli %min3A_137, %mul3A_155 : vector<16xi32>
      %add3A_157 = arith.addi %mul3A_153, %mul3A_156 : vector<16xi32>
      %add3A_158 = arith.addi %add3A_150, %convert_element_type3A_127 : vector<16xi32>
      %swap3A = arith.constant 0 : index
      %swap3A_159 = tpu.vector_load %arg6[%swap3A] {strides = array<i32>} : memref<128xi32, #tpu.memory_space<vmem>>, vector<16xi32>,
      tpu.vector_store %arg6[%swap3A], %add3A_158 {strides = array<i32>} : memref<128xi32, #tpu.memory_space<vmem>>, vector<16xi32>,
      %add3A_160 = arith.addi %add3A_150, %min3A_143 : vector<16xi32>
      %swap3A_161 = arith.constant 32 : index
      %swap3A_162 = tpu.vector_load %arg6[%swap3A_161] {strides = array<i32>} : memref<128xi32, #tpu.memory_space<vmem>>, vector<16xi32>,
      tpu.vector_store %arg6[%swap3A_161], %add3A_160 {strides = array<i32>} : memref<128xi32, #tpu.memory_space<vmem>>, vector<16xi32>,
      %add3A_163 = arith.addi %add3A_157, %convert_element_type3A_127 : vector<16xi32>
      %swap3A_164 = arith.constant 64 : index
      %swap3A_165 = tpu.vector_load %arg6[%swap3A_164] {strides = array<i32>} : memref<128xi32, #tpu.memory_space<vmem>>, vector<16xi32>,
      tpu.vector_store %arg6[%swap3A_164], %add3A_163 {strides = array<i32>} : memref<128xi32, #tpu.memory_space<vmem>>, vector<16xi32>,
      %add3A_166 = arith.addi %add3A_157, %min3A_143 : vector<16xi32>
      %swap3A_167 = arith.constant 96 : index
      %swap3A_168 = tpu.vector_load %arg6[%swap3A_167] {strides = array<i32>} : memref<128xi32, #tpu.memory_space<vmem>>, vector<16xi32>,
      tpu.vector_store %arg6[%swap3A_167], %add3A_166 {strides = array<i32>} : memref<128xi32, #tpu.memory_space<vmem>>, vector<16xi32>,
      %sub3A_169 = arith.constant 1.000000e+00 : f32
      %sub3A_170 = vector.broadcast %sub3A_169 : f32 to vector<16xf32>
      %sub3A_171 = arith.subf %sub3A_170, %sub3A_129 : vector<16xf32>
      %sub3A_172 = arith.constant 1.000000e+00 : f32
      %sub3A_173 = vector.broadcast %sub3A_172 : f32 to vector<16xf32>
      %sub3A_174 = arith.subf %sub3A_173, %sub3A_131 : vector<16xf32>
      %mul3A_175 = arith.mulf %sub3A_171, %sub3A_174 : vector<16xf32>
      %swap3A_176 = arith.constant 0 : index
      %swap3A_177 = tpu.vector_load %arg8[%swap3A_176] {strides = array<i32>} : memref<128xf32, #tpu.memory_space<vmem>>, vector<16xf32>,
      tpu.vector_store %arg8[%swap3A_176], %mul3A_175 {strides = array<i32>} : memref<128xf32, #tpu.memory_space<vmem>>, vector<16xf32>,
      %sub3A_178 = arith.constant 1.000000e+00 : f32
      %sub3A_179 = vector.broadcast %sub3A_178 : f32 to vector<16xf32>
      %sub3A_180 = arith.subf %sub3A_179, %sub3A_129 : vector<16xf32>
      %mul3A_181 = arith.mulf %sub3A_180, %sub3A_131 : vector<16xf32>
      %swap3A_182 = arith.constant 32 : index
      %swap3A_183 = tpu.vector_load %arg8[%swap3A_182] {strides = array<i32>} : memref<128xf32, #tpu.memory_space<vmem>>, vector<16xf32>,
      tpu.vector_store %arg8[%swap3A_182], %mul3A_181 {strides = array<i32>} : memref<128xf32, #tpu.memory_space<vmem>>, vector<16xf32>,
      %sub3A_184 = arith.constant 1.000000e+00 : f32
      %sub3A_185 = vector.broadcast %sub3A_184 : f32 to vector<16xf32>
      %sub3A_186 = arith.subf %sub3A_185, %sub3A_131 : vector<16xf32>
      %mul3A_187 = arith.mulf %sub3A_129, %sub3A_186 : vector<16xf32>
      %swap3A_188 = arith.constant 64 : index
      %swap3A_189 = tpu.vector_load %arg8[%swap3A_188] {strides = array<i32>} : memref<128xf32, #tpu.memory_space<vmem>>, vector<16xf32>,
      tpu.vector_store %arg8[%swap3A_188], %mul3A_187 {strides = array<i32>} : memref<128xf32, #tpu.memory_space<vmem>>, vector<16xf32>,
      %mul3A_190 = arith.mulf %sub3A_129, %sub3A_131 : vector<16xf32>
      %swap3A_191 = arith.constant 96 : index
      %swap3A_192 = tpu.vector_load %arg8[%swap3A_191] {strides = array<i32>} : memref<128xf32, #tpu.memory_space<vmem>>, vector<16xf32>,
      tpu.vector_store %arg8[%swap3A_191], %mul3A_190 {strides = array<i32>} : memref<128xf32, #tpu.memory_space<vmem>>, vector<16xf32>,
      %mul3A_193 = arith.constant 32 : i32
      %mul3A_194 = arith.muli %add3A_53, %mul3A_193 : i32
      %add3A_195 = arith.constant 16 : i32
      %add3A_196 = arith.addi %mul3A_194, %add3A_195 : i32
      %iota3A_197 = tpu.iota {dimensions = array<i32: 0>} : vector<16xi32>
      %add3A_198 = vector.broadcast %add3A_196 : i32 to vector<16xi32>
      %add3A_199 = arith.addi %add3A_198, %iota3A_197 : vector<16xi32>
      %convert_element_type3A_200 = arith.sitofp %add3A_199 : vector<16xi32> to vector<16xf32>
      %add3A_201 = vector.broadcast %cond3A_7 : f32 to vector<16xf32>
      %add3A_202 = arith.addf %convert_element_type3A_200, %add3A_201 : vector<16xf32>
      %mul3A_203 = vector.broadcast %cond3A_8 : f32 to vector<16xf32>
      %mul3A_204 = arith.mulf %add3A_202, %mul3A_203 : vector<16xf32>
      %convert_element_type3A_205 = arith.fptosi %mul3A_204 : vector<16xf32> to vector<16xi32>
      %mul3A_206 = arith.constant 49 : i32
      %mul3A_207 = vector.broadcast %mul3A_206 : i32 to vector<16xi32>
      %mul3A_208 = arith.muli %convert_element_type3A_205, %mul3A_207 : vector<16xi32>
      %sub3A_209 = arith.subi %add3A_199, %mul3A_208 : vector<16xi32>
      %convert_element_type3A_210 = arith.sitofp %sub3A_209 : vector<16xi32> to vector<16xf32>
      %add3A_211 = vector.broadcast %cond3A_7 : f32 to vector<16xf32>
      %add3A_212 = arith.addf %convert_element_type3A_210, %add3A_211 : vector<16xf32>
      %mul3A_213 = vector.broadcast %cond3A_9 : f32 to vector<16xf32>
      %mul3A_214 = arith.mulf %add3A_212, %mul3A_213 : vector<16xf32>
      %convert_element_type3A_215 = arith.fptosi %mul3A_214 : vector<16xf32> to vector<16xi32>
      %mul3A_216 = arith.constant 7 : i32
      %mul3A_217 = vector.broadcast %mul3A_216 : i32 to vector<16xi32>
      %mul3A_218 = arith.muli %convert_element_type3A_215, %mul3A_217 : vector<16xi32>
      %sub3A_219 = arith.subi %sub3A_209, %mul3A_218 : vector<16xi32>
      %convert_element_type3A_220 = arith.sitofp %convert_element_type3A_205 : vector<16xi32> to vector<16xf32>
      %add3A_221 = vector.broadcast %cond3A_7 : f32 to vector<16xf32>
      %add3A_222 = arith.addf %convert_element_type3A_220, %add3A_221 : vector<16xf32>
      %mul3A_223 = vector.broadcast %cond3A_10 : f32 to vector<16xf32>
      %mul3A_224 = arith.mulf %add3A_222, %mul3A_223 : vector<16xf32>
      %convert_element_type3A_225 = arith.fptosi %mul3A_224 : vector<16xf32> to vector<16xi32>
      %gather3A_226 = tpu.vector_load_idx %arg5[%convert_element_type3A_205] : memref<16000xf32, #tpu.memory_space<vmem>>[vector<16xi32>], vector<16xf32>,
      %add3A_227 = arith.constant 4000 : i32
      %add3A_228 = vector.broadcast %add3A_227 : i32 to vector<16xi32>
      %add3A_229 = arith.addi %convert_element_type3A_205, %add3A_228 : vector<16xi32>
      %gather3A_230 = tpu.vector_load_idx %arg5[%add3A_229] : memref<16000xf32, #tpu.memory_space<vmem>>[vector<16xi32>], vector<16xf32>,
      %add3A_231 = arith.constant 8000 : i32
      %add3A_232 = vector.broadcast %add3A_231 : i32 to vector<16xi32>
      %add3A_233 = arith.addi %convert_element_type3A_205, %add3A_232 : vector<16xi32>
      %gather3A_234 = tpu.vector_load_idx %arg5[%add3A_233] : memref<16000xf32, #tpu.memory_space<vmem>>[vector<16xi32>], vector<16xf32>,
      %add3A_235 = arith.constant 12000 : i32
      %add3A_236 = vector.broadcast %add3A_235 : i32 to vector<16xi32>
      %add3A_237 = arith.addi %convert_element_type3A_205, %add3A_236 : vector<16xi32>
      %gather3A_238 = tpu.vector_load_idx %arg5[%add3A_237] : memref<16000xf32, #tpu.memory_space<vmem>>[vector<16xi32>], vector<16xf32>,
      %sub3A_239 = arith.subf %gather3A_238, %gather3A_230 : vector<16xf32>
      %mul3A_240 = vector.broadcast %cond3A_11 : f32 to vector<16xf32>
      %mul3A_241 = arith.mulf %sub3A_239, %mul3A_240 : vector<16xf32>
      %sub3A_242 = arith.subf %gather3A_234, %gather3A_226 : vector<16xf32>
      %mul3A_243 = vector.broadcast %cond3A_12 : f32 to vector<16xf32>
      %mul3A_244 = arith.mulf %sub3A_242, %mul3A_243 : vector<16xf32>
      %mul3A_245 = arith.constant 1.270000e+02 : f32
      %mul3A_246 = vector.broadcast %mul3A_245 : f32 to vector<16xf32>
      %mul3A_247 = arith.mulf %gather3A_230, %mul3A_246 : vector<16xf32>
      %convert_element_type3A_248 = arith.sitofp %convert_element_type3A_215 : vector<16xi32> to vector<16xf32>
      %mul3A_249 = arith.mulf %convert_element_type3A_248, %mul3A_241 : vector<16xf32>
      %add3A_250 = arith.addf %mul3A_247, %mul3A_249 : vector<16xf32>
      %mul3A_251 = arith.constant 1.270000e+02 : f32
      %mul3A_252 = vector.broadcast %mul3A_251 : f32 to vector<16xf32>
      %mul3A_253 = arith.mulf %gather3A_226, %mul3A_252 : vector<16xf32>
      %convert_element_type3A_254 = arith.sitofp %sub3A_219 : vector<16xi32> to vector<16xf32>
      %mul3A_255 = arith.mulf %convert_element_type3A_254, %mul3A_244 : vector<16xf32>
      %add3A_256 = arith.addf %mul3A_253, %mul3A_255 : vector<16xf32>
      %max3A_257 = arith.constant 0.000000e+00 : f32
      %max3A_258 = vector.broadcast %max3A_257 : f32 to vector<16xf32>
      %max3A_259 = arith.maximumf %add3A_250, %max3A_258 : vector<16xf32>
      %min3A_260 = arith.constant 1.270000e+02 : f32
      %min3A_261 = vector.broadcast %min3A_260 : f32 to vector<16xf32>
      %min3A_262 = arith.minimumf %max3A_259, %min3A_261 : vector<16xf32>
      %max3A_263 = arith.constant 0.000000e+00 : f32
      %max3A_264 = vector.broadcast %max3A_263 : f32 to vector<16xf32>
      %max3A_265 = arith.maximumf %add3A_256, %max3A_264 : vector<16xf32>
      %min3A_266 = arith.constant 1.270000e+02 : f32
      %min3A_267 = vector.broadcast %min3A_266 : f32 to vector<16xf32>
      %min3A_268 = arith.minimumf %max3A_265, %min3A_267 : vector<16xf32>
      %convert_element_type3A_269 = arith.fptosi %min3A_262 : vector<16xf32> to vector<16xi32>
      %convert_element_type3A_270 = arith.fptosi %min3A_268 : vector<16xf32> to vector<16xi32>
      %convert_element_type3A_271 = arith.sitofp %convert_element_type3A_269 : vector<16xi32> to vector<16xf32>
      %sub3A_272 = arith.subf %min3A_262, %convert_element_type3A_271 : vector<16xf32>
      %convert_element_type3A_273 = arith.sitofp %convert_element_type3A_270 : vector<16xi32> to vector<16xf32>
      %sub3A_274 = arith.subf %min3A_268, %convert_element_type3A_273 : vector<16xf32>
      %add3A_275 = arith.constant 1 : i32
      %add3A_276 = vector.broadcast %add3A_275 : i32 to vector<16xi32>
      %add3A_277 = arith.addi %convert_element_type3A_269, %add3A_276 : vector<16xi32>
      %min3A_278 = arith.constant 127 : i32
      %min3A_279 = vector.broadcast %min3A_278 : i32 to vector<16xi32>
      %min3A_280 = arith.minsi %add3A_277, %min3A_279 : vector<16xi32>
      %add3A_281 = arith.constant 1 : i32
      %add3A_282 = vector.broadcast %add3A_281 : i32 to vector<16xi32>
      %add3A_283 = arith.addi %convert_element_type3A_270, %add3A_282 : vector<16xi32>
      %min3A_284 = arith.constant 127 : i32
      %min3A_285 = vector.broadcast %min3A_284 : i32 to vector<16xi32>
      %min3A_286 = arith.minsi %add3A_283, %min3A_285 : vector<16xi32>
      %mul3A_287 = arith.constant 16384 : i32
      %mul3A_288 = vector.broadcast %mul3A_287 : i32 to vector<16xi32>
      %mul3A_289 = arith.muli %convert_element_type3A_225, %mul3A_288 : vector<16xi32>
      %mul3A_290 = arith.constant 128 : i32
      %mul3A_291 = vector.broadcast %mul3A_290 : i32 to vector<16xi32>
      %mul3A_292 = arith.muli %convert_element_type3A_269, %mul3A_291 : vector<16xi32>
      %add3A_293 = arith.addi %mul3A_289, %mul3A_292 : vector<16xi32>
      %mul3A_294 = arith.constant 16384 : i32
      %mul3A_295 = vector.broadcast %mul3A_294 : i32 to vector<16xi32>
      %mul3A_296 = arith.muli %convert_element_type3A_225, %mul3A_295 : vector<16xi32>
      %mul3A_297 = arith.constant 128 : i32
      %mul3A_298 = vector.broadcast %mul3A_297 : i32 to vector<16xi32>
      %mul3A_299 = arith.muli %min3A_280, %mul3A_298 : vector<16xi32>
      %add3A_300 = arith.addi %mul3A_296, %mul3A_299 : vector<16xi32>
      %add3A_301 = arith.addi %add3A_293, %convert_element_type3A_270 : vector<16xi32>
      %swap3A_302 = arith.constant 16 : index
      %swap3A_303 = tpu.vector_load %arg6[%swap3A_302] {strides = array<i32>} : memref<128xi32, #tpu.memory_space<vmem>>, vector<16xi32>,
      tpu.vector_store %arg6[%swap3A_302], %add3A_301 {strides = array<i32>} : memref<128xi32, #tpu.memory_space<vmem>>, vector<16xi32>,
      %add3A_304 = arith.addi %add3A_293, %min3A_286 : vector<16xi32>
      %swap3A_305 = arith.constant 48 : index
      %swap3A_306 = tpu.vector_load %arg6[%swap3A_305] {strides = array<i32>} : memref<128xi32, #tpu.memory_space<vmem>>, vector<16xi32>,
      tpu.vector_store %arg6[%swap3A_305], %add3A_304 {strides = array<i32>} : memref<128xi32, #tpu.memory_space<vmem>>, vector<16xi32>,
      %add3A_307 = arith.addi %add3A_300, %convert_element_type3A_270 : vector<16xi32>
      %swap3A_308 = arith.constant 80 : index
      %swap3A_309 = tpu.vector_load %arg6[%swap3A_308] {strides = array<i32>} : memref<128xi32, #tpu.memory_space<vmem>>, vector<16xi32>,
      tpu.vector_store %arg6[%swap3A_308], %add3A_307 {strides = array<i32>} : memref<128xi32, #tpu.memory_space<vmem>>, vector<16xi32>,
      %add3A_310 = arith.addi %add3A_300, %min3A_286 : vector<16xi32>
      %swap3A_311 = arith.constant 112 : index
      %swap3A_312 = tpu.vector_load %arg6[%swap3A_311] {strides = array<i32>} : memref<128xi32, #tpu.memory_space<vmem>>, vector<16xi32>,
      tpu.vector_store %arg6[%swap3A_311], %add3A_310 {strides = array<i32>} : memref<128xi32, #tpu.memory_space<vmem>>, vector<16xi32>,
      %sub3A_313 = arith.constant 1.000000e+00 : f32
      %sub3A_314 = vector.broadcast %sub3A_313 : f32 to vector<16xf32>
      %sub3A_315 = arith.subf %sub3A_314, %sub3A_272 : vector<16xf32>
      %sub3A_316 = arith.constant 1.000000e+00 : f32
      %sub3A_317 = vector.broadcast %sub3A_316 : f32 to vector<16xf32>
      %sub3A_318 = arith.subf %sub3A_317, %sub3A_274 : vector<16xf32>
      %mul3A_319 = arith.mulf %sub3A_315, %sub3A_318 : vector<16xf32>
      %swap3A_320 = arith.constant 16 : index
      %swap3A_321 = tpu.vector_load %arg8[%swap3A_320] {strides = array<i32>} : memref<128xf32, #tpu.memory_space<vmem>>, vector<16xf32>,
      tpu.vector_store %arg8[%swap3A_320], %mul3A_319 {strides = array<i32>} : memref<128xf32, #tpu.memory_space<vmem>>, vector<16xf32>,
      %sub3A_322 = arith.constant 1.000000e+00 : f32
      %sub3A_323 = vector.broadcast %sub3A_322 : f32 to vector<16xf32>
      %sub3A_324 = arith.subf %sub3A_323, %sub3A_272 : vector<16xf32>
      %mul3A_325 = arith.mulf %sub3A_324, %sub3A_274 : vector<16xf32>
      %swap3A_326 = arith.constant 48 : index
      %swap3A_327 = tpu.vector_load %arg8[%swap3A_326] {strides = array<i32>} : memref<128xf32, #tpu.memory_space<vmem>>, vector<16xf32>,
      tpu.vector_store %arg8[%swap3A_326], %mul3A_325 {strides = array<i32>} : memref<128xf32, #tpu.memory_space<vmem>>, vector<16xf32>,
      %sub3A_328 = arith.constant 1.000000e+00 : f32
      %sub3A_329 = vector.broadcast %sub3A_328 : f32 to vector<16xf32>
      %sub3A_330 = arith.subf %sub3A_329, %sub3A_274 : vector<16xf32>
      %mul3A_331 = arith.mulf %sub3A_272, %sub3A_330 : vector<16xf32>
      %swap3A_332 = arith.constant 80 : index
      %swap3A_333 = tpu.vector_load %arg8[%swap3A_332] {strides = array<i32>} : memref<128xf32, #tpu.memory_space<vmem>>, vector<16xf32>,
      tpu.vector_store %arg8[%swap3A_332], %mul3A_331 {strides = array<i32>} : memref<128xf32, #tpu.memory_space<vmem>>, vector<16xf32>,
      %mul3A_334 = arith.mulf %sub3A_272, %sub3A_274 : vector<16xf32>
      %swap3A_335 = arith.constant 112 : index
      %swap3A_336 = tpu.vector_load %arg8[%swap3A_335] {strides = array<i32>} : memref<128xf32, #tpu.memory_space<vmem>>, vector<16xf32>,
      tpu.vector_store %arg8[%swap3A_335], %mul3A_334 {strides = array<i32>} : memref<128xf32, #tpu.memory_space<vmem>>, vector<16xf32>,
      %dma_start3A = arith.constant 0 : i32
      %dma_start3A_337 = arith.constant 0 : i32
      %dma_start3A_338 = tpu.memref_slice %arg2[%dma_start3A, %dma_start3A_337] : memref<65536x256xf32, #tpu.memory_space<hbm>> -> memref<65536x256xf32, #tpu.memory_space<hbm>>
      tpu.enqueue_indirect_dma source(%dma_start3A_338 : memref<65536x256xf32, #tpu.memory_space<hbm>>) target(%arg10 : memref<128x256xf32, #tpu.memory_space<vmem>>) offsets(%arg6 : memref<128xi32, #tpu.memory_space<vmem>>) semaphore(%arg14 : memref<!tpu.dma_semaphore, #tpu.memory_space<semaphore_mem>>)
    } else {
    }
    %scan3A = arith.constant 0 : i32
    %scan3A_15 = arith.constant 5.000000e-01 : f32
    %scan3A_16 = arith.constant 0.0204081628 : f32
    %scan3A_17 = arith.constant 0.142857149 : f32
    %scan3A_18 = arith.constant 1.000000e-03 : f32
    %scan3A_19 = arith.constant 21.166666 : f32
    %scan3A_20 = arith.constant 21.166666 : f32
    %scan3A_21 = arith.constant 0 : i32
    %scan3A_22 = arith.constant 96 : i32
    %scan3A_23 = arith.addi %scan3A_21, %scan3A_22 : i32
    %scan3A_24 = arith.constant 1 : i32
    scf.for %scan3A_51 = %scan3A_21 to %scan3A_23 step %scan3A_24  : i32 {
      %mul3A_52 = arith.constant 2 : i32
      %mul3A_53 = arith.muli %mul3A_52, %scan3A_51 : i32
      %add3A_54 = arith.constant 1 : i32
      %add3A_55 = arith.addi %mul3A_53, %add3A_54 : i32
      %lt3A_56 = arith.cmpi slt, %add3A_55, %add3A_4 : i32
      %convert_element_type3A_57 = arith.extui %lt3A_56 : i1 to i32
      %cond3A_58 = arith.constant 0 : i32
      %cond3A_59 = arith.cmpi ne, %convert_element_type3A_57, %cond3A_58 : i32
      scf.if %cond3A_59 {
        %mul3A_76 = arith.constant 32 : i32
        %mul3A_77 = arith.muli %add3A_55, %mul3A_76 : i32
        %add3A_78 = arith.addi %add3A, %mul3A_77 : i32
        %mul3A_79 = arith.constant 32 : i32
        %mul3A_80 = arith.muli %add3A_78, %mul3A_79 : i32
        %add3A_81 = arith.constant 0 : i32
        %add3A_82 = arith.addi %mul3A_80, %add3A_81 : i32
        %iota3A = tpu.iota {dimensions = array<i32: 0>} : vector<16xi32>
        %add3A_83 = vector.broadcast %add3A_82 : i32 to vector<16xi32>
        %add3A_84 = arith.addi %add3A_83, %iota3A : vector<16xi32>
        %convert_element_type3A_85 = arith.sitofp %add3A_84 : vector<16xi32> to vector<16xf32>
        %add3A_86 = vector.broadcast %scan3A_15 : f32 to vector<16xf32>
        %add3A_87 = arith.addf %convert_element_type3A_85, %add3A_86 : vector<16xf32>
        %mul3A_88 = vector.broadcast %scan3A_16 : f32 to vector<16xf32>
        %mul3A_89 = arith.mulf %add3A_87, %mul3A_88 : vector<16xf32>
        %convert_element_type3A_90 = arith.fptosi %mul3A_89 : vector<16xf32> to vector<16xi32>
        %mul3A_91 = arith.constant 49 : i32
        %mul3A_92 = vector.broadcast %mul3A_91 : i32 to vector<16xi32>
        %mul3A_93 = arith.muli %convert_element_type3A_90, %mul3A_92 : vector<16xi32>
        %sub3A_94 = arith.subi %add3A_84, %mul3A_93 : vector<16xi32>
        %convert_element_type3A_95 = arith.sitofp %sub3A_94 : vector<16xi32> to vector<16xf32>
        %add3A_96 = vector.broadcast %scan3A_15 : f32 to vector<16xf32>
        %add3A_97 = arith.addf %convert_element_type3A_95, %add3A_96 : vector<16xf32>
        %mul3A_98 = vector.broadcast %scan3A_17 : f32 to vector<16xf32>
        %mul3A_99 = arith.mulf %add3A_97, %mul3A_98 : vector<16xf32>
        %convert_element_type3A_100 = arith.fptosi %mul3A_99 : vector<16xf32> to vector<16xi32>
        %mul3A_101 = arith.constant 7 : i32
        %mul3A_102 = vector.broadcast %mul3A_101 : i32 to vector<16xi32>
        %mul3A_103 = arith.muli %convert_element_type3A_100, %mul3A_102 : vector<16xi32>
        %sub3A_104 = arith.subi %sub3A_94, %mul3A_103 : vector<16xi32>
        %convert_element_type3A_105 = arith.sitofp %convert_element_type3A_90 : vector<16xi32> to vector<16xf32>
        %add3A_106 = vector.broadcast %scan3A_15 : f32 to vector<16xf32>
        %add3A_107 = arith.addf %convert_element_type3A_105, %add3A_106 : vector<16xf32>
        %mul3A_108 = vector.broadcast %scan3A_18 : f32 to vector<16xf32>
        %mul3A_109 = arith.mulf %add3A_107, %mul3A_108 : vector<16xf32>
        %convert_element_type3A_110 = arith.fptosi %mul3A_109 : vector<16xf32> to vector<16xi32>
        %gather3A = tpu.vector_load_idx %arg5[%convert_element_type3A_90] : memref<16000xf32, #tpu.memory_space<vmem>>[vector<16xi32>], vector<16xf32>,
        %add3A_111 = arith.constant 4000 : i32
        %add3A_112 = vector.broadcast %add3A_111 : i32 to vector<16xi32>
        %add3A_113 = arith.addi %convert_element_type3A_90, %add3A_112 : vector<16xi32>
        %gather3A_114 = tpu.vector_load_idx %arg5[%add3A_113] : memref<16000xf32, #tpu.memory_space<vmem>>[vector<16xi32>], vector<16xf32>,
        %add3A_115 = arith.constant 8000 : i32
        %add3A_116 = vector.broadcast %add3A_115 : i32 to vector<16xi32>
        %add3A_117 = arith.addi %convert_element_type3A_90, %add3A_116 : vector<16xi32>
        %gather3A_118 = tpu.vector_load_idx %arg5[%add3A_117] : memref<16000xf32, #tpu.memory_space<vmem>>[vector<16xi32>], vector<16xf32>,
        %add3A_119 = arith.constant 12000 : i32
        %add3A_120 = vector.broadcast %add3A_119 : i32 to vector<16xi32>
        %add3A_121 = arith.addi %convert_element_type3A_90, %add3A_120 : vector<16xi32>
        %gather3A_122 = tpu.vector_load_idx %arg5[%add3A_121] : memref<16000xf32, #tpu.memory_space<vmem>>[vector<16xi32>], vector<16xf32>,
        %sub3A_123 = arith.subf %gather3A_122, %gather3A_114 : vector<16xf32>
        %mul3A_124 = vector.broadcast %scan3A_19 : f32 to vector<16xf32>
        %mul3A_125 = arith.mulf %sub3A_123, %mul3A_124 : vector<16xf32>
        %sub3A_126 = arith.subf %gather3A_118, %gather3A : vector<16xf32>
        %mul3A_127 = vector.broadcast %scan3A_20 : f32 to vector<16xf32>
        %mul3A_128 = arith.mulf %sub3A_126, %mul3A_127 : vector<16xf32>
        %mul3A_129 = arith.constant 1.270000e+02 : f32
        %mul3A_130 = vector.broadcast %mul3A_129 : f32 to vector<16xf32>
        %mul3A_131 = arith.mulf %gather3A_114, %mul3A_130 : vector<16xf32>
        %convert_element_type3A_132 = arith.sitofp %convert_element_type3A_100 : vector<16xi32> to vector<16xf32>
        %mul3A_133 = arith.mulf %convert_element_type3A_132, %mul3A_125 : vector<16xf32>
        %add3A_134 = arith.addf %mul3A_131, %mul3A_133 : vector<16xf32>
        %mul3A_135 = arith.constant 1.270000e+02 : f32
        %mul3A_136 = vector.broadcast %mul3A_135 : f32 to vector<16xf32>
        %mul3A_137 = arith.mulf %gather3A, %mul3A_136 : vector<16xf32>
        %convert_element_type3A_138 = arith.sitofp %sub3A_104 : vector<16xi32> to vector<16xf32>
        %mul3A_139 = arith.mulf %convert_element_type3A_138, %mul3A_128 : vector<16xf32>
        %add3A_140 = arith.addf %mul3A_137, %mul3A_139 : vector<16xf32>
        %max3A = arith.constant 0.000000e+00 : f32
        %max3A_141 = vector.broadcast %max3A : f32 to vector<16xf32>
        %max3A_142 = arith.maximumf %add3A_134, %max3A_141 : vector<16xf32>
        %min3A = arith.constant 1.270000e+02 : f32
        %min3A_143 = vector.broadcast %min3A : f32 to vector<16xf32>
        %min3A_144 = arith.minimumf %max3A_142, %min3A_143 : vector<16xf32>
        %max3A_145 = arith.constant 0.000000e+00 : f32
        %max3A_146 = vector.broadcast %max3A_145 : f32 to vector<16xf32>
        %max3A_147 = arith.maximumf %add3A_140, %max3A_146 : vector<16xf32>
        %min3A_148 = arith.constant 1.270000e+02 : f32
        %min3A_149 = vector.broadcast %min3A_148 : f32 to vector<16xf32>
        %min3A_150 = arith.minimumf %max3A_147, %min3A_149 : vector<16xf32>
        %convert_element_type3A_151 = arith.fptosi %min3A_144 : vector<16xf32> to vector<16xi32>
        %convert_element_type3A_152 = arith.fptosi %min3A_150 : vector<16xf32> to vector<16xi32>
        %convert_element_type3A_153 = arith.sitofp %convert_element_type3A_151 : vector<16xi32> to vector<16xf32>
        %sub3A_154 = arith.subf %min3A_144, %convert_element_type3A_153 : vector<16xf32>
        %convert_element_type3A_155 = arith.sitofp %convert_element_type3A_152 : vector<16xi32> to vector<16xf32>
        %sub3A_156 = arith.subf %min3A_150, %convert_element_type3A_155 : vector<16xf32>
        %add3A_157 = arith.constant 1 : i32
        %add3A_158 = vector.broadcast %add3A_157 : i32 to vector<16xi32>
        %add3A_159 = arith.addi %convert_element_type3A_151, %add3A_158 : vector<16xi32>
        %min3A_160 = arith.constant 127 : i32
        %min3A_161 = vector.broadcast %min3A_160 : i32 to vector<16xi32>
        %min3A_162 = arith.minsi %add3A_159, %min3A_161 : vector<16xi32>
        %add3A_163 = arith.constant 1 : i32
        %add3A_164 = vector.broadcast %add3A_163 : i32 to vector<16xi32>
        %add3A_165 = arith.addi %convert_element_type3A_152, %add3A_164 : vector<16xi32>
        %min3A_166 = arith.constant 127 : i32
        %min3A_167 = vector.broadcast %min3A_166 : i32 to vector<16xi32>
        %min3A_168 = arith.minsi %add3A_165, %min3A_167 : vector<16xi32>
        %mul3A_169 = arith.constant 16384 : i32
        %mul3A_170 = vector.broadcast %mul3A_169 : i32 to vector<16xi32>
        %mul3A_171 = arith.muli %convert_element_type3A_110, %mul3A_170 : vector<16xi32>
        %mul3A_172 = arith.constant 128 : i32
        %mul3A_173 = vector.broadcast %mul3A_172 : i32 to vector<16xi32>
        %mul3A_174 = arith.muli %convert_element_type3A_151, %mul3A_173 : vector<16xi32>
        %add3A_175 = arith.addi %mul3A_171, %mul3A_174 : vector<16xi32>
        %mul3A_176 = arith.constant 16384 : i32
        %mul3A_177 = vector.broadcast %mul3A_176 : i32 to vector<16xi32>
        %mul3A_178 = arith.muli %convert_element_type3A_110, %mul3A_177 : vector<16xi32>
        %mul3A_179 = arith.constant 128 : i32
        %mul3A_180 = vector.broadcast %mul3A_179 : i32 to vector<16xi32>
        %mul3A_181 = arith.muli %min3A_162, %mul3A_180 : vector<16xi32>
        %add3A_182 = arith.addi %mul3A_178, %mul3A_181 : vector<16xi32>
        %add3A_183 = arith.addi %add3A_175, %convert_element_type3A_152 : vector<16xi32>
        %swap3A = arith.constant 0 : index
        %swap3A_184 = tpu.vector_load %arg7[%swap3A] {strides = array<i32>} : memref<128xi32, #tpu.memory_space<vmem>>, vector<16xi32>,
        tpu.vector_store %arg7[%swap3A], %add3A_183 {strides = array<i32>} : memref<128xi32, #tpu.memory_space<vmem>>, vector<16xi32>,
        %add3A_185 = arith.addi %add3A_175, %min3A_168 : vector<16xi32>
        %swap3A_186 = arith.constant 32 : index
        %swap3A_187 = tpu.vector_load %arg7[%swap3A_186] {strides = array<i32>} : memref<128xi32, #tpu.memory_space<vmem>>, vector<16xi32>,
        tpu.vector_store %arg7[%swap3A_186], %add3A_185 {strides = array<i32>} : memref<128xi32, #tpu.memory_space<vmem>>, vector<16xi32>,
        %add3A_188 = arith.addi %add3A_182, %convert_element_type3A_152 : vector<16xi32>
        %swap3A_189 = arith.constant 64 : index
        %swap3A_190 = tpu.vector_load %arg7[%swap3A_189] {strides = array<i32>} : memref<128xi32, #tpu.memory_space<vmem>>, vector<16xi32>,
        tpu.vector_store %arg7[%swap3A_189], %add3A_188 {strides = array<i32>} : memref<128xi32, #tpu.memory_space<vmem>>, vector<16xi32>,
        %add3A_191 = arith.addi %add3A_182, %min3A_168 : vector<16xi32>
        %swap3A_192 = arith.constant 96 : index
        %swap3A_193 = tpu.vector_load %arg7[%swap3A_192] {strides = array<i32>} : memref<128xi32, #tpu.memory_space<vmem>>, vector<16xi32>,
        tpu.vector_store %arg7[%swap3A_192], %add3A_191 {strides = array<i32>} : memref<128xi32, #tpu.memory_space<vmem>>, vector<16xi32>,
        %sub3A_194 = arith.constant 1.000000e+00 : f32
        %sub3A_195 = vector.broadcast %sub3A_194 : f32 to vector<16xf32>
        %sub3A_196 = arith.subf %sub3A_195, %sub3A_154 : vector<16xf32>
        %sub3A_197 = arith.constant 1.000000e+00 : f32
        %sub3A_198 = vector.broadcast %sub3A_197 : f32 to vector<16xf32>
        %sub3A_199 = arith.subf %sub3A_198, %sub3A_156 : vector<16xf32>
        %mul3A_200 = arith.mulf %sub3A_196, %sub3A_199 : vector<16xf32>
        %swap3A_201 = arith.constant 0 : index
        %swap3A_202 = tpu.vector_load %arg9[%swap3A_201] {strides = array<i32>} : memref<128xf32, #tpu.memory_space<vmem>>, vector<16xf32>,
        tpu.vector_store %arg9[%swap3A_201], %mul3A_200 {strides = array<i32>} : memref<128xf32, #tpu.memory_space<vmem>>, vector<16xf32>,
        %sub3A_203 = arith.constant 1.000000e+00 : f32
        %sub3A_204 = vector.broadcast %sub3A_203 : f32 to vector<16xf32>
        %sub3A_205 = arith.subf %sub3A_204, %sub3A_154 : vector<16xf32>
        %mul3A_206 = arith.mulf %sub3A_205, %sub3A_156 : vector<16xf32>
        %swap3A_207 = arith.constant 32 : index
        %swap3A_208 = tpu.vector_load %arg9[%swap3A_207] {strides = array<i32>} : memref<128xf32, #tpu.memory_space<vmem>>, vector<16xf32>,
        tpu.vector_store %arg9[%swap3A_207], %mul3A_206 {strides = array<i32>} : memref<128xf32, #tpu.memory_space<vmem>>, vector<16xf32>,
        %sub3A_209 = arith.constant 1.000000e+00 : f32
        %sub3A_210 = vector.broadcast %sub3A_209 : f32 to vector<16xf32>
        %sub3A_211 = arith.subf %sub3A_210, %sub3A_156 : vector<16xf32>
        %mul3A_212 = arith.mulf %sub3A_154, %sub3A_211 : vector<16xf32>
        %swap3A_213 = arith.constant 64 : index
        %swap3A_214 = tpu.vector_load %arg9[%swap3A_213] {strides = array<i32>} : memref<128xf32, #tpu.memory_space<vmem>>, vector<16xf32>,
        tpu.vector_store %arg9[%swap3A_213], %mul3A_212 {strides = array<i32>} : memref<128xf32, #tpu.memory_space<vmem>>, vector<16xf32>,
        %mul3A_215 = arith.mulf %sub3A_154, %sub3A_156 : vector<16xf32>
        %swap3A_216 = arith.constant 96 : index
        %swap3A_217 = tpu.vector_load %arg9[%swap3A_216] {strides = array<i32>} : memref<128xf32, #tpu.memory_space<vmem>>, vector<16xf32>,
        tpu.vector_store %arg9[%swap3A_216], %mul3A_215 {strides = array<i32>} : memref<128xf32, #tpu.memory_space<vmem>>, vector<16xf32>,
        %mul3A_218 = arith.constant 32 : i32
        %mul3A_219 = arith.muli %add3A_78, %mul3A_218 : i32
        %add3A_220 = arith.constant 16 : i32
        %add3A_221 = arith.addi %mul3A_219, %add3A_220 : i32
        %iota3A_222 = tpu.iota {dimensions = array<i32: 0>} : vector<16xi32>
        %add3A_223 = vector.broadcast %add3A_221 : i32 to vector<16xi32>
        %add3A_224 = arith.addi %add3A_223, %iota3A_222 : vector<16xi32>
        %convert_element_type3A_225 = arith.sitofp %add3A_224 : vector<16xi32> to vector<16xf32>
        %add3A_226 = vector.broadcast %scan3A_15 : f32 to vector<16xf32>
        %add3A_227 = arith.addf %convert_element_type3A_225, %add3A_226 : vector<16xf32>
        %mul3A_228 = vector.broadcast %scan3A_16 : f32 to vector<16xf32>
        %mul3A_229 = arith.mulf %add3A_227, %mul3A_228 : vector<16xf32>
        %convert_element_type3A_230 = arith.fptosi %mul3A_229 : vector<16xf32> to vector<16xi32>
        %mul3A_231 = arith.constant 49 : i32
        %mul3A_232 = vector.broadcast %mul3A_231 : i32 to vector<16xi32>
        %mul3A_233 = arith.muli %convert_element_type3A_230, %mul3A_232 : vector<16xi32>
        %sub3A_234 = arith.subi %add3A_224, %mul3A_233 : vector<16xi32>
        %convert_element_type3A_235 = arith.sitofp %sub3A_234 : vector<16xi32> to vector<16xf32>
        %add3A_236 = vector.broadcast %scan3A_15 : f32 to vector<16xf32>
        %add3A_237 = arith.addf %convert_element_type3A_235, %add3A_236 : vector<16xf32>
        %mul3A_238 = vector.broadcast %scan3A_17 : f32 to vector<16xf32>
        %mul3A_239 = arith.mulf %add3A_237, %mul3A_238 : vector<16xf32>
        %convert_element_type3A_240 = arith.fptosi %mul3A_239 : vector<16xf32> to vector<16xi32>
        %mul3A_241 = arith.constant 7 : i32
        %mul3A_242 = vector.broadcast %mul3A_241 : i32 to vector<16xi32>
        %mul3A_243 = arith.muli %convert_element_type3A_240, %mul3A_242 : vector<16xi32>
        %sub3A_244 = arith.subi %sub3A_234, %mul3A_243 : vector<16xi32>
        %convert_element_type3A_245 = arith.sitofp %convert_element_type3A_230 : vector<16xi32> to vector<16xf32>
        %add3A_246 = vector.broadcast %scan3A_15 : f32 to vector<16xf32>
        %add3A_247 = arith.addf %convert_element_type3A_245, %add3A_246 : vector<16xf32>
        %mul3A_248 = vector.broadcast %scan3A_18 : f32 to vector<16xf32>
        %mul3A_249 = arith.mulf %add3A_247, %mul3A_248 : vector<16xf32>
        %convert_element_type3A_250 = arith.fptosi %mul3A_249 : vector<16xf32> to vector<16xi32>
        %gather3A_251 = tpu.vector_load_idx %arg5[%convert_element_type3A_230] : memref<16000xf32, #tpu.memory_space<vmem>>[vector<16xi32>], vector<16xf32>,
        %add3A_252 = arith.constant 4000 : i32
        %add3A_253 = vector.broadcast %add3A_252 : i32 to vector<16xi32>
        %add3A_254 = arith.addi %convert_element_type3A_230, %add3A_253 : vector<16xi32>
        %gather3A_255 = tpu.vector_load_idx %arg5[%add3A_254] : memref<16000xf32, #tpu.memory_space<vmem>>[vector<16xi32>], vector<16xf32>,
        %add3A_256 = arith.constant 8000 : i32
        %add3A_257 = vector.broadcast %add3A_256 : i32 to vector<16xi32>
        %add3A_258 = arith.addi %convert_element_type3A_230, %add3A_257 : vector<16xi32>
        %gather3A_259 = tpu.vector_load_idx %arg5[%add3A_258] : memref<16000xf32, #tpu.memory_space<vmem>>[vector<16xi32>], vector<16xf32>,
        %add3A_260 = arith.constant 12000 : i32
        %add3A_261 = vector.broadcast %add3A_260 : i32 to vector<16xi32>
        %add3A_262 = arith.addi %convert_element_type3A_230, %add3A_261 : vector<16xi32>
        %gather3A_263 = tpu.vector_load_idx %arg5[%add3A_262] : memref<16000xf32, #tpu.memory_space<vmem>>[vector<16xi32>], vector<16xf32>,
        %sub3A_264 = arith.subf %gather3A_263, %gather3A_255 : vector<16xf32>
        %mul3A_265 = vector.broadcast %scan3A_19 : f32 to vector<16xf32>
        %mul3A_266 = arith.mulf %sub3A_264, %mul3A_265 : vector<16xf32>
        %sub3A_267 = arith.subf %gather3A_259, %gather3A_251 : vector<16xf32>
        %mul3A_268 = vector.broadcast %scan3A_20 : f32 to vector<16xf32>
        %mul3A_269 = arith.mulf %sub3A_267, %mul3A_268 : vector<16xf32>
        %mul3A_270 = arith.constant 1.270000e+02 : f32
        %mul3A_271 = vector.broadcast %mul3A_270 : f32 to vector<16xf32>
        %mul3A_272 = arith.mulf %gather3A_255, %mul3A_271 : vector<16xf32>
        %convert_element_type3A_273 = arith.sitofp %convert_element_type3A_240 : vector<16xi32> to vector<16xf32>
        %mul3A_274 = arith.mulf %convert_element_type3A_273, %mul3A_266 : vector<16xf32>
        %add3A_275 = arith.addf %mul3A_272, %mul3A_274 : vector<16xf32>
        %mul3A_276 = arith.constant 1.270000e+02 : f32
        %mul3A_277 = vector.broadcast %mul3A_276 : f32 to vector<16xf32>
        %mul3A_278 = arith.mulf %gather3A_251, %mul3A_277 : vector<16xf32>
        %convert_element_type3A_279 = arith.sitofp %sub3A_244 : vector<16xi32> to vector<16xf32>
        %mul3A_280 = arith.mulf %convert_element_type3A_279, %mul3A_269 : vector<16xf32>
        %add3A_281 = arith.addf %mul3A_278, %mul3A_280 : vector<16xf32>
        %max3A_282 = arith.constant 0.000000e+00 : f32
        %max3A_283 = vector.broadcast %max3A_282 : f32 to vector<16xf32>
        %max3A_284 = arith.maximumf %add3A_275, %max3A_283 : vector<16xf32>
        %min3A_285 = arith.constant 1.270000e+02 : f32
        %min3A_286 = vector.broadcast %min3A_285 : f32 to vector<16xf32>
        %min3A_287 = arith.minimumf %max3A_284, %min3A_286 : vector<16xf32>
        %max3A_288 = arith.constant 0.000000e+00 : f32
        %max3A_289 = vector.broadcast %max3A_288 : f32 to vector<16xf32>
        %max3A_290 = arith.maximumf %add3A_281, %max3A_289 : vector<16xf32>
        %min3A_291 = arith.constant 1.270000e+02 : f32
        %min3A_292 = vector.broadcast %min3A_291 : f32 to vector<16xf32>
        %min3A_293 = arith.minimumf %max3A_290, %min3A_292 : vector<16xf32>
        %convert_element_type3A_294 = arith.fptosi %min3A_287 : vector<16xf32> to vector<16xi32>
        %convert_element_type3A_295 = arith.fptosi %min3A_293 : vector<16xf32> to vector<16xi32>
        %convert_element_type3A_296 = arith.sitofp %convert_element_type3A_294 : vector<16xi32> to vector<16xf32>
        %sub3A_297 = arith.subf %min3A_287, %convert_element_type3A_296 : vector<16xf32>
        %convert_element_type3A_298 = arith.sitofp %convert_element_type3A_295 : vector<16xi32> to vector<16xf32>
        %sub3A_299 = arith.subf %min3A_293, %convert_element_type3A_298 : vector<16xf32>
        %add3A_300 = arith.constant 1 : i32
        %add3A_301 = vector.broadcast %add3A_300 : i32 to vector<16xi32>
        %add3A_302 = arith.addi %convert_element_type3A_294, %add3A_301 : vector<16xi32>
        %min3A_303 = arith.constant 127 : i32
        %min3A_304 = vector.broadcast %min3A_303 : i32 to vector<16xi32>
        %min3A_305 = arith.minsi %add3A_302, %min3A_304 : vector<16xi32>
        %add3A_306 = arith.constant 1 : i32
        %add3A_307 = vector.broadcast %add3A_306 : i32 to vector<16xi32>
        %add3A_308 = arith.addi %convert_element_type3A_295, %add3A_307 : vector<16xi32>
        %min3A_309 = arith.constant 127 : i32
        %min3A_310 = vector.broadcast %min3A_309 : i32 to vector<16xi32>
        %min3A_311 = arith.minsi %add3A_308, %min3A_310 : vector<16xi32>
        %mul3A_312 = arith.constant 16384 : i32
        %mul3A_313 = vector.broadcast %mul3A_312 : i32 to vector<16xi32>
        %mul3A_314 = arith.muli %convert_element_type3A_250, %mul3A_313 : vector<16xi32>
        %mul3A_315 = arith.constant 128 : i32
        %mul3A_316 = vector.broadcast %mul3A_315 : i32 to vector<16xi32>
        %mul3A_317 = arith.muli %convert_element_type3A_294, %mul3A_316 : vector<16xi32>
        %add3A_318 = arith.addi %mul3A_314, %mul3A_317 : vector<16xi32>
        %mul3A_319 = arith.constant 16384 : i32
        %mul3A_320 = vector.broadcast %mul3A_319 : i32 to vector<16xi32>
        %mul3A_321 = arith.muli %convert_element_type3A_250, %mul3A_320 : vector<16xi32>
        %mul3A_322 = arith.constant 128 : i32
        %mul3A_323 = vector.broadcast %mul3A_322 : i32 to vector<16xi32>
        %mul3A_324 = arith.muli %min3A_305, %mul3A_323 : vector<16xi32>
        %add3A_325 = arith.addi %mul3A_321, %mul3A_324 : vector<16xi32>
        %add3A_326 = arith.addi %add3A_318, %convert_element_type3A_295 : vector<16xi32>
        %swap3A_327 = arith.constant 16 : index
        %swap3A_328 = tpu.vector_load %arg7[%swap3A_327] {strides = array<i32>} : memref<128xi32, #tpu.memory_space<vmem>>, vector<16xi32>,
        tpu.vector_store %arg7[%swap3A_327], %add3A_326 {strides = array<i32>} : memref<128xi32, #tpu.memory_space<vmem>>, vector<16xi32>,
        %add3A_329 = arith.addi %add3A_318, %min3A_311 : vector<16xi32>
        %swap3A_330 = arith.constant 48 : index
        %swap3A_331 = tpu.vector_load %arg7[%swap3A_330] {strides = array<i32>} : memref<128xi32, #tpu.memory_space<vmem>>, vector<16xi32>,
        tpu.vector_store %arg7[%swap3A_330], %add3A_329 {strides = array<i32>} : memref<128xi32, #tpu.memory_space<vmem>>, vector<16xi32>,
        %add3A_332 = arith.addi %add3A_325, %convert_element_type3A_295 : vector<16xi32>
        %swap3A_333 = arith.constant 80 : index
        %swap3A_334 = tpu.vector_load %arg7[%swap3A_333] {strides = array<i32>} : memref<128xi32, #tpu.memory_space<vmem>>, vector<16xi32>,
        tpu.vector_store %arg7[%swap3A_333], %add3A_332 {strides = array<i32>} : memref<128xi32, #tpu.memory_space<vmem>>, vector<16xi32>,
        %add3A_335 = arith.addi %add3A_325, %min3A_311 : vector<16xi32>
        %swap3A_336 = arith.constant 112 : index
        %swap3A_337 = tpu.vector_load %arg7[%swap3A_336] {strides = array<i32>} : memref<128xi32, #tpu.memory_space<vmem>>, vector<16xi32>,
        tpu.vector_store %arg7[%swap3A_336], %add3A_335 {strides = array<i32>} : memref<128xi32, #tpu.memory_space<vmem>>, vector<16xi32>,
        %sub3A_338 = arith.constant 1.000000e+00 : f32
        %sub3A_339 = vector.broadcast %sub3A_338 : f32 to vector<16xf32>
        %sub3A_340 = arith.subf %sub3A_339, %sub3A_297 : vector<16xf32>
        %sub3A_341 = arith.constant 1.000000e+00 : f32
        %sub3A_342 = vector.broadcast %sub3A_341 : f32 to vector<16xf32>
        %sub3A_343 = arith.subf %sub3A_342, %sub3A_299 : vector<16xf32>
        %mul3A_344 = arith.mulf %sub3A_340, %sub3A_343 : vector<16xf32>
        %swap3A_345 = arith.constant 16 : index
        %swap3A_346 = tpu.vector_load %arg9[%swap3A_345] {strides = array<i32>} : memref<128xf32, #tpu.memory_space<vmem>>, vector<16xf32>,
        tpu.vector_store %arg9[%swap3A_345], %mul3A_344 {strides = array<i32>} : memref<128xf32, #tpu.memory_space<vmem>>, vector<16xf32>,
        %sub3A_347 = arith.constant 1.000000e+00 : f32
        %sub3A_348 = vector.broadcast %sub3A_347 : f32 to vector<16xf32>
        %sub3A_349 = arith.subf %sub3A_348, %sub3A_297 : vector<16xf32>
        %mul3A_350 = arith.mulf %sub3A_349, %sub3A_299 : vector<16xf32>
        %swap3A_351 = arith.constant 48 : index
        %swap3A_352 = tpu.vector_load %arg9[%swap3A_351] {strides = array<i32>} : memref<128xf32, #tpu.memory_space<vmem>>, vector<16xf32>,
        tpu.vector_store %arg9[%swap3A_351], %mul3A_350 {strides = array<i32>} : memref<128xf32, #tpu.memory_space<vmem>>, vector<16xf32>,
        %sub3A_353 = arith.constant 1.000000e+00 : f32
        %sub3A_354 = vector.broadcast %sub3A_353 : f32 to vector<16xf32>
        %sub3A_355 = arith.subf %sub3A_354, %sub3A_299 : vector<16xf32>
        %mul3A_356 = arith.mulf %sub3A_297, %sub3A_355 : vector<16xf32>
        %swap3A_357 = arith.constant 80 : index
        %swap3A_358 = tpu.vector_load %arg9[%swap3A_357] {strides = array<i32>} : memref<128xf32, #tpu.memory_space<vmem>>, vector<16xf32>,
        tpu.vector_store %arg9[%swap3A_357], %mul3A_356 {strides = array<i32>} : memref<128xf32, #tpu.memory_space<vmem>>, vector<16xf32>,
        %mul3A_359 = arith.mulf %sub3A_297, %sub3A_299 : vector<16xf32>
        %swap3A_360 = arith.constant 112 : index
        %swap3A_361 = tpu.vector_load %arg9[%swap3A_360] {strides = array<i32>} : memref<128xf32, #tpu.memory_space<vmem>>, vector<16xf32>,
        tpu.vector_store %arg9[%swap3A_360], %mul3A_359 {strides = array<i32>} : memref<128xf32, #tpu.memory_space<vmem>>, vector<16xf32>,
        %dma_start3A = arith.constant 0 : i32
        %dma_start3A_362 = arith.constant 0 : i32
        %dma_start3A_363 = tpu.memref_slice %arg2[%dma_start3A, %dma_start3A_362] : memref<65536x256xf32, #tpu.memory_space<hbm>> -> memref<65536x256xf32, #tpu.memory_space<hbm>>
        tpu.enqueue_indirect_dma source(%dma_start3A_363 : memref<65536x256xf32, #tpu.memory_space<hbm>>) target(%arg11 : memref<128x256xf32, #tpu.memory_space<vmem>>) offsets(%arg7 : memref<128xi32, #tpu.memory_space<vmem>>) semaphore(%arg15 : memref<!tpu.dma_semaphore, #tpu.memory_space<semaphore_mem>>)
      } else {
      }
      %lt3A_60 = arith.cmpi slt, %mul3A_53, %add3A_4 : i32
      %convert_element_type3A_61 = arith.extui %lt3A_60 : i1 to i32
      %cond3A_62 = arith.constant 0 : i32
      %cond3A_63 = arith.cmpi ne, %convert_element_type3A_61, %cond3A_62 : i32
      scf.if %cond3A_63 {
        %dma_wait3A = arith.constant 0 : i32
        %dma_wait3A_76 = arith.constant 0 : i32
        %dma_wait3A_77 = tpu.memref_slice %arg2[%dma_wait3A, %dma_wait3A_76] : memref<65536x256xf32, #tpu.memory_space<hbm>> -> memref<65536x256xf32, #tpu.memory_space<hbm>>
        tpu.wait_indirect_dma semaphore(%arg14 : memref<!tpu.dma_semaphore, #tpu.memory_space<semaphore_mem>>) src(%dma_wait3A_77 : memref<65536x256xf32, #tpu.memory_space<hbm>>) dst(%arg10 : memref<128x256xf32, #tpu.memory_space<vmem>>)
        %ge3A_78 = arith.constant 2 : i32
        %ge3A_79 = arith.cmpi sge, %mul3A_53, %ge3A_78 : i32
        %convert_element_type3A_80 = arith.extui %ge3A_79 : i1 to i32
        %cond3A_81 = arith.constant 0 : i32
        %cond3A_82 = arith.cmpi ne, %convert_element_type3A_80, %cond3A_81 : i32
        scf.if %cond3A_82 {
          %sub3A_98 = arith.constant 2 : i32
          %sub3A_99 = arith.subi %mul3A_53, %sub3A_98 : i32
          %mul3A_100 = arith.constant 32 : i32
          %mul3A_101 = arith.muli %sub3A_99, %mul3A_100 : i32
          %add3A_102 = arith.addi %add3A, %mul3A_101 : i32
          %mul3A_103 = arith.constant 32 : i32
          %mul3A_104 = arith.muli %add3A_102, %mul3A_103 : i32
          %dma_wait3A_105 = arith.constant 0 : i32
          %dma_wait3A_106 = tpu.memref_slice %arg4[%mul3A_104, %dma_wait3A_105] : memref<196000x256xf32, #tpu.memory_space<hbm>> -> memref<32x256xf32, #tpu.memory_space<hbm>>
          %dma_wait3A_107 = arith.constant 0 : i32
          %dma_wait3A_108 = tpu.memref_slice %arg4[%mul3A_104, %dma_wait3A_107] : memref<196000x256xf32, #tpu.memory_space<hbm>> -> memref<32x256xf32, #tpu.memory_space<hbm>>
          tpu.wait_dma2 semaphore(%arg16 : memref<!tpu.dma_semaphore, #tpu.memory_space<semaphore_mem>>) src(%arg12 : memref<32x256xf32, #tpu.memory_space<vmem>>) dst(%dma_wait3A_108 : memref<32x256xf32, #tpu.memory_space<hbm>>)
        } else {
        }
        %broadcast_in_dim3A = arith.constant 0 : i32
        %broadcast_in_dim3A_83 = vector.broadcast %broadcast_in_dim3A : i32 to vector<16xi32>
        %scan3A_84 = arith.constant 0 : i32
        %scan3A_85 = arith.constant 0 : i32
        %scan3A_86 = arith.constant 32 : i32
        %scan3A_87 = arith.addi %scan3A_85, %scan3A_86 : i32
        %scan3A_88 = arith.constant 1 : i32
        scf.for %scan3A_98 = %scan3A_85 to %scan3A_87 step %scan3A_88  : i32 {
          %add3A_99 = vector.broadcast %scan3A_98 : i32 to vector<16xi32>
          %add3A_100 = arith.addi %broadcast_in_dim3A_83, %add3A_99 : vector<16xi32>
          %gather3A = tpu.vector_load_idx %arg8[%add3A_100] : memref<128xf32, #tpu.memory_space<vmem>>[vector<16xi32>], vector<16xf32>,
          %add3A_101 = arith.constant 32 : i32
          %add3A_102 = vector.broadcast %add3A_101 : i32 to vector<16xi32>
          %add3A_103 = arith.addi %add3A_100, %add3A_102 : vector<16xi32>
          %gather3A_104 = tpu.vector_load_idx %arg8[%add3A_103] : memref<128xf32, #tpu.memory_space<vmem>>[vector<16xi32>], vector<16xf32>,
          %add3A_105 = arith.constant 64 : i32
          %add3A_106 = vector.broadcast %add3A_105 : i32 to vector<16xi32>
          %add3A_107 = arith.addi %add3A_100, %add3A_106 : vector<16xi32>
          %gather3A_108 = tpu.vector_load_idx %arg8[%add3A_107] : memref<128xf32, #tpu.memory_space<vmem>>[vector<16xi32>], vector<16xf32>,
          %add3A_109 = arith.constant 96 : i32
          %add3A_110 = vector.broadcast %add3A_109 : i32 to vector<16xi32>
          %add3A_111 = arith.addi %add3A_100, %add3A_110 : vector<16xi32>
          %gather3A_112 = tpu.vector_load_idx %arg8[%add3A_111] : memref<128xf32, #tpu.memory_space<vmem>>[vector<16xi32>], vector<16xf32>,
          %get3A = arith.index_cast %scan3A_98 : i32 to index
          %get3A_113 = arith.constant 0 : index
          %get3A_114 = tpu.vector_load %arg10[%get3A, %get3A_113] {strides = array<i32>} : memref<128x256xf32, #tpu.memory_space<vmem>>, vector<16xf32>,
          %mul3A_115 = arith.mulf %gather3A, %get3A_114 : vector<16xf32>
          %add3A_116 = arith.constant 32 : i32
          %add3A_117 = arith.addi %scan3A_98, %add3A_116 : i32
          %get3A_118 = arith.index_cast %add3A_117 : i32 to index
          %get3A_119 = arith.constant 0 : index
          %get3A_120 = tpu.vector_load %arg10[%get3A_118, %get3A_119] {strides = array<i32>} : memref<128x256xf32, #tpu.memory_space<vmem>>, vector<16xf32>,
          %mul3A_121 = arith.mulf %gather3A_104, %get3A_120 : vector<16xf32>
          %add3A_122 = arith.addf %mul3A_115, %mul3A_121 : vector<16xf32>
          %add3A_123 = arith.constant 64 : i32
          %add3A_124 = arith.addi %scan3A_98, %add3A_123 : i32
          %get3A_125 = arith.index_cast %add3A_124 : i32 to index
          %get3A_126 = arith.constant 0 : index
          %get3A_127 = tpu.vector_load %arg10[%get3A_125, %get3A_126] {strides = array<i32>} : memref<128x256xf32, #tpu.memory_space<vmem>>, vector<16xf32>,
          %mul3A_128 = arith.mulf %gather3A_108, %get3A_127 : vector<16xf32>
          %add3A_129 = arith.addf %add3A_122, %mul3A_128 : vector<16xf32>
          %add3A_130 = arith.constant 96 : i32
          %add3A_131 = arith.addi %scan3A_98, %add3A_130 : i32
          %get3A_132 = arith.index_cast %add3A_131 : i32 to index
          %get3A_133 = arith.constant 0 : index
          %get3A_134 = tpu.vector_load %arg10[%get3A_132, %get3A_133] {strides = array<i32>} : memref<128x256xf32, #tpu.memory_space<vmem>>, vector<16xf32>,
          %mul3A_135 = arith.mulf %gather3A_112, %get3A_134 : vector<16xf32>
          %add3A_136 = arith.addf %add3A_129, %mul3A_135 : vector<16xf32>
          %swap3A = arith.index_cast %scan3A_98 : i32 to index
          %swap3A_137 = arith.constant 0 : index
          %swap3A_138 = tpu.vector_load %arg12[%swap3A, %swap3A_137] {strides = array<i32>} : memref<32x256xf32, #tpu.memory_space<vmem>>, vector<16xf32>,
          tpu.vector_store %arg12[%swap3A, %swap3A_137], %add3A_136 {strides = array<i32>} : memref<32x256xf32, #tpu.memory_space<vmem>>, vector<16xf32>,
          %get3A_139 = arith.index_cast %scan3A_98 : i32 to index
          %get3A_140 = arith.constant 16 : index
          %get3A_141 = tpu.vector_load %arg10[%get3A_139, %get3A_140] {strides = array<i32>} : memref<128x256xf32, #tpu.memory_space<vmem>>, vector<16xf32>,
          %mul3A_142 = arith.mulf %gather3A, %get3A_141 : vector<16xf32>
          %add3A_143 = arith.constant 32 : i32
          %add3A_144 = arith.addi %scan3A_98, %add3A_143 : i32
          %get3A_145 = arith.index_cast %add3A_144 : i32 to index
          %get3A_146 = arith.constant 16 : index
          %get3A_147 = tpu.vector_load %arg10[%get3A_145, %get3A_146] {strides = array<i32>} : memref<128x256xf32, #tpu.memory_space<vmem>>, vector<16xf32>,
          %mul3A_148 = arith.mulf %gather3A_104, %get3A_147 : vector<16xf32>
          %add3A_149 = arith.addf %mul3A_142, %mul3A_148 : vector<16xf32>
          %add3A_150 = arith.constant 64 : i32
          %add3A_151 = arith.addi %scan3A_98, %add3A_150 : i32
          %get3A_152 = arith.index_cast %add3A_151 : i32 to index
          %get3A_153 = arith.constant 16 : index
          %get3A_154 = tpu.vector_load %arg10[%get3A_152, %get3A_153] {strides = array<i32>} : memref<128x256xf32, #tpu.memory_space<vmem>>, vector<16xf32>,
          %mul3A_155 = arith.mulf %gather3A_108, %get3A_154 : vector<16xf32>
          %add3A_156 = arith.addf %add3A_149, %mul3A_155 : vector<16xf32>
          %add3A_157 = arith.constant 96 : i32
          %add3A_158 = arith.addi %scan3A_98, %add3A_157 : i32
          %get3A_159 = arith.index_cast %add3A_158 : i32 to index
          %get3A_160 = arith.constant 16 : index
          %get3A_161 = tpu.vector_load %arg10[%get3A_159, %get3A_160] {strides = array<i32>} : memref<128x256xf32, #tpu.memory_space<vmem>>, vector<16xf32>,
          %mul3A_162 = arith.mulf %gather3A_112, %get3A_161 : vector<16xf32>
          %add3A_163 = arith.addf %add3A_156, %mul3A_162 : vector<16xf32>
          %swap3A_164 = arith.index_cast %scan3A_98 : i32 to index
          %swap3A_165 = arith.constant 16 : index
          %swap3A_166 = tpu.vector_load %arg12[%swap3A_164, %swap3A_165] {strides = array<i32>} : memref<32x256xf32, #tpu.memory_space<vmem>>, vector<16xf32>,
          tpu.vector_store %arg12[%swap3A_164, %swap3A_165], %add3A_163 {strides = array<i32>} : memref<32x256xf32, #tpu.memory_space<vmem>>, vector<16xf32>,
          %get3A_167 = arith.index_cast %scan3A_98 : i32 to index
          %get3A_168 = arith.constant 32 : index
          %get3A_169 = tpu.vector_load %arg10[%get3A_167, %get3A_168] {strides = array<i32>} : memref<128x256xf32, #tpu.memory_space<vmem>>, vector<16xf32>,
          %mul3A_170 = arith.mulf %gather3A, %get3A_169 : vector<16xf32>
          %add3A_171 = arith.constant 32 : i32
          %add3A_172 = arith.addi %scan3A_98, %add3A_171 : i32
          %get3A_173 = arith.index_cast %add3A_172 : i32 to index
          %get3A_174 = arith.constant 32 : index
          %get3A_175 = tpu.vector_load %arg10[%get3A_173, %get3A_174] {strides = array<i32>} : memref<128x256xf32, #tpu.memory_space<vmem>>, vector<16xf32>,
          %mul3A_176 = arith.mulf %gather3A_104, %get3A_175 : vector<16xf32>
          %add3A_177 = arith.addf %mul3A_170, %mul3A_176 : vector<16xf32>
          %add3A_178 = arith.constant 64 : i32
          %add3A_179 = arith.addi %scan3A_98, %add3A_178 : i32
          %get3A_180 = arith.index_cast %add3A_179 : i32 to index
          %get3A_181 = arith.constant 32 : index
          %get3A_182 = tpu.vector_load %arg10[%get3A_180, %get3A_181] {strides = array<i32>} : memref<128x256xf32, #tpu.memory_space<vmem>>, vector<16xf32>,
          %mul3A_183 = arith.mulf %gather3A_108, %get3A_182 : vector<16xf32>
          %add3A_184 = arith.addf %add3A_177, %mul3A_183 : vector<16xf32>
          %add3A_185 = arith.constant 96 : i32
          %add3A_186 = arith.addi %scan3A_98, %add3A_185 : i32
          %get3A_187 = arith.index_cast %add3A_186 : i32 to index
          %get3A_188 = arith.constant 32 : index
          %get3A_189 = tpu.vector_load %arg10[%get3A_187, %get3A_188] {strides = array<i32>} : memref<128x256xf32, #tpu.memory_space<vmem>>, vector<16xf32>,
          %mul3A_190 = arith.mulf %gather3A_112, %get3A_189 : vector<16xf32>
          %add3A_191 = arith.addf %add3A_184, %mul3A_190 : vector<16xf32>
          %swap3A_192 = arith.index_cast %scan3A_98 : i32 to index
          %swap3A_193 = arith.constant 32 : index
          %swap3A_194 = tpu.vector_load %arg12[%swap3A_192, %swap3A_193] {strides = array<i32>} : memref<32x256xf32, #tpu.memory_space<vmem>>, vector<16xf32>,
          tpu.vector_store %arg12[%swap3A_192, %swap3A_193], %add3A_191 {strides = array<i32>} : memref<32x256xf32, #tpu.memory_space<vmem>>, vector<16xf32>,
          %get3A_195 = arith.index_cast %scan3A_98 : i32 to index
          %get3A_196 = arith.constant 48 : index
          %get3A_197 = tpu.vector_load %arg10[%get3A_195, %get3A_196] {strides = array<i32>} : memref<128x256xf32, #tpu.memory_space<vmem>>, vector<16xf32>,
          %mul3A_198 = arith.mulf %gather3A, %get3A_197 : vector<16xf32>
          %add3A_199 = arith.constant 32 : i32
          %add3A_200 = arith.addi %scan3A_98, %add3A_199 : i32
          %get3A_201 = arith.index_cast %add3A_200 : i32 to index
          %get3A_202 = arith.constant 48 : index
          %get3A_203 = tpu.vector_load %arg10[%get3A_201, %get3A_202] {strides = array<i32>} : memref<128x256xf32, #tpu.memory_space<vmem>>, vector<16xf32>,
          %mul3A_204 = arith.mulf %gather3A_104, %get3A_203 : vector<16xf32>
          %add3A_205 = arith.addf %mul3A_198, %mul3A_204 : vector<16xf32>
          %add3A_206 = arith.constant 64 : i32
          %add3A_207 = arith.addi %scan3A_98, %add3A_206 : i32
          %get3A_208 = arith.index_cast %add3A_207 : i32 to index
          %get3A_209 = arith.constant 48 : index
          %get3A_210 = tpu.vector_load %arg10[%get3A_208, %get3A_209] {strides = array<i32>} : memref<128x256xf32, #tpu.memory_space<vmem>>, vector<16xf32>,
          %mul3A_211 = arith.mulf %gather3A_108, %get3A_210 : vector<16xf32>
          %add3A_212 = arith.addf %add3A_205, %mul3A_211 : vector<16xf32>
          %add3A_213 = arith.constant 96 : i32
          %add3A_214 = arith.addi %scan3A_98, %add3A_213 : i32
          %get3A_215 = arith.index_cast %add3A_214 : i32 to index
          %get3A_216 = arith.constant 48 : index
          %get3A_217 = tpu.vector_load %arg10[%get3A_215, %get3A_216] {strides = array<i32>} : memref<128x256xf32, #tpu.memory_space<vmem>>, vector<16xf32>,
          %mul3A_218 = arith.mulf %gather3A_112, %get3A_217 : vector<16xf32>
          %add3A_219 = arith.addf %add3A_212, %mul3A_218 : vector<16xf32>
          %swap3A_220 = arith.index_cast %scan3A_98 : i32 to index
          %swap3A_221 = arith.constant 48 : index
          %swap3A_222 = tpu.vector_load %arg12[%swap3A_220, %swap3A_221] {strides = array<i32>} : memref<32x256xf32, #tpu.memory_space<vmem>>, vector<16xf32>,
          tpu.vector_store %arg12[%swap3A_220, %swap3A_221], %add3A_219 {strides = array<i32>} : memref<32x256xf32, #tpu.memory_space<vmem>>, vector<16xf32>,
          %get3A_223 = arith.index_cast %scan3A_98 : i32 to index
          %get3A_224 = arith.constant 64 : index
          %get3A_225 = tpu.vector_load %arg10[%get3A_223, %get3A_224] {strides = array<i32>} : memref<128x256xf32, #tpu.memory_space<vmem>>, vector<16xf32>,
          %mul3A_226 = arith.mulf %gather3A, %get3A_225 : vector<16xf32>
          %add3A_227 = arith.constant 32 : i32
          %add3A_228 = arith.addi %scan3A_98, %add3A_227 : i32
          %get3A_229 = arith.index_cast %add3A_228 : i32 to index
          %get3A_230 = arith.constant 64 : index
          %get3A_231 = tpu.vector_load %arg10[%get3A_229, %get3A_230] {strides = array<i32>} : memref<128x256xf32, #tpu.memory_space<vmem>>, vector<16xf32>,
          %mul3A_232 = arith.mulf %gather3A_104, %get3A_231 : vector<16xf32>
          %add3A_233 = arith.addf %mul3A_226, %mul3A_232 : vector<16xf32>
          %add3A_234 = arith.constant 64 : i32
          %add3A_235 = arith.addi %scan3A_98, %add3A_234 : i32
          %get3A_236 = arith.index_cast %add3A_235 : i32 to index
          %get3A_237 = arith.constant 64 : index
          %get3A_238 = tpu.vector_load %arg10[%get3A_236, %get3A_237] {strides = array<i32>} : memref<128x256xf32, #tpu.memory_space<vmem>>, vector<16xf32>,
          %mul3A_239 = arith.mulf %gather3A_108, %get3A_238 : vector<16xf32>
          %add3A_240 = arith.addf %add3A_233, %mul3A_239 : vector<16xf32>
          %add3A_241 = arith.constant 96 : i32
          %add3A_242 = arith.addi %scan3A_98, %add3A_241 : i32
          %get3A_243 = arith.index_cast %add3A_242 : i32 to index
          %get3A_244 = arith.constant 64 : index
          %get3A_245 = tpu.vector_load %arg10[%get3A_243, %get3A_244] {strides = array<i32>} : memref<128x256xf32, #tpu.memory_space<vmem>>, vector<16xf32>,
          %mul3A_246 = arith.mulf %gather3A_112, %get3A_245 : vector<16xf32>
          %add3A_247 = arith.addf %add3A_240, %mul3A_246 : vector<16xf32>
          %swap3A_248 = arith.index_cast %scan3A_98 : i32 to index
          %swap3A_249 = arith.constant 64 : index
          %swap3A_250 = tpu.vector_load %arg12[%swap3A_248, %swap3A_249] {strides = array<i32>} : memref<32x256xf32, #tpu.memory_space<vmem>>, vector<16xf32>,
          tpu.vector_store %arg12[%swap3A_248, %swap3A_249], %add3A_247 {strides = array<i32>} : memref<32x256xf32, #tpu.memory_space<vmem>>, vector<16xf32>,
          %get3A_251 = arith.index_cast %scan3A_98 : i32 to index
          %get3A_252 = arith.constant 80 : index
          %get3A_253 = tpu.vector_load %arg10[%get3A_251, %get3A_252] {strides = array<i32>} : memref<128x256xf32, #tpu.memory_space<vmem>>, vector<16xf32>,
          %mul3A_254 = arith.mulf %gather3A, %get3A_253 : vector<16xf32>
          %add3A_255 = arith.constant 32 : i32
          %add3A_256 = arith.addi %scan3A_98, %add3A_255 : i32
          %get3A_257 = arith.index_cast %add3A_256 : i32 to index
          %get3A_258 = arith.constant 80 : index
          %get3A_259 = tpu.vector_load %arg10[%get3A_257, %get3A_258] {strides = array<i32>} : memref<128x256xf32, #tpu.memory_space<vmem>>, vector<16xf32>,
          %mul3A_260 = arith.mulf %gather3A_104, %get3A_259 : vector<16xf32>
          %add3A_261 = arith.addf %mul3A_254, %mul3A_260 : vector<16xf32>
          %add3A_262 = arith.constant 64 : i32
          %add3A_263 = arith.addi %scan3A_98, %add3A_262 : i32
          %get3A_264 = arith.index_cast %add3A_263 : i32 to index
          %get3A_265 = arith.constant 80 : index
          %get3A_266 = tpu.vector_load %arg10[%get3A_264, %get3A_265] {strides = array<i32>} : memref<128x256xf32, #tpu.memory_space<vmem>>, vector<16xf32>,
          %mul3A_267 = arith.mulf %gather3A_108, %get3A_266 : vector<16xf32>
          %add3A_268 = arith.addf %add3A_261, %mul3A_267 : vector<16xf32>
          %add3A_269 = arith.constant 96 : i32
          %add3A_270 = arith.addi %scan3A_98, %add3A_269 : i32
          %get3A_271 = arith.index_cast %add3A_270 : i32 to index
          %get3A_272 = arith.constant 80 : index
          %get3A_273 = tpu.vector_load %arg10[%get3A_271, %get3A_272] {strides = array<i32>} : memref<128x256xf32, #tpu.memory_space<vmem>>, vector<16xf32>,
          %mul3A_274 = arith.mulf %gather3A_112, %get3A_273 : vector<16xf32>
          %add3A_275 = arith.addf %add3A_268, %mul3A_274 : vector<16xf32>
          %swap3A_276 = arith.index_cast %scan3A_98 : i32 to index
          %swap3A_277 = arith.constant 80 : index
          %swap3A_278 = tpu.vector_load %arg12[%swap3A_276, %swap3A_277] {strides = array<i32>} : memref<32x256xf32, #tpu.memory_space<vmem>>, vector<16xf32>,
          tpu.vector_store %arg12[%swap3A_276, %swap3A_277], %add3A_275 {strides = array<i32>} : memref<32x256xf32, #tpu.memory_space<vmem>>, vector<16xf32>,
          %get3A_279 = arith.index_cast %scan3A_98 : i32 to index
          %get3A_280 = arith.constant 96 : index
          %get3A_281 = tpu.vector_load %arg10[%get3A_279, %get3A_280] {strides = array<i32>} : memref<128x256xf32, #tpu.memory_space<vmem>>, vector<16xf32>,
          %mul3A_282 = arith.mulf %gather3A, %get3A_281 : vector<16xf32>
          %add3A_283 = arith.constant 32 : i32
          %add3A_284 = arith.addi %scan3A_98, %add3A_283 : i32
          %get3A_285 = arith.index_cast %add3A_284 : i32 to index
          %get3A_286 = arith.constant 96 : index
          %get3A_287 = tpu.vector_load %arg10[%get3A_285, %get3A_286] {strides = array<i32>} : memref<128x256xf32, #tpu.memory_space<vmem>>, vector<16xf32>,
          %mul3A_288 = arith.mulf %gather3A_104, %get3A_287 : vector<16xf32>
          %add3A_289 = arith.addf %mul3A_282, %mul3A_288 : vector<16xf32>
          %add3A_290 = arith.constant 64 : i32
          %add3A_291 = arith.addi %scan3A_98, %add3A_290 : i32
          %get3A_292 = arith.index_cast %add3A_291 : i32 to index
          %get3A_293 = arith.constant 96 : index
          %get3A_294 = tpu.vector_load %arg10[%get3A_292, %get3A_293] {strides = array<i32>} : memref<128x256xf32, #tpu.memory_space<vmem>>, vector<16xf32>,
          %mul3A_295 = arith.mulf %gather3A_108, %get3A_294 : vector<16xf32>
          %add3A_296 = arith.addf %add3A_289, %mul3A_295 : vector<16xf32>
          %add3A_297 = arith.constant 96 : i32
          %add3A_298 = arith.addi %scan3A_98, %add3A_297 : i32
          %get3A_299 = arith.index_cast %add3A_298 : i32 to index
          %get3A_300 = arith.constant 96 : index
          %get3A_301 = tpu.vector_load %arg10[%get3A_299, %get3A_300] {strides = array<i32>} : memref<128x256xf32, #tpu.memory_space<vmem>>, vector<16xf32>,
          %mul3A_302 = arith.mulf %gather3A_112, %get3A_301 : vector<16xf32>
          %add3A_303 = arith.addf %add3A_296, %mul3A_302 : vector<16xf32>
          %swap3A_304 = arith.index_cast %scan3A_98 : i32 to index
          %swap3A_305 = arith.constant 96 : index
          %swap3A_306 = tpu.vector_load %arg12[%swap3A_304, %swap3A_305] {strides = array<i32>} : memref<32x256xf32, #tpu.memory_space<vmem>>, vector<16xf32>,
          tpu.vector_store %arg12[%swap3A_304, %swap3A_305], %add3A_303 {strides = array<i32>} : memref<32x256xf32, #tpu.memory_space<vmem>>, vector<16xf32>,
          %get3A_307 = arith.index_cast %scan3A_98 : i32 to index
          %get3A_308 = arith.constant 112 : index
          %get3A_309 = tpu.vector_load %arg10[%get3A_307, %get3A_308] {strides = array<i32>} : memref<128x256xf32, #tpu.memory_space<vmem>>, vector<16xf32>,
          %mul3A_310 = arith.mulf %gather3A, %get3A_309 : vector<16xf32>
          %add3A_311 = arith.constant 32 : i32
          %add3A_312 = arith.addi %scan3A_98, %add3A_311 : i32
          %get3A_313 = arith.index_cast %add3A_312 : i32 to index
          %get3A_314 = arith.constant 112 : index
          %get3A_315 = tpu.vector_load %arg10[%get3A_313, %get3A_314] {strides = array<i32>} : memref<128x256xf32, #tpu.memory_space<vmem>>, vector<16xf32>,
          %mul3A_316 = arith.mulf %gather3A_104, %get3A_315 : vector<16xf32>
          %add3A_317 = arith.addf %mul3A_310, %mul3A_316 : vector<16xf32>
          %add3A_318 = arith.constant 64 : i32
          %add3A_319 = arith.addi %scan3A_98, %add3A_318 : i32
          %get3A_320 = arith.index_cast %add3A_319 : i32 to index
          %get3A_321 = arith.constant 112 : index
          %get3A_322 = tpu.vector_load %arg10[%get3A_320, %get3A_321] {strides = array<i32>} : memref<128x256xf32, #tpu.memory_space<vmem>>, vector<16xf32>,
          %mul3A_323 = arith.mulf %gather3A_108, %get3A_322 : vector<16xf32>
          %add3A_324 = arith.addf %add3A_317, %mul3A_323 : vector<16xf32>
          %add3A_325 = arith.constant 96 : i32
          %add3A_326 = arith.addi %scan3A_98, %add3A_325 : i32
          %get3A_327 = arith.index_cast %add3A_326 : i32 to index
          %get3A_328 = arith.constant 112 : index
          %get3A_329 = tpu.vector_load %arg10[%get3A_327, %get3A_328] {strides = array<i32>} : memref<128x256xf32, #tpu.memory_space<vmem>>, vector<16xf32>,
          %mul3A_330 = arith.mulf %gather3A_112, %get3A_329 : vector<16xf32>
          %add3A_331 = arith.addf %add3A_324, %mul3A_330 : vector<16xf32>
          %swap3A_332 = arith.index_cast %scan3A_98 : i32 to index
          %swap3A_333 = arith.constant 112 : index
          %swap3A_334 = tpu.vector_load %arg12[%swap3A_332, %swap3A_333] {strides = array<i32>} : memref<32x256xf32, #tpu.memory_space<vmem>>, vector<16xf32>,
          tpu.vector_store %arg12[%swap3A_332, %swap3A_333], %add3A_331 {strides = array<i32>} : memref<32x256xf32, #tpu.memory_space<vmem>>, vector<16xf32>,
          %get3A_335 = arith.index_cast %scan3A_98 : i32 to index
          %get3A_336 = arith.constant 128 : index
          %get3A_337 = tpu.vector_load %arg10[%get3A_335, %get3A_336] {strides = array<i32>} : memref<128x256xf32, #tpu.memory_space<vmem>>, vector<16xf32>,
          %mul3A_338 = arith.mulf %gather3A, %get3A_337 : vector<16xf32>
          %add3A_339 = arith.constant 32 : i32
          %add3A_340 = arith.addi %scan3A_98, %add3A_339 : i32
          %get3A_341 = arith.index_cast %add3A_340 : i32 to index
          %get3A_342 = arith.constant 128 : index
          %get3A_343 = tpu.vector_load %arg10[%get3A_341, %get3A_342] {strides = array<i32>} : memref<128x256xf32, #tpu.memory_space<vmem>>, vector<16xf32>,
          %mul3A_344 = arith.mulf %gather3A_104, %get3A_343 : vector<16xf32>
          %add3A_345 = arith.addf %mul3A_338, %mul3A_344 : vector<16xf32>
          %add3A_346 = arith.constant 64 : i32
          %add3A_347 = arith.addi %scan3A_98, %add3A_346 : i32
          %get3A_348 = arith.index_cast %add3A_347 : i32 to index
          %get3A_349 = arith.constant 128 : index
          %get3A_350 = tpu.vector_load %arg10[%get3A_348, %get3A_349] {strides = array<i32>} : memref<128x256xf32, #tpu.memory_space<vmem>>, vector<16xf32>,
          %mul3A_351 = arith.mulf %gather3A_108, %get3A_350 : vector<16xf32>
          %add3A_352 = arith.addf %add3A_345, %mul3A_351 : vector<16xf32>
          %add3A_353 = arith.constant 96 : i32
          %add3A_354 = arith.addi %scan3A_98, %add3A_353 : i32
          %get3A_355 = arith.index_cast %add3A_354 : i32 to index
          %get3A_356 = arith.constant 128 : index
          %get3A_357 = tpu.vector_load %arg10[%get3A_355, %get3A_356] {strides = array<i32>} : memref<128x256xf32, #tpu.memory_space<vmem>>, vector<16xf32>,
          %mul3A_358 = arith.mulf %gather3A_112, %get3A_357 : vector<16xf32>
          %add3A_359 = arith.addf %add3A_352, %mul3A_358 : vector<16xf32>
          %swap3A_360 = arith.index_cast %scan3A_98 : i32 to index
          %swap3A_361 = arith.constant 128 : index
          %swap3A_362 = tpu.vector_load %arg12[%swap3A_360, %swap3A_361] {strides = array<i32>} : memref<32x256xf32, #tpu.memory_space<vmem>>, vector<16xf32>,
          tpu.vector_store %arg12[%swap3A_360, %swap3A_361], %add3A_359 {strides = array<i32>} : memref<32x256xf32, #tpu.memory_space<vmem>>, vector<16xf32>,
          %get3A_363 = arith.index_cast %scan3A_98 : i32 to index
          %get3A_364 = arith.constant 144 : index
          %get3A_365 = tpu.vector_load %arg10[%get3A_363, %get3A_364] {strides = array<i32>} : memref<128x256xf32, #tpu.memory_space<vmem>>, vector<16xf32>,
          %mul3A_366 = arith.mulf %gather3A, %get3A_365 : vector<16xf32>
          %add3A_367 = arith.constant 32 : i32
          %add3A_368 = arith.addi %scan3A_98, %add3A_367 : i32
          %get3A_369 = arith.index_cast %add3A_368 : i32 to index
          %get3A_370 = arith.constant 144 : index
          %get3A_371 = tpu.vector_load %arg10[%get3A_369, %get3A_370] {strides = array<i32>} : memref<128x256xf32, #tpu.memory_space<vmem>>, vector<16xf32>,
          %mul3A_372 = arith.mulf %gather3A_104, %get3A_371 : vector<16xf32>
          %add3A_373 = arith.addf %mul3A_366, %mul3A_372 : vector<16xf32>
          %add3A_374 = arith.constant 64 : i32
          %add3A_375 = arith.addi %scan3A_98, %add3A_374 : i32
          %get3A_376 = arith.index_cast %add3A_375 : i32 to index
          %get3A_377 = arith.constant 144 : index
          %get3A_378 = tpu.vector_load %arg10[%get3A_376, %get3A_377] {strides = array<i32>} : memref<128x256xf32, #tpu.memory_space<vmem>>, vector<16xf32>,
          %mul3A_379 = arith.mulf %gather3A_108, %get3A_378 : vector<16xf32>
          %add3A_380 = arith.addf %add3A_373, %mul3A_379 : vector<16xf32>
          %add3A_381 = arith.constant 96 : i32
          %add3A_382 = arith.addi %scan3A_98, %add3A_381 : i32
          %get3A_383 = arith.index_cast %add3A_382 : i32 to index
          %get3A_384 = arith.constant 144 : index
          %get3A_385 = tpu.vector_load %arg10[%get3A_383, %get3A_384] {strides = array<i32>} : memref<128x256xf32, #tpu.memory_space<vmem>>, vector<16xf32>,
          %mul3A_386 = arith.mulf %gather3A_112, %get3A_385 : vector<16xf32>
          %add3A_387 = arith.addf %add3A_380, %mul3A_386 : vector<16xf32>
          %swap3A_388 = arith.index_cast %scan3A_98 : i32 to index
          %swap3A_389 = arith.constant 144 : index
          %swap3A_390 = tpu.vector_load %arg12[%swap3A_388, %swap3A_389] {strides = array<i32>} : memref<32x256xf32, #tpu.memory_space<vmem>>, vector<16xf32>,
          tpu.vector_store %arg12[%swap3A_388, %swap3A_389], %add3A_387 {strides = array<i32>} : memref<32x256xf32, #tpu.memory_space<vmem>>, vector<16xf32>,
          %get3A_391 = arith.index_cast %scan3A_98 : i32 to index
          %get3A_392 = arith.constant 160 : index
          %get3A_393 = tpu.vector_load %arg10[%get3A_391, %get3A_392] {strides = array<i32>} : memref<128x256xf32, #tpu.memory_space<vmem>>, vector<16xf32>,
          %mul3A_394 = arith.mulf %gather3A, %get3A_393 : vector<16xf32>
          %add3A_395 = arith.constant 32 : i32
          %add3A_396 = arith.addi %scan3A_98, %add3A_395 : i32
          %get3A_397 = arith.index_cast %add3A_396 : i32 to index
          %get3A_398 = arith.constant 160 : index
          %get3A_399 = tpu.vector_load %arg10[%get3A_397, %get3A_398] {strides = array<i32>} : memref<128x256xf32, #tpu.memory_space<vmem>>, vector<16xf32>,
          %mul3A_400 = arith.mulf %gather3A_104, %get3A_399 : vector<16xf32>
          %add3A_401 = arith.addf %mul3A_394, %mul3A_400 : vector<16xf32>
          %add3A_402 = arith.constant 64 : i32
          %add3A_403 = arith.addi %scan3A_98, %add3A_402 : i32
          %get3A_404 = arith.index_cast %add3A_403 : i32 to index
          %get3A_405 = arith.constant 160 : index
          %get3A_406 = tpu.vector_load %arg10[%get3A_404, %get3A_405] {strides = array<i32>} : memref<128x256xf32, #tpu.memory_space<vmem>>, vector<16xf32>,
          %mul3A_407 = arith.mulf %gather3A_108, %get3A_406 : vector<16xf32>
          %add3A_408 = arith.addf %add3A_401, %mul3A_407 : vector<16xf32>
          %add3A_409 = arith.constant 96 : i32
          %add3A_410 = arith.addi %scan3A_98, %add3A_409 : i32
          %get3A_411 = arith.index_cast %add3A_410 : i32 to index
          %get3A_412 = arith.constant 160 : index
          %get3A_413 = tpu.vector_load %arg10[%get3A_411, %get3A_412] {strides = array<i32>} : memref<128x256xf32, #tpu.memory_space<vmem>>, vector<16xf32>,
          %mul3A_414 = arith.mulf %gather3A_112, %get3A_413 : vector<16xf32>
          %add3A_415 = arith.addf %add3A_408, %mul3A_414 : vector<16xf32>
          %swap3A_416 = arith.index_cast %scan3A_98 : i32 to index
          %swap3A_417 = arith.constant 160 : index
          %swap3A_418 = tpu.vector_load %arg12[%swap3A_416, %swap3A_417] {strides = array<i32>} : memref<32x256xf32, #tpu.memory_space<vmem>>, vector<16xf32>,
          tpu.vector_store %arg12[%swap3A_416, %swap3A_417], %add3A_415 {strides = array<i32>} : memref<32x256xf32, #tpu.memory_space<vmem>>, vector<16xf32>,
          %get3A_419 = arith.index_cast %scan3A_98 : i32 to index
          %get3A_420 = arith.constant 176 : index
          %get3A_421 = tpu.vector_load %arg10[%get3A_419, %get3A_420] {strides = array<i32>} : memref<128x256xf32, #tpu.memory_space<vmem>>, vector<16xf32>,
          %mul3A_422 = arith.mulf %gather3A, %get3A_421 : vector<16xf32>
          %add3A_423 = arith.constant 32 : i32
          %add3A_424 = arith.addi %scan3A_98, %add3A_423 : i32
          %get3A_425 = arith.index_cast %add3A_424 : i32 to index
          %get3A_426 = arith.constant 176 : index
          %get3A_427 = tpu.vector_load %arg10[%get3A_425, %get3A_426] {strides = array<i32>} : memref<128x256xf32, #tpu.memory_space<vmem>>, vector<16xf32>,
          %mul3A_428 = arith.mulf %gather3A_104, %get3A_427 : vector<16xf32>
          %add3A_429 = arith.addf %mul3A_422, %mul3A_428 : vector<16xf32>
          %add3A_430 = arith.constant 64 : i32
          %add3A_431 = arith.addi %scan3A_98, %add3A_430 : i32
          %get3A_432 = arith.index_cast %add3A_431 : i32 to index
          %get3A_433 = arith.constant 176 : index
          %get3A_434 = tpu.vector_load %arg10[%get3A_432, %get3A_433] {strides = array<i32>} : memref<128x256xf32, #tpu.memory_space<vmem>>, vector<16xf32>,
          %mul3A_435 = arith.mulf %gather3A_108, %get3A_434 : vector<16xf32>
          %add3A_436 = arith.addf %add3A_429, %mul3A_435 : vector<16xf32>
          %add3A_437 = arith.constant 96 : i32
          %add3A_438 = arith.addi %scan3A_98, %add3A_437 : i32
          %get3A_439 = arith.index_cast %add3A_438 : i32 to index
          %get3A_440 = arith.constant 176 : index
          %get3A_441 = tpu.vector_load %arg10[%get3A_439, %get3A_440] {strides = array<i32>} : memref<128x256xf32, #tpu.memory_space<vmem>>, vector<16xf32>,
          %mul3A_442 = arith.mulf %gather3A_112, %get3A_441 : vector<16xf32>
          %add3A_443 = arith.addf %add3A_436, %mul3A_442 : vector<16xf32>
          %swap3A_444 = arith.index_cast %scan3A_98 : i32 to index
          %swap3A_445 = arith.constant 176 : index
          %swap3A_446 = tpu.vector_load %arg12[%swap3A_444, %swap3A_445] {strides = array<i32>} : memref<32x256xf32, #tpu.memory_space<vmem>>, vector<16xf32>,
          tpu.vector_store %arg12[%swap3A_444, %swap3A_445], %add3A_443 {strides = array<i32>} : memref<32x256xf32, #tpu.memory_space<vmem>>, vector<16xf32>,
          %get3A_447 = arith.index_cast %scan3A_98 : i32 to index
          %get3A_448 = arith.constant 192 : index
          %get3A_449 = tpu.vector_load %arg10[%get3A_447, %get3A_448] {strides = array<i32>} : memref<128x256xf32, #tpu.memory_space<vmem>>, vector<16xf32>,
          %mul3A_450 = arith.mulf %gather3A, %get3A_449 : vector<16xf32>
          %add3A_451 = arith.constant 32 : i32
          %add3A_452 = arith.addi %scan3A_98, %add3A_451 : i32
          %get3A_453 = arith.index_cast %add3A_452 : i32 to index
          %get3A_454 = arith.constant 192 : index
          %get3A_455 = tpu.vector_load %arg10[%get3A_453, %get3A_454] {strides = array<i32>} : memref<128x256xf32, #tpu.memory_space<vmem>>, vector<16xf32>,
          %mul3A_456 = arith.mulf %gather3A_104, %get3A_455 : vector<16xf32>
          %add3A_457 = arith.addf %mul3A_450, %mul3A_456 : vector<16xf32>
          %add3A_458 = arith.constant 64 : i32
          %add3A_459 = arith.addi %scan3A_98, %add3A_458 : i32
          %get3A_460 = arith.index_cast %add3A_459 : i32 to index
          %get3A_461 = arith.constant 192 : index
          %get3A_462 = tpu.vector_load %arg10[%get3A_460, %get3A_461] {strides = array<i32>} : memref<128x256xf32, #tpu.memory_space<vmem>>, vector<16xf32>,
          %mul3A_463 = arith.mulf %gather3A_108, %get3A_462 : vector<16xf32>
          %add3A_464 = arith.addf %add3A_457, %mul3A_463 : vector<16xf32>
          %add3A_465 = arith.constant 96 : i32
          %add3A_466 = arith.addi %scan3A_98, %add3A_465 : i32
          %get3A_467 = arith.index_cast %add3A_466 : i32 to index
          %get3A_468 = arith.constant 192 : index
          %get3A_469 = tpu.vector_load %arg10[%get3A_467, %get3A_468] {strides = array<i32>} : memref<128x256xf32, #tpu.memory_space<vmem>>, vector<16xf32>,
          %mul3A_470 = arith.mulf %gather3A_112, %get3A_469 : vector<16xf32>
          %add3A_471 = arith.addf %add3A_464, %mul3A_470 : vector<16xf32>
          %swap3A_472 = arith.index_cast %scan3A_98 : i32 to index
          %swap3A_473 = arith.constant 192 : index
          %swap3A_474 = tpu.vector_load %arg12[%swap3A_472, %swap3A_473] {strides = array<i32>} : memref<32x256xf32, #tpu.memory_space<vmem>>, vector<16xf32>,
          tpu.vector_store %arg12[%swap3A_472, %swap3A_473], %add3A_471 {strides = array<i32>} : memref<32x256xf32, #tpu.memory_space<vmem>>, vector<16xf32>,
          %get3A_475 = arith.index_cast %scan3A_98 : i32 to index
          %get3A_476 = arith.constant 208 : index
          %get3A_477 = tpu.vector_load %arg10[%get3A_475, %get3A_476] {strides = array<i32>} : memref<128x256xf32, #tpu.memory_space<vmem>>, vector<16xf32>,
          %mul3A_478 = arith.mulf %gather3A, %get3A_477 : vector<16xf32>
          %add3A_479 = arith.constant 32 : i32
          %add3A_480 = arith.addi %scan3A_98, %add3A_479 : i32
          %get3A_481 = arith.index_cast %add3A_480 : i32 to index
          %get3A_482 = arith.constant 208 : index
          %get3A_483 = tpu.vector_load %arg10[%get3A_481, %get3A_482] {strides = array<i32>} : memref<128x256xf32, #tpu.memory_space<vmem>>, vector<16xf32>,
          %mul3A_484 = arith.mulf %gather3A_104, %get3A_483 : vector<16xf32>
          %add3A_485 = arith.addf %mul3A_478, %mul3A_484 : vector<16xf32>
          %add3A_486 = arith.constant 64 : i32
          %add3A_487 = arith.addi %scan3A_98, %add3A_486 : i32
          %get3A_488 = arith.index_cast %add3A_487 : i32 to index
          %get3A_489 = arith.constant 208 : index
          %get3A_490 = tpu.vector_load %arg10[%get3A_488, %get3A_489] {strides = array<i32>} : memref<128x256xf32, #tpu.memory_space<vmem>>, vector<16xf32>,
          %mul3A_491 = arith.mulf %gather3A_108, %get3A_490 : vector<16xf32>
          %add3A_492 = arith.addf %add3A_485, %mul3A_491 : vector<16xf32>
          %add3A_493 = arith.constant 96 : i32
          %add3A_494 = arith.addi %scan3A_98, %add3A_493 : i32
          %get3A_495 = arith.index_cast %add3A_494 : i32 to index
          %get3A_496 = arith.constant 208 : index
          %get3A_497 = tpu.vector_load %arg10[%get3A_495, %get3A_496] {strides = array<i32>} : memref<128x256xf32, #tpu.memory_space<vmem>>, vector<16xf32>,
          %mul3A_498 = arith.mulf %gather3A_112, %get3A_497 : vector<16xf32>
          %add3A_499 = arith.addf %add3A_492, %mul3A_498 : vector<16xf32>
          %swap3A_500 = arith.index_cast %scan3A_98 : i32 to index
          %swap3A_501 = arith.constant 208 : index
          %swap3A_502 = tpu.vector_load %arg12[%swap3A_500, %swap3A_501] {strides = array<i32>} : memref<32x256xf32, #tpu.memory_space<vmem>>, vector<16xf32>,
          tpu.vector_store %arg12[%swap3A_500, %swap3A_501], %add3A_499 {strides = array<i32>} : memref<32x256xf32, #tpu.memory_space<vmem>>, vector<16xf32>,
          %get3A_503 = arith.index_cast %scan3A_98 : i32 to index
          %get3A_504 = arith.constant 224 : index
          %get3A_505 = tpu.vector_load %arg10[%get3A_503, %get3A_504] {strides = array<i32>} : memref<128x256xf32, #tpu.memory_space<vmem>>, vector<16xf32>,
          %mul3A_506 = arith.mulf %gather3A, %get3A_505 : vector<16xf32>
          %add3A_507 = arith.constant 32 : i32
          %add3A_508 = arith.addi %scan3A_98, %add3A_507 : i32
          %get3A_509 = arith.index_cast %add3A_508 : i32 to index
          %get3A_510 = arith.constant 224 : index
          %get3A_511 = tpu.vector_load %arg10[%get3A_509, %get3A_510] {strides = array<i32>} : memref<128x256xf32, #tpu.memory_space<vmem>>, vector<16xf32>,
          %mul3A_512 = arith.mulf %gather3A_104, %get3A_511 : vector<16xf32>
          %add3A_513 = arith.addf %mul3A_506, %mul3A_512 : vector<16xf32>
          %add3A_514 = arith.constant 64 : i32
          %add3A_515 = arith.addi %scan3A_98, %add3A_514 : i32
          %get3A_516 = arith.index_cast %add3A_515 : i32 to index
          %get3A_517 = arith.constant 224 : index
          %get3A_518 = tpu.vector_load %arg10[%get3A_516, %get3A_517] {strides = array<i32>} : memref<128x256xf32, #tpu.memory_space<vmem>>, vector<16xf32>,
          %mul3A_519 = arith.mulf %gather3A_108, %get3A_518 : vector<16xf32>
          %add3A_520 = arith.addf %add3A_513, %mul3A_519 : vector<16xf32>
          %add3A_521 = arith.constant 96 : i32
          %add3A_522 = arith.addi %scan3A_98, %add3A_521 : i32
          %get3A_523 = arith.index_cast %add3A_522 : i32 to index
          %get3A_524 = arith.constant 224 : index
          %get3A_525 = tpu.vector_load %arg10[%get3A_523, %get3A_524] {strides = array<i32>} : memref<128x256xf32, #tpu.memory_space<vmem>>, vector<16xf32>,
          %mul3A_526 = arith.mulf %gather3A_112, %get3A_525 : vector<16xf32>
          %add3A_527 = arith.addf %add3A_520, %mul3A_526 : vector<16xf32>
          %swap3A_528 = arith.index_cast %scan3A_98 : i32 to index
          %swap3A_529 = arith.constant 224 : index
          %swap3A_530 = tpu.vector_load %arg12[%swap3A_528, %swap3A_529] {strides = array<i32>} : memref<32x256xf32, #tpu.memory_space<vmem>>, vector<16xf32>,
          tpu.vector_store %arg12[%swap3A_528, %swap3A_529], %add3A_527 {strides = array<i32>} : memref<32x256xf32, #tpu.memory_space<vmem>>, vector<16xf32>,
          %get3A_531 = arith.index_cast %scan3A_98 : i32 to index
          %get3A_532 = arith.constant 240 : index
          %get3A_533 = tpu.vector_load %arg10[%get3A_531, %get3A_532] {strides = array<i32>} : memref<128x256xf32, #tpu.memory_space<vmem>>, vector<16xf32>,
          %mul3A_534 = arith.mulf %gather3A, %get3A_533 : vector<16xf32>
          %add3A_535 = arith.constant 32 : i32
          %add3A_536 = arith.addi %scan3A_98, %add3A_535 : i32
          %get3A_537 = arith.index_cast %add3A_536 : i32 to index
          %get3A_538 = arith.constant 240 : index
          %get3A_539 = tpu.vector_load %arg10[%get3A_537, %get3A_538] {strides = array<i32>} : memref<128x256xf32, #tpu.memory_space<vmem>>, vector<16xf32>,
          %mul3A_540 = arith.mulf %gather3A_104, %get3A_539 : vector<16xf32>
          %add3A_541 = arith.addf %mul3A_534, %mul3A_540 : vector<16xf32>
          %add3A_542 = arith.constant 64 : i32
          %add3A_543 = arith.addi %scan3A_98, %add3A_542 : i32
          %get3A_544 = arith.index_cast %add3A_543 : i32 to index
          %get3A_545 = arith.constant 240 : index
          %get3A_546 = tpu.vector_load %arg10[%get3A_544, %get3A_545] {strides = array<i32>} : memref<128x256xf32, #tpu.memory_space<vmem>>, vector<16xf32>,
          %mul3A_547 = arith.mulf %gather3A_108, %get3A_546 : vector<16xf32>
          %add3A_548 = arith.addf %add3A_541, %mul3A_547 : vector<16xf32>
          %add3A_549 = arith.constant 96 : i32
          %add3A_550 = arith.addi %scan3A_98, %add3A_549 : i32
          %get3A_551 = arith.index_cast %add3A_550 : i32 to index
          %get3A_552 = arith.constant 240 : index
          %get3A_553 = tpu.vector_load %arg10[%get3A_551, %get3A_552] {strides = array<i32>} : memref<128x256xf32, #tpu.memory_space<vmem>>, vector<16xf32>,
          %mul3A_554 = arith.mulf %gather3A_112, %get3A_553 : vector<16xf32>
          %add3A_555 = arith.addf %add3A_548, %mul3A_554 : vector<16xf32>
          %swap3A_556 = arith.index_cast %scan3A_98 : i32 to index
          %swap3A_557 = arith.constant 240 : index
          %swap3A_558 = tpu.vector_load %arg12[%swap3A_556, %swap3A_557] {strides = array<i32>} : memref<32x256xf32, #tpu.memory_space<vmem>>, vector<16xf32>,
          tpu.vector_store %arg12[%swap3A_556, %swap3A_557], %add3A_555 {strides = array<i32>} : memref<32x256xf32, #tpu.memory_space<vmem>>, vector<16xf32>,
        }
        %scan3A_89 = arith.constant 32 : i32
        %mul3A_90 = arith.constant 32 : i32
        %mul3A_91 = arith.muli %mul3A_53, %mul3A_90 : i32
        %add3A_92 = arith.addi %add3A, %mul3A_91 : i32
        %mul3A_93 = arith.constant 32 : i32
        %mul3A_94 = arith.muli %add3A_92, %mul3A_93 : i32
        %dma_start3A = arith.constant 0 : i32
        %dma_start3A_95 = tpu.memref_slice %arg4[%mul3A_94, %dma_start3A] : memref<196000x256xf32, #tpu.memory_space<hbm>> -> memref<32x256xf32, #tpu.memory_space<hbm>>
        %dma_start3A_96 = arith.constant 0 : i32
        %dma_start3A_97 = tpu.memref_slice %arg4[%mul3A_94, %dma_start3A_96] : memref<196000x256xf32, #tpu.memory_space<hbm>> -> memref<32x256xf32, #tpu.memory_space<hbm>>
        tpu.enqueue_dma source(%arg12 : memref<32x256xf32, #tpu.memory_space<vmem>>) target(%dma_start3A_97 : memref<32x256xf32, #tpu.memory_space<hbm>>) target_semaphore(%arg16 : memref<!tpu.dma_semaphore, #tpu.memory_space<semaphore_mem>>)
      } else {
      }
      %add3A_64 = arith.constant 2 : i32
      %add3A_65 = arith.addi %mul3A_53, %add3A_64 : i32
      %lt3A_66 = arith.cmpi slt, %add3A_65, %add3A_4 : i32
      %convert_element_type3A_67 = arith.extui %lt3A_66 : i1 to i32
      %cond3A_68 = arith.constant 0 : i32
      %cond3A_69 = arith.cmpi ne, %convert_element_type3A_67, %cond3A_68 : i32
      scf.if %cond3A_69 {
        %mul3A_76 = arith.constant 32 : i32
        %mul3A_77 = arith.muli %add3A_65, %mul3A_76 : i32
        %add3A_78 = arith.addi %add3A, %mul3A_77 : i32
        %mul3A_79 = arith.constant 32 : i32
        %mul3A_80 = arith.muli %add3A_78, %mul3A_79 : i32
        %add3A_81 = arith.constant 0 : i32
        %add3A_82 = arith.addi %mul3A_80, %add3A_81 : i32
        %iota3A = tpu.iota {dimensions = array<i32: 0>} : vector<16xi32>
        %add3A_83 = vector.broadcast %add3A_82 : i32 to vector<16xi32>
        %add3A_84 = arith.addi %add3A_83, %iota3A : vector<16xi32>
        %convert_element_type3A_85 = arith.sitofp %add3A_84 : vector<16xi32> to vector<16xf32>
        %add3A_86 = vector.broadcast %scan3A_15 : f32 to vector<16xf32>
        %add3A_87 = arith.addf %convert_element_type3A_85, %add3A_86 : vector<16xf32>
        %mul3A_88 = vector.broadcast %scan3A_16 : f32 to vector<16xf32>
        %mul3A_89 = arith.mulf %add3A_87, %mul3A_88 : vector<16xf32>
        %convert_element_type3A_90 = arith.fptosi %mul3A_89 : vector<16xf32> to vector<16xi32>
        %mul3A_91 = arith.constant 49 : i32
        %mul3A_92 = vector.broadcast %mul3A_91 : i32 to vector<16xi32>
        %mul3A_93 = arith.muli %convert_element_type3A_90, %mul3A_92 : vector<16xi32>
        %sub3A_94 = arith.subi %add3A_84, %mul3A_93 : vector<16xi32>
        %convert_element_type3A_95 = arith.sitofp %sub3A_94 : vector<16xi32> to vector<16xf32>
        %add3A_96 = vector.broadcast %scan3A_15 : f32 to vector<16xf32>
        %add3A_97 = arith.addf %convert_element_type3A_95, %add3A_96 : vector<16xf32>
        %mul3A_98 = vector.broadcast %scan3A_17 : f32 to vector<16xf32>
        %mul3A_99 = arith.mulf %add3A_97, %mul3A_98 : vector<16xf32>
        %convert_element_type3A_100 = arith.fptosi %mul3A_99 : vector<16xf32> to vector<16xi32>
        %mul3A_101 = arith.constant 7 : i32
        %mul3A_102 = vector.broadcast %mul3A_101 : i32 to vector<16xi32>
        %mul3A_103 = arith.muli %convert_element_type3A_100, %mul3A_102 : vector<16xi32>
        %sub3A_104 = arith.subi %sub3A_94, %mul3A_103 : vector<16xi32>
        %convert_element_type3A_105 = arith.sitofp %convert_element_type3A_90 : vector<16xi32> to vector<16xf32>
        %add3A_106 = vector.broadcast %scan3A_15 : f32 to vector<16xf32>
        %add3A_107 = arith.addf %convert_element_type3A_105, %add3A_106 : vector<16xf32>
        %mul3A_108 = vector.broadcast %scan3A_18 : f32 to vector<16xf32>
        %mul3A_109 = arith.mulf %add3A_107, %mul3A_108 : vector<16xf32>
        %convert_element_type3A_110 = arith.fptosi %mul3A_109 : vector<16xf32> to vector<16xi32>
        %gather3A = tpu.vector_load_idx %arg5[%convert_element_type3A_90] : memref<16000xf32, #tpu.memory_space<vmem>>[vector<16xi32>], vector<16xf32>,
        %add3A_111 = arith.constant 4000 : i32
        %add3A_112 = vector.broadcast %add3A_111 : i32 to vector<16xi32>
        %add3A_113 = arith.addi %convert_element_type3A_90, %add3A_112 : vector<16xi32>
        %gather3A_114 = tpu.vector_load_idx %arg5[%add3A_113] : memref<16000xf32, #tpu.memory_space<vmem>>[vector<16xi32>], vector<16xf32>,
        %add3A_115 = arith.constant 8000 : i32
        %add3A_116 = vector.broadcast %add3A_115 : i32 to vector<16xi32>
        %add3A_117 = arith.addi %convert_element_type3A_90, %add3A_116 : vector<16xi32>
        %gather3A_118 = tpu.vector_load_idx %arg5[%add3A_117] : memref<16000xf32, #tpu.memory_space<vmem>>[vector<16xi32>], vector<16xf32>,
        %add3A_119 = arith.constant 12000 : i32
        %add3A_120 = vector.broadcast %add3A_119 : i32 to vector<16xi32>
        %add3A_121 = arith.addi %convert_element_type3A_90, %add3A_120 : vector<16xi32>
        %gather3A_122 = tpu.vector_load_idx %arg5[%add3A_121] : memref<16000xf32, #tpu.memory_space<vmem>>[vector<16xi32>], vector<16xf32>,
        %sub3A_123 = arith.subf %gather3A_122, %gather3A_114 : vector<16xf32>
        %mul3A_124 = vector.broadcast %scan3A_19 : f32 to vector<16xf32>
        %mul3A_125 = arith.mulf %sub3A_123, %mul3A_124 : vector<16xf32>
        %sub3A_126 = arith.subf %gather3A_118, %gather3A : vector<16xf32>
        %mul3A_127 = vector.broadcast %scan3A_20 : f32 to vector<16xf32>
        %mul3A_128 = arith.mulf %sub3A_126, %mul3A_127 : vector<16xf32>
        %mul3A_129 = arith.constant 1.270000e+02 : f32
        %mul3A_130 = vector.broadcast %mul3A_129 : f32 to vector<16xf32>
        %mul3A_131 = arith.mulf %gather3A_114, %mul3A_130 : vector<16xf32>
        %convert_element_type3A_132 = arith.sitofp %convert_element_type3A_100 : vector<16xi32> to vector<16xf32>
        %mul3A_133 = arith.mulf %convert_element_type3A_132, %mul3A_125 : vector<16xf32>
        %add3A_134 = arith.addf %mul3A_131, %mul3A_133 : vector<16xf32>
        %mul3A_135 = arith.constant 1.270000e+02 : f32
        %mul3A_136 = vector.broadcast %mul3A_135 : f32 to vector<16xf32>
        %mul3A_137 = arith.mulf %gather3A, %mul3A_136 : vector<16xf32>
        %convert_element_type3A_138 = arith.sitofp %sub3A_104 : vector<16xi32> to vector<16xf32>
        %mul3A_139 = arith.mulf %convert_element_type3A_138, %mul3A_128 : vector<16xf32>
        %add3A_140 = arith.addf %mul3A_137, %mul3A_139 : vector<16xf32>
        %max3A = arith.constant 0.000000e+00 : f32
        %max3A_141 = vector.broadcast %max3A : f32 to vector<16xf32>
        %max3A_142 = arith.maximumf %add3A_134, %max3A_141 : vector<16xf32>
        %min3A = arith.constant 1.270000e+02 : f32
        %min3A_143 = vector.broadcast %min3A : f32 to vector<16xf32>
        %min3A_144 = arith.minimumf %max3A_142, %min3A_143 : vector<16xf32>
        %max3A_145 = arith.constant 0.000000e+00 : f32
        %max3A_146 = vector.broadcast %max3A_145 : f32 to vector<16xf32>
        %max3A_147 = arith.maximumf %add3A_140, %max3A_146 : vector<16xf32>
        %min3A_148 = arith.constant 1.270000e+02 : f32
        %min3A_149 = vector.broadcast %min3A_148 : f32 to vector<16xf32>
        %min3A_150 = arith.minimumf %max3A_147, %min3A_149 : vector<16xf32>
        %convert_element_type3A_151 = arith.fptosi %min3A_144 : vector<16xf32> to vector<16xi32>
        %convert_element_type3A_152 = arith.fptosi %min3A_150 : vector<16xf32> to vector<16xi32>
        %convert_element_type3A_153 = arith.sitofp %convert_element_type3A_151 : vector<16xi32> to vector<16xf32>
        %sub3A_154 = arith.subf %min3A_144, %convert_element_type3A_153 : vector<16xf32>
        %convert_element_type3A_155 = arith.sitofp %convert_element_type3A_152 : vector<16xi32> to vector<16xf32>
        %sub3A_156 = arith.subf %min3A_150, %convert_element_type3A_155 : vector<16xf32>
        %add3A_157 = arith.constant 1 : i32
        %add3A_158 = vector.broadcast %add3A_157 : i32 to vector<16xi32>
        %add3A_159 = arith.addi %convert_element_type3A_151, %add3A_158 : vector<16xi32>
        %min3A_160 = arith.constant 127 : i32
        %min3A_161 = vector.broadcast %min3A_160 : i32 to vector<16xi32>
        %min3A_162 = arith.minsi %add3A_159, %min3A_161 : vector<16xi32>
        %add3A_163 = arith.constant 1 : i32
        %add3A_164 = vector.broadcast %add3A_163 : i32 to vector<16xi32>
        %add3A_165 = arith.addi %convert_element_type3A_152, %add3A_164 : vector<16xi32>
        %min3A_166 = arith.constant 127 : i32
        %min3A_167 = vector.broadcast %min3A_166 : i32 to vector<16xi32>
        %min3A_168 = arith.minsi %add3A_165, %min3A_167 : vector<16xi32>
        %mul3A_169 = arith.constant 16384 : i32
        %mul3A_170 = vector.broadcast %mul3A_169 : i32 to vector<16xi32>
        %mul3A_171 = arith.muli %convert_element_type3A_110, %mul3A_170 : vector<16xi32>
        %mul3A_172 = arith.constant 128 : i32
        %mul3A_173 = vector.broadcast %mul3A_172 : i32 to vector<16xi32>
        %mul3A_174 = arith.muli %convert_element_type3A_151, %mul3A_173 : vector<16xi32>
        %add3A_175 = arith.addi %mul3A_171, %mul3A_174 : vector<16xi32>
        %mul3A_176 = arith.constant 16384 : i32
        %mul3A_177 = vector.broadcast %mul3A_176 : i32 to vector<16xi32>
        %mul3A_178 = arith.muli %convert_element_type3A_110, %mul3A_177 : vector<16xi32>
        %mul3A_179 = arith.constant 128 : i32
        %mul3A_180 = vector.broadcast %mul3A_179 : i32 to vector<16xi32>
        %mul3A_181 = arith.muli %min3A_162, %mul3A_180 : vector<16xi32>
        %add3A_182 = arith.addi %mul3A_178, %mul3A_181 : vector<16xi32>
        %add3A_183 = arith.addi %add3A_175, %convert_element_type3A_152 : vector<16xi32>
        %swap3A = arith.constant 0 : index
        %swap3A_184 = tpu.vector_load %arg6[%swap3A] {strides = array<i32>} : memref<128xi32, #tpu.memory_space<vmem>>, vector<16xi32>,
        tpu.vector_store %arg6[%swap3A], %add3A_183 {strides = array<i32>} : memref<128xi32, #tpu.memory_space<vmem>>, vector<16xi32>,
        %add3A_185 = arith.addi %add3A_175, %min3A_168 : vector<16xi32>
        %swap3A_186 = arith.constant 32 : index
        %swap3A_187 = tpu.vector_load %arg6[%swap3A_186] {strides = array<i32>} : memref<128xi32, #tpu.memory_space<vmem>>, vector<16xi32>,
        tpu.vector_store %arg6[%swap3A_186], %add3A_185 {strides = array<i32>} : memref<128xi32, #tpu.memory_space<vmem>>, vector<16xi32>,
        %add3A_188 = arith.addi %add3A_182, %convert_element_type3A_152 : vector<16xi32>
        %swap3A_189 = arith.constant 64 : index
        %swap3A_190 = tpu.vector_load %arg6[%swap3A_189] {strides = array<i32>} : memref<128xi32, #tpu.memory_space<vmem>>, vector<16xi32>,
        tpu.vector_store %arg6[%swap3A_189], %add3A_188 {strides = array<i32>} : memref<128xi32, #tpu.memory_space<vmem>>, vector<16xi32>,
        %add3A_191 = arith.addi %add3A_182, %min3A_168 : vector<16xi32>
        %swap3A_192 = arith.constant 96 : index
        %swap3A_193 = tpu.vector_load %arg6[%swap3A_192] {strides = array<i32>} : memref<128xi32, #tpu.memory_space<vmem>>, vector<16xi32>,
        tpu.vector_store %arg6[%swap3A_192], %add3A_191 {strides = array<i32>} : memref<128xi32, #tpu.memory_space<vmem>>, vector<16xi32>,
        %sub3A_194 = arith.constant 1.000000e+00 : f32
        %sub3A_195 = vector.broadcast %sub3A_194 : f32 to vector<16xf32>
        %sub3A_196 = arith.subf %sub3A_195, %sub3A_154 : vector<16xf32>
        %sub3A_197 = arith.constant 1.000000e+00 : f32
        %sub3A_198 = vector.broadcast %sub3A_197 : f32 to vector<16xf32>
        %sub3A_199 = arith.subf %sub3A_198, %sub3A_156 : vector<16xf32>
        %mul3A_200 = arith.mulf %sub3A_196, %sub3A_199 : vector<16xf32>
        %swap3A_201 = arith.constant 0 : index
        %swap3A_202 = tpu.vector_load %arg8[%swap3A_201] {strides = array<i32>} : memref<128xf32, #tpu.memory_space<vmem>>, vector<16xf32>,
        tpu.vector_store %arg8[%swap3A_201], %mul3A_200 {strides = array<i32>} : memref<128xf32, #tpu.memory_space<vmem>>, vector<16xf32>,
        %sub3A_203 = arith.constant 1.000000e+00 : f32
        %sub3A_204 = vector.broadcast %sub3A_203 : f32 to vector<16xf32>
        %sub3A_205 = arith.subf %sub3A_204, %sub3A_154 : vector<16xf32>
        %mul3A_206 = arith.mulf %sub3A_205, %sub3A_156 : vector<16xf32>
        %swap3A_207 = arith.constant 32 : index
        %swap3A_208 = tpu.vector_load %arg8[%swap3A_207] {strides = array<i32>} : memref<128xf32, #tpu.memory_space<vmem>>, vector<16xf32>,
        tpu.vector_store %arg8[%swap3A_207], %mul3A_206 {strides = array<i32>} : memref<128xf32, #tpu.memory_space<vmem>>, vector<16xf32>,
        %sub3A_209 = arith.constant 1.000000e+00 : f32
        %sub3A_210 = vector.broadcast %sub3A_209 : f32 to vector<16xf32>
        %sub3A_211 = arith.subf %sub3A_210, %sub3A_156 : vector<16xf32>
        %mul3A_212 = arith.mulf %sub3A_154, %sub3A_211 : vector<16xf32>
        %swap3A_213 = arith.constant 64 : index
        %swap3A_214 = tpu.vector_load %arg8[%swap3A_213] {strides = array<i32>} : memref<128xf32, #tpu.memory_space<vmem>>, vector<16xf32>,
        tpu.vector_store %arg8[%swap3A_213], %mul3A_212 {strides = array<i32>} : memref<128xf32, #tpu.memory_space<vmem>>, vector<16xf32>,
        %mul3A_215 = arith.mulf %sub3A_154, %sub3A_156 : vector<16xf32>
        %swap3A_216 = arith.constant 96 : index
        %swap3A_217 = tpu.vector_load %arg8[%swap3A_216] {strides = array<i32>} : memref<128xf32, #tpu.memory_space<vmem>>, vector<16xf32>,
        tpu.vector_store %arg8[%swap3A_216], %mul3A_215 {strides = array<i32>} : memref<128xf32, #tpu.memory_space<vmem>>, vector<16xf32>,
        %mul3A_218 = arith.constant 32 : i32
        %mul3A_219 = arith.muli %add3A_78, %mul3A_218 : i32
        %add3A_220 = arith.constant 16 : i32
        %add3A_221 = arith.addi %mul3A_219, %add3A_220 : i32
        %iota3A_222 = tpu.iota {dimensions = array<i32: 0>} : vector<16xi32>
        %add3A_223 = vector.broadcast %add3A_221 : i32 to vector<16xi32>
        %add3A_224 = arith.addi %add3A_223, %iota3A_222 : vector<16xi32>
        %convert_element_type3A_225 = arith.sitofp %add3A_224 : vector<16xi32> to vector<16xf32>
        %add3A_226 = vector.broadcast %scan3A_15 : f32 to vector<16xf32>
        %add3A_227 = arith.addf %convert_element_type3A_225, %add3A_226 : vector<16xf32>
        %mul3A_228 = vector.broadcast %scan3A_16 : f32 to vector<16xf32>
        %mul3A_229 = arith.mulf %add3A_227, %mul3A_228 : vector<16xf32>
        %convert_element_type3A_230 = arith.fptosi %mul3A_229 : vector<16xf32> to vector<16xi32>
        %mul3A_231 = arith.constant 49 : i32
        %mul3A_232 = vector.broadcast %mul3A_231 : i32 to vector<16xi32>
        %mul3A_233 = arith.muli %convert_element_type3A_230, %mul3A_232 : vector<16xi32>
        %sub3A_234 = arith.subi %add3A_224, %mul3A_233 : vector<16xi32>
        %convert_element_type3A_235 = arith.sitofp %sub3A_234 : vector<16xi32> to vector<16xf32>
        %add3A_236 = vector.broadcast %scan3A_15 : f32 to vector<16xf32>
        %add3A_237 = arith.addf %convert_element_type3A_235, %add3A_236 : vector<16xf32>
        %mul3A_238 = vector.broadcast %scan3A_17 : f32 to vector<16xf32>
        %mul3A_239 = arith.mulf %add3A_237, %mul3A_238 : vector<16xf32>
        %convert_element_type3A_240 = arith.fptosi %mul3A_239 : vector<16xf32> to vector<16xi32>
        %mul3A_241 = arith.constant 7 : i32
        %mul3A_242 = vector.broadcast %mul3A_241 : i32 to vector<16xi32>
        %mul3A_243 = arith.muli %convert_element_type3A_240, %mul3A_242 : vector<16xi32>
        %sub3A_244 = arith.subi %sub3A_234, %mul3A_243 : vector<16xi32>
        %convert_element_type3A_245 = arith.sitofp %convert_element_type3A_230 : vector<16xi32> to vector<16xf32>
        %add3A_246 = vector.broadcast %scan3A_15 : f32 to vector<16xf32>
        %add3A_247 = arith.addf %convert_element_type3A_245, %add3A_246 : vector<16xf32>
        %mul3A_248 = vector.broadcast %scan3A_18 : f32 to vector<16xf32>
        %mul3A_249 = arith.mulf %add3A_247, %mul3A_248 : vector<16xf32>
        %convert_element_type3A_250 = arith.fptosi %mul3A_249 : vector<16xf32> to vector<16xi32>
        %gather3A_251 = tpu.vector_load_idx %arg5[%convert_element_type3A_230] : memref<16000xf32, #tpu.memory_space<vmem>>[vector<16xi32>], vector<16xf32>,
        %add3A_252 = arith.constant 4000 : i32
        %add3A_253 = vector.broadcast %add3A_252 : i32 to vector<16xi32>
        %add3A_254 = arith.addi %convert_element_type3A_230, %add3A_253 : vector<16xi32>
        %gather3A_255 = tpu.vector_load_idx %arg5[%add3A_254] : memref<16000xf32, #tpu.memory_space<vmem>>[vector<16xi32>], vector<16xf32>,
        %add3A_256 = arith.constant 8000 : i32
        %add3A_257 = vector.broadcast %add3A_256 : i32 to vector<16xi32>
        %add3A_258 = arith.addi %convert_element_type3A_230, %add3A_257 : vector<16xi32>
        %gather3A_259 = tpu.vector_load_idx %arg5[%add3A_258] : memref<16000xf32, #tpu.memory_space<vmem>>[vector<16xi32>], vector<16xf32>,
        %add3A_260 = arith.constant 12000 : i32
        %add3A_261 = vector.broadcast %add3A_260 : i32 to vector<16xi32>
        %add3A_262 = arith.addi %convert_element_type3A_230, %add3A_261 : vector<16xi32>
        %gather3A_263 = tpu.vector_load_idx %arg5[%add3A_262] : memref<16000xf32, #tpu.memory_space<vmem>>[vector<16xi32>], vector<16xf32>,
        %sub3A_264 = arith.subf %gather3A_263, %gather3A_255 : vector<16xf32>
        %mul3A_265 = vector.broadcast %scan3A_19 : f32 to vector<16xf32>
        %mul3A_266 = arith.mulf %sub3A_264, %mul3A_265 : vector<16xf32>
        %sub3A_267 = arith.subf %gather3A_259, %gather3A_251 : vector<16xf32>
        %mul3A_268 = vector.broadcast %scan3A_20 : f32 to vector<16xf32>
        %mul3A_269 = arith.mulf %sub3A_267, %mul3A_268 : vector<16xf32>
        %mul3A_270 = arith.constant 1.270000e+02 : f32
        %mul3A_271 = vector.broadcast %mul3A_270 : f32 to vector<16xf32>
        %mul3A_272 = arith.mulf %gather3A_255, %mul3A_271 : vector<16xf32>
        %convert_element_type3A_273 = arith.sitofp %convert_element_type3A_240 : vector<16xi32> to vector<16xf32>
        %mul3A_274 = arith.mulf %convert_element_type3A_273, %mul3A_266 : vector<16xf32>
        %add3A_275 = arith.addf %mul3A_272, %mul3A_274 : vector<16xf32>
        %mul3A_276 = arith.constant 1.270000e+02 : f32
        %mul3A_277 = vector.broadcast %mul3A_276 : f32 to vector<16xf32>
        %mul3A_278 = arith.mulf %gather3A_251, %mul3A_277 : vector<16xf32>
        %convert_element_type3A_279 = arith.sitofp %sub3A_244 : vector<16xi32> to vector<16xf32>
        %mul3A_280 = arith.mulf %convert_element_type3A_279, %mul3A_269 : vector<16xf32>
        %add3A_281 = arith.addf %mul3A_278, %mul3A_280 : vector<16xf32>
        %max3A_282 = arith.constant 0.000000e+00 : f32
        %max3A_283 = vector.broadcast %max3A_282 : f32 to vector<16xf32>
        %max3A_284 = arith.maximumf %add3A_275, %max3A_283 : vector<16xf32>
        %min3A_285 = arith.constant 1.270000e+02 : f32
        %min3A_286 = vector.broadcast %min3A_285 : f32 to vector<16xf32>
        %min3A_287 = arith.minimumf %max3A_284, %min3A_286 : vector<16xf32>
        %max3A_288 = arith.constant 0.000000e+00 : f32
        %max3A_289 = vector.broadcast %max3A_288 : f32 to vector<16xf32>
        %max3A_290 = arith.maximumf %add3A_281, %max3A_289 : vector<16xf32>
        %min3A_291 = arith.constant 1.270000e+02 : f32
        %min3A_292 = vector.broadcast %min3A_291 : f32 to vector<16xf32>
        %min3A_293 = arith.minimumf %max3A_290, %min3A_292 : vector<16xf32>
        %convert_element_type3A_294 = arith.fptosi %min3A_287 : vector<16xf32> to vector<16xi32>
        %convert_element_type3A_295 = arith.fptosi %min3A_293 : vector<16xf32> to vector<16xi32>
        %convert_element_type3A_296 = arith.sitofp %convert_element_type3A_294 : vector<16xi32> to vector<16xf32>
        %sub3A_297 = arith.subf %min3A_287, %convert_element_type3A_296 : vector<16xf32>
        %convert_element_type3A_298 = arith.sitofp %convert_element_type3A_295 : vector<16xi32> to vector<16xf32>
        %sub3A_299 = arith.subf %min3A_293, %convert_element_type3A_298 : vector<16xf32>
        %add3A_300 = arith.constant 1 : i32
        %add3A_301 = vector.broadcast %add3A_300 : i32 to vector<16xi32>
        %add3A_302 = arith.addi %convert_element_type3A_294, %add3A_301 : vector<16xi32>
        %min3A_303 = arith.constant 127 : i32
        %min3A_304 = vector.broadcast %min3A_303 : i32 to vector<16xi32>
        %min3A_305 = arith.minsi %add3A_302, %min3A_304 : vector<16xi32>
        %add3A_306 = arith.constant 1 : i32
        %add3A_307 = vector.broadcast %add3A_306 : i32 to vector<16xi32>
        %add3A_308 = arith.addi %convert_element_type3A_295, %add3A_307 : vector<16xi32>
        %min3A_309 = arith.constant 127 : i32
        %min3A_310 = vector.broadcast %min3A_309 : i32 to vector<16xi32>
        %min3A_311 = arith.minsi %add3A_308, %min3A_310 : vector<16xi32>
        %mul3A_312 = arith.constant 16384 : i32
        %mul3A_313 = vector.broadcast %mul3A_312 : i32 to vector<16xi32>
        %mul3A_314 = arith.muli %convert_element_type3A_250, %mul3A_313 : vector<16xi32>
        %mul3A_315 = arith.constant 128 : i32
        %mul3A_316 = vector.broadcast %mul3A_315 : i32 to vector<16xi32>
        %mul3A_317 = arith.muli %convert_element_type3A_294, %mul3A_316 : vector<16xi32>
        %add3A_318 = arith.addi %mul3A_314, %mul3A_317 : vector<16xi32>
        %mul3A_319 = arith.constant 16384 : i32
        %mul3A_320 = vector.broadcast %mul3A_319 : i32 to vector<16xi32>
        %mul3A_321 = arith.muli %convert_element_type3A_250, %mul3A_320 : vector<16xi32>
        %mul3A_322 = arith.constant 128 : i32
        %mul3A_323 = vector.broadcast %mul3A_322 : i32 to vector<16xi32>
        %mul3A_324 = arith.muli %min3A_305, %mul3A_323 : vector<16xi32>
        %add3A_325 = arith.addi %mul3A_321, %mul3A_324 : vector<16xi32>
        %add3A_326 = arith.addi %add3A_318, %convert_element_type3A_295 : vector<16xi32>
        %swap3A_327 = arith.constant 16 : index
        %swap3A_328 = tpu.vector_load %arg6[%swap3A_327] {strides = array<i32>} : memref<128xi32, #tpu.memory_space<vmem>>, vector<16xi32>,
        tpu.vector_store %arg6[%swap3A_327], %add3A_326 {strides = array<i32>} : memref<128xi32, #tpu.memory_space<vmem>>, vector<16xi32>,
        %add3A_329 = arith.addi %add3A_318, %min3A_311 : vector<16xi32>
        %swap3A_330 = arith.constant 48 : index
        %swap3A_331 = tpu.vector_load %arg6[%swap3A_330] {strides = array<i32>} : memref<128xi32, #tpu.memory_space<vmem>>, vector<16xi32>,
        tpu.vector_store %arg6[%swap3A_330], %add3A_329 {strides = array<i32>} : memref<128xi32, #tpu.memory_space<vmem>>, vector<16xi32>,
        %add3A_332 = arith.addi %add3A_325, %convert_element_type3A_295 : vector<16xi32>
        %swap3A_333 = arith.constant 80 : index
        %swap3A_334 = tpu.vector_load %arg6[%swap3A_333] {strides = array<i32>} : memref<128xi32, #tpu.memory_space<vmem>>, vector<16xi32>,
        tpu.vector_store %arg6[%swap3A_333], %add3A_332 {strides = array<i32>} : memref<128xi32, #tpu.memory_space<vmem>>, vector<16xi32>,
        %add3A_335 = arith.addi %add3A_325, %min3A_311 : vector<16xi32>
        %swap3A_336 = arith.constant 112 : index
        %swap3A_337 = tpu.vector_load %arg6[%swap3A_336] {strides = array<i32>} : memref<128xi32, #tpu.memory_space<vmem>>, vector<16xi32>,
        tpu.vector_store %arg6[%swap3A_336], %add3A_335 {strides = array<i32>} : memref<128xi32, #tpu.memory_space<vmem>>, vector<16xi32>,
        %sub3A_338 = arith.constant 1.000000e+00 : f32
        %sub3A_339 = vector.broadcast %sub3A_338 : f32 to vector<16xf32>
        %sub3A_340 = arith.subf %sub3A_339, %sub3A_297 : vector<16xf32>
        %sub3A_341 = arith.constant 1.000000e+00 : f32
        %sub3A_342 = vector.broadcast %sub3A_341 : f32 to vector<16xf32>
        %sub3A_343 = arith.subf %sub3A_342, %sub3A_299 : vector<16xf32>
        %mul3A_344 = arith.mulf %sub3A_340, %sub3A_343 : vector<16xf32>
        %swap3A_345 = arith.constant 16 : index
        %swap3A_346 = tpu.vector_load %arg8[%swap3A_345] {strides = array<i32>} : memref<128xf32, #tpu.memory_space<vmem>>, vector<16xf32>,
        tpu.vector_store %arg8[%swap3A_345], %mul3A_344 {strides = array<i32>} : memref<128xf32, #tpu.memory_space<vmem>>, vector<16xf32>,
        %sub3A_347 = arith.constant 1.000000e+00 : f32
        %sub3A_348 = vector.broadcast %sub3A_347 : f32 to vector<16xf32>
        %sub3A_349 = arith.subf %sub3A_348, %sub3A_297 : vector<16xf32>
        %mul3A_350 = arith.mulf %sub3A_349, %sub3A_299 : vector<16xf32>
        %swap3A_351 = arith.constant 48 : index
        %swap3A_352 = tpu.vector_load %arg8[%swap3A_351] {strides = array<i32>} : memref<128xf32, #tpu.memory_space<vmem>>, vector<16xf32>,
        tpu.vector_store %arg8[%swap3A_351], %mul3A_350 {strides = array<i32>} : memref<128xf32, #tpu.memory_space<vmem>>, vector<16xf32>,
        %sub3A_353 = arith.constant 1.000000e+00 : f32
        %sub3A_354 = vector.broadcast %sub3A_353 : f32 to vector<16xf32>
        %sub3A_355 = arith.subf %sub3A_354, %sub3A_299 : vector<16xf32>
        %mul3A_356 = arith.mulf %sub3A_297, %sub3A_355 : vector<16xf32>
        %swap3A_357 = arith.constant 80 : index
        %swap3A_358 = tpu.vector_load %arg8[%swap3A_357] {strides = array<i32>} : memref<128xf32, #tpu.memory_space<vmem>>, vector<16xf32>,
        tpu.vector_store %arg8[%swap3A_357], %mul3A_356 {strides = array<i32>} : memref<128xf32, #tpu.memory_space<vmem>>, vector<16xf32>,
        %mul3A_359 = arith.mulf %sub3A_297, %sub3A_299 : vector<16xf32>
        %swap3A_360 = arith.constant 112 : index
        %swap3A_361 = tpu.vector_load %arg8[%swap3A_360] {strides = array<i32>} : memref<128xf32, #tpu.memory_space<vmem>>, vector<16xf32>,
        tpu.vector_store %arg8[%swap3A_360], %mul3A_359 {strides = array<i32>} : memref<128xf32, #tpu.memory_space<vmem>>, vector<16xf32>,
        %dma_start3A = arith.constant 0 : i32
        %dma_start3A_362 = arith.constant 0 : i32
        %dma_start3A_363 = tpu.memref_slice %arg2[%dma_start3A, %dma_start3A_362] : memref<65536x256xf32, #tpu.memory_space<hbm>> -> memref<65536x256xf32, #tpu.memory_space<hbm>>
        tpu.enqueue_indirect_dma source(%dma_start3A_363 : memref<65536x256xf32, #tpu.memory_space<hbm>>) target(%arg10 : memref<128x256xf32, #tpu.memory_space<vmem>>) offsets(%arg6 : memref<128xi32, #tpu.memory_space<vmem>>) semaphore(%arg14 : memref<!tpu.dma_semaphore, #tpu.memory_space<semaphore_mem>>)
      } else {
      }
      %add3A_70 = arith.constant 1 : i32
      %add3A_71 = arith.addi %mul3A_53, %add3A_70 : i32
      %lt3A_72 = arith.cmpi slt, %add3A_71, %add3A_4 : i32
      %convert_element_type3A_73 = arith.extui %lt3A_72 : i1 to i32
      %cond3A_74 = arith.constant 0 : i32
      %cond3A_75 = arith.cmpi ne, %convert_element_type3A_73, %cond3A_74 : i32
      scf.if %cond3A_75 {
        %dma_wait3A = arith.constant 0 : i32
        %dma_wait3A_76 = arith.constant 0 : i32
        %dma_wait3A_77 = tpu.memref_slice %arg2[%dma_wait3A, %dma_wait3A_76] : memref<65536x256xf32, #tpu.memory_space<hbm>> -> memref<65536x256xf32, #tpu.memory_space<hbm>>
        tpu.wait_indirect_dma semaphore(%arg15 : memref<!tpu.dma_semaphore, #tpu.memory_space<semaphore_mem>>) src(%dma_wait3A_77 : memref<65536x256xf32, #tpu.memory_space<hbm>>) dst(%arg11 : memref<128x256xf32, #tpu.memory_space<vmem>>)
        %ge3A_78 = arith.constant 2 : i32
        %ge3A_79 = arith.cmpi sge, %add3A_71, %ge3A_78 : i32
        %convert_element_type3A_80 = arith.extui %ge3A_79 : i1 to i32
        %cond3A_81 = arith.constant 0 : i32
        %cond3A_82 = arith.cmpi ne, %convert_element_type3A_80, %cond3A_81 : i32
        scf.if %cond3A_82 {
          %sub3A_98 = arith.constant 2 : i32
          %sub3A_99 = arith.subi %add3A_71, %sub3A_98 : i32
          %mul3A_100 = arith.constant 32 : i32
          %mul3A_101 = arith.muli %sub3A_99, %mul3A_100 : i32
          %add3A_102 = arith.addi %add3A, %mul3A_101 : i32
          %mul3A_103 = arith.constant 32 : i32
          %mul3A_104 = arith.muli %add3A_102, %mul3A_103 : i32
          %dma_wait3A_105 = arith.constant 0 : i32
          %dma_wait3A_106 = tpu.memref_slice %arg4[%mul3A_104, %dma_wait3A_105] : memref<196000x256xf32, #tpu.memory_space<hbm>> -> memref<32x256xf32, #tpu.memory_space<hbm>>
          %dma_wait3A_107 = arith.constant 0 : i32
          %dma_wait3A_108 = tpu.memref_slice %arg4[%mul3A_104, %dma_wait3A_107] : memref<196000x256xf32, #tpu.memory_space<hbm>> -> memref<32x256xf32, #tpu.memory_space<hbm>>
          tpu.wait_dma2 semaphore(%arg17 : memref<!tpu.dma_semaphore, #tpu.memory_space<semaphore_mem>>) src(%arg13 : memref<32x256xf32, #tpu.memory_space<vmem>>) dst(%dma_wait3A_108 : memref<32x256xf32, #tpu.memory_space<hbm>>)
        } else {
        }
        %broadcast_in_dim3A = arith.constant 0 : i32
        %broadcast_in_dim3A_83 = vector.broadcast %broadcast_in_dim3A : i32 to vector<16xi32>
        %scan3A_84 = arith.constant 0 : i32
        %scan3A_85 = arith.constant 0 : i32
        %scan3A_86 = arith.constant 32 : i32
        %scan3A_87 = arith.addi %scan3A_85, %scan3A_86 : i32
        %scan3A_88 = arith.constant 1 : i32
        scf.for %scan3A_98 = %scan3A_85 to %scan3A_87 step %scan3A_88  : i32 {
          %add3A_99 = vector.broadcast %scan3A_98 : i32 to vector<16xi32>
          %add3A_100 = arith.addi %broadcast_in_dim3A_83, %add3A_99 : vector<16xi32>
          %gather3A = tpu.vector_load_idx %arg9[%add3A_100] : memref<128xf32, #tpu.memory_space<vmem>>[vector<16xi32>], vector<16xf32>,
          %add3A_101 = arith.constant 32 : i32
          %add3A_102 = vector.broadcast %add3A_101 : i32 to vector<16xi32>
          %add3A_103 = arith.addi %add3A_100, %add3A_102 : vector<16xi32>
          %gather3A_104 = tpu.vector_load_idx %arg9[%add3A_103] : memref<128xf32, #tpu.memory_space<vmem>>[vector<16xi32>], vector<16xf32>,
          %add3A_105 = arith.constant 64 : i32
          %add3A_106 = vector.broadcast %add3A_105 : i32 to vector<16xi32>
          %add3A_107 = arith.addi %add3A_100, %add3A_106 : vector<16xi32>
          %gather3A_108 = tpu.vector_load_idx %arg9[%add3A_107] : memref<128xf32, #tpu.memory_space<vmem>>[vector<16xi32>], vector<16xf32>,
          %add3A_109 = arith.constant 96 : i32
          %add3A_110 = vector.broadcast %add3A_109 : i32 to vector<16xi32>
          %add3A_111 = arith.addi %add3A_100, %add3A_110 : vector<16xi32>
          %gather3A_112 = tpu.vector_load_idx %arg9[%add3A_111] : memref<128xf32, #tpu.memory_space<vmem>>[vector<16xi32>], vector<16xf32>,
          %get3A = arith.index_cast %scan3A_98 : i32 to index
          %get3A_113 = arith.constant 0 : index
          %get3A_114 = tpu.vector_load %arg11[%get3A, %get3A_113] {strides = array<i32>} : memref<128x256xf32, #tpu.memory_space<vmem>>, vector<16xf32>,
          %mul3A_115 = arith.mulf %gather3A, %get3A_114 : vector<16xf32>
          %add3A_116 = arith.constant 32 : i32
          %add3A_117 = arith.addi %scan3A_98, %add3A_116 : i32
          %get3A_118 = arith.index_cast %add3A_117 : i32 to index
          %get3A_119 = arith.constant 0 : index
          %get3A_120 = tpu.vector_load %arg11[%get3A_118, %get3A_119] {strides = array<i32>} : memref<128x256xf32, #tpu.memory_space<vmem>>, vector<16xf32>,
          %mul3A_121 = arith.mulf %gather3A_104, %get3A_120 : vector<16xf32>
          %add3A_122 = arith.addf %mul3A_115, %mul3A_121 : vector<16xf32>
          %add3A_123 = arith.constant 64 : i32
          %add3A_124 = arith.addi %scan3A_98, %add3A_123 : i32
          %get3A_125 = arith.index_cast %add3A_124 : i32 to index
          %get3A_126 = arith.constant 0 : index
          %get3A_127 = tpu.vector_load %arg11[%get3A_125, %get3A_126] {strides = array<i32>} : memref<128x256xf32, #tpu.memory_space<vmem>>, vector<16xf32>,
          %mul3A_128 = arith.mulf %gather3A_108, %get3A_127 : vector<16xf32>
          %add3A_129 = arith.addf %add3A_122, %mul3A_128 : vector<16xf32>
          %add3A_130 = arith.constant 96 : i32
          %add3A_131 = arith.addi %scan3A_98, %add3A_130 : i32
          %get3A_132 = arith.index_cast %add3A_131 : i32 to index
          %get3A_133 = arith.constant 0 : index
          %get3A_134 = tpu.vector_load %arg11[%get3A_132, %get3A_133] {strides = array<i32>} : memref<128x256xf32, #tpu.memory_space<vmem>>, vector<16xf32>,
          %mul3A_135 = arith.mulf %gather3A_112, %get3A_134 : vector<16xf32>
          %add3A_136 = arith.addf %add3A_129, %mul3A_135 : vector<16xf32>
          %swap3A = arith.index_cast %scan3A_98 : i32 to index
          %swap3A_137 = arith.constant 0 : index
          %swap3A_138 = tpu.vector_load %arg13[%swap3A, %swap3A_137] {strides = array<i32>} : memref<32x256xf32, #tpu.memory_space<vmem>>, vector<16xf32>,
          tpu.vector_store %arg13[%swap3A, %swap3A_137], %add3A_136 {strides = array<i32>} : memref<32x256xf32, #tpu.memory_space<vmem>>, vector<16xf32>,
          %get3A_139 = arith.index_cast %scan3A_98 : i32 to index
          %get3A_140 = arith.constant 16 : index
          %get3A_141 = tpu.vector_load %arg11[%get3A_139, %get3A_140] {strides = array<i32>} : memref<128x256xf32, #tpu.memory_space<vmem>>, vector<16xf32>,
          %mul3A_142 = arith.mulf %gather3A, %get3A_141 : vector<16xf32>
          %add3A_143 = arith.constant 32 : i32
          %add3A_144 = arith.addi %scan3A_98, %add3A_143 : i32
          %get3A_145 = arith.index_cast %add3A_144 : i32 to index
          %get3A_146 = arith.constant 16 : index
          %get3A_147 = tpu.vector_load %arg11[%get3A_145, %get3A_146] {strides = array<i32>} : memref<128x256xf32, #tpu.memory_space<vmem>>, vector<16xf32>,
          %mul3A_148 = arith.mulf %gather3A_104, %get3A_147 : vector<16xf32>
          %add3A_149 = arith.addf %mul3A_142, %mul3A_148 : vector<16xf32>
          %add3A_150 = arith.constant 64 : i32
          %add3A_151 = arith.addi %scan3A_98, %add3A_150 : i32
          %get3A_152 = arith.index_cast %add3A_151 : i32 to index
          %get3A_153 = arith.constant 16 : index
          %get3A_154 = tpu.vector_load %arg11[%get3A_152, %get3A_153] {strides = array<i32>} : memref<128x256xf32, #tpu.memory_space<vmem>>, vector<16xf32>,
          %mul3A_155 = arith.mulf %gather3A_108, %get3A_154 : vector<16xf32>
          %add3A_156 = arith.addf %add3A_149, %mul3A_155 : vector<16xf32>
          %add3A_157 = arith.constant 96 : i32
          %add3A_158 = arith.addi %scan3A_98, %add3A_157 : i32
          %get3A_159 = arith.index_cast %add3A_158 : i32 to index
          %get3A_160 = arith.constant 16 : index
          %get3A_161 = tpu.vector_load %arg11[%get3A_159, %get3A_160] {strides = array<i32>} : memref<128x256xf32, #tpu.memory_space<vmem>>, vector<16xf32>,
          %mul3A_162 = arith.mulf %gather3A_112, %get3A_161 : vector<16xf32>
          %add3A_163 = arith.addf %add3A_156, %mul3A_162 : vector<16xf32>
          %swap3A_164 = arith.index_cast %scan3A_98 : i32 to index
          %swap3A_165 = arith.constant 16 : index
          %swap3A_166 = tpu.vector_load %arg13[%swap3A_164, %swap3A_165] {strides = array<i32>} : memref<32x256xf32, #tpu.memory_space<vmem>>, vector<16xf32>,
          tpu.vector_store %arg13[%swap3A_164, %swap3A_165], %add3A_163 {strides = array<i32>} : memref<32x256xf32, #tpu.memory_space<vmem>>, vector<16xf32>,
          %get3A_167 = arith.index_cast %scan3A_98 : i32 to index
          %get3A_168 = arith.constant 32 : index
          %get3A_169 = tpu.vector_load %arg11[%get3A_167, %get3A_168] {strides = array<i32>} : memref<128x256xf32, #tpu.memory_space<vmem>>, vector<16xf32>,
          %mul3A_170 = arith.mulf %gather3A, %get3A_169 : vector<16xf32>
          %add3A_171 = arith.constant 32 : i32
          %add3A_172 = arith.addi %scan3A_98, %add3A_171 : i32
          %get3A_173 = arith.index_cast %add3A_172 : i32 to index
          %get3A_174 = arith.constant 32 : index
          %get3A_175 = tpu.vector_load %arg11[%get3A_173, %get3A_174] {strides = array<i32>} : memref<128x256xf32, #tpu.memory_space<vmem>>, vector<16xf32>,
          %mul3A_176 = arith.mulf %gather3A_104, %get3A_175 : vector<16xf32>
          %add3A_177 = arith.addf %mul3A_170, %mul3A_176 : vector<16xf32>
          %add3A_178 = arith.constant 64 : i32
          %add3A_179 = arith.addi %scan3A_98, %add3A_178 : i32
          %get3A_180 = arith.index_cast %add3A_179 : i32 to index
          %get3A_181 = arith.constant 32 : index
          %get3A_182 = tpu.vector_load %arg11[%get3A_180, %get3A_181] {strides = array<i32>} : memref<128x256xf32, #tpu.memory_space<vmem>>, vector<16xf32>,
          %mul3A_183 = arith.mulf %gather3A_108, %get3A_182 : vector<16xf32>
          %add3A_184 = arith.addf %add3A_177, %mul3A_183 : vector<16xf32>
          %add3A_185 = arith.constant 96 : i32
          %add3A_186 = arith.addi %scan3A_98, %add3A_185 : i32
          %get3A_187 = arith.index_cast %add3A_186 : i32 to index
          %get3A_188 = arith.constant 32 : index
          %get3A_189 = tpu.vector_load %arg11[%get3A_187, %get3A_188] {strides = array<i32>} : memref<128x256xf32, #tpu.memory_space<vmem>>, vector<16xf32>,
          %mul3A_190 = arith.mulf %gather3A_112, %get3A_189 : vector<16xf32>
          %add3A_191 = arith.addf %add3A_184, %mul3A_190 : vector<16xf32>
          %swap3A_192 = arith.index_cast %scan3A_98 : i32 to index
          %swap3A_193 = arith.constant 32 : index
          %swap3A_194 = tpu.vector_load %arg13[%swap3A_192, %swap3A_193] {strides = array<i32>} : memref<32x256xf32, #tpu.memory_space<vmem>>, vector<16xf32>,
          tpu.vector_store %arg13[%swap3A_192, %swap3A_193], %add3A_191 {strides = array<i32>} : memref<32x256xf32, #tpu.memory_space<vmem>>, vector<16xf32>,
          %get3A_195 = arith.index_cast %scan3A_98 : i32 to index
          %get3A_196 = arith.constant 48 : index
          %get3A_197 = tpu.vector_load %arg11[%get3A_195, %get3A_196] {strides = array<i32>} : memref<128x256xf32, #tpu.memory_space<vmem>>, vector<16xf32>,
          %mul3A_198 = arith.mulf %gather3A, %get3A_197 : vector<16xf32>
          %add3A_199 = arith.constant 32 : i32
          %add3A_200 = arith.addi %scan3A_98, %add3A_199 : i32
          %get3A_201 = arith.index_cast %add3A_200 : i32 to index
          %get3A_202 = arith.constant 48 : index
          %get3A_203 = tpu.vector_load %arg11[%get3A_201, %get3A_202] {strides = array<i32>} : memref<128x256xf32, #tpu.memory_space<vmem>>, vector<16xf32>,
          %mul3A_204 = arith.mulf %gather3A_104, %get3A_203 : vector<16xf32>
          %add3A_205 = arith.addf %mul3A_198, %mul3A_204 : vector<16xf32>
          %add3A_206 = arith.constant 64 : i32
          %add3A_207 = arith.addi %scan3A_98, %add3A_206 : i32
          %get3A_208 = arith.index_cast %add3A_207 : i32 to index
          %get3A_209 = arith.constant 48 : index
          %get3A_210 = tpu.vector_load %arg11[%get3A_208, %get3A_209] {strides = array<i32>} : memref<128x256xf32, #tpu.memory_space<vmem>>, vector<16xf32>,
          %mul3A_211 = arith.mulf %gather3A_108, %get3A_210 : vector<16xf32>
          %add3A_212 = arith.addf %add3A_205, %mul3A_211 : vector<16xf32>
          %add3A_213 = arith.constant 96 : i32
          %add3A_214 = arith.addi %scan3A_98, %add3A_213 : i32
          %get3A_215 = arith.index_cast %add3A_214 : i32 to index
          %get3A_216 = arith.constant 48 : index
          %get3A_217 = tpu.vector_load %arg11[%get3A_215, %get3A_216] {strides = array<i32>} : memref<128x256xf32, #tpu.memory_space<vmem>>, vector<16xf32>,
          %mul3A_218 = arith.mulf %gather3A_112, %get3A_217 : vector<16xf32>
          %add3A_219 = arith.addf %add3A_212, %mul3A_218 : vector<16xf32>
          %swap3A_220 = arith.index_cast %scan3A_98 : i32 to index
          %swap3A_221 = arith.constant 48 : index
          %swap3A_222 = tpu.vector_load %arg13[%swap3A_220, %swap3A_221] {strides = array<i32>} : memref<32x256xf32, #tpu.memory_space<vmem>>, vector<16xf32>,
          tpu.vector_store %arg13[%swap3A_220, %swap3A_221], %add3A_219 {strides = array<i32>} : memref<32x256xf32, #tpu.memory_space<vmem>>, vector<16xf32>,
          %get3A_223 = arith.index_cast %scan3A_98 : i32 to index
          %get3A_224 = arith.constant 64 : index
          %get3A_225 = tpu.vector_load %arg11[%get3A_223, %get3A_224] {strides = array<i32>} : memref<128x256xf32, #tpu.memory_space<vmem>>, vector<16xf32>,
          %mul3A_226 = arith.mulf %gather3A, %get3A_225 : vector<16xf32>
          %add3A_227 = arith.constant 32 : i32
          %add3A_228 = arith.addi %scan3A_98, %add3A_227 : i32
          %get3A_229 = arith.index_cast %add3A_228 : i32 to index
          %get3A_230 = arith.constant 64 : index
          %get3A_231 = tpu.vector_load %arg11[%get3A_229, %get3A_230] {strides = array<i32>} : memref<128x256xf32, #tpu.memory_space<vmem>>, vector<16xf32>,
          %mul3A_232 = arith.mulf %gather3A_104, %get3A_231 : vector<16xf32>
          %add3A_233 = arith.addf %mul3A_226, %mul3A_232 : vector<16xf32>
          %add3A_234 = arith.constant 64 : i32
          %add3A_235 = arith.addi %scan3A_98, %add3A_234 : i32
          %get3A_236 = arith.index_cast %add3A_235 : i32 to index
          %get3A_237 = arith.constant 64 : index
          %get3A_238 = tpu.vector_load %arg11[%get3A_236, %get3A_237] {strides = array<i32>} : memref<128x256xf32, #tpu.memory_space<vmem>>, vector<16xf32>,
          %mul3A_239 = arith.mulf %gather3A_108, %get3A_238 : vector<16xf32>
          %add3A_240 = arith.addf %add3A_233, %mul3A_239 : vector<16xf32>
          %add3A_241 = arith.constant 96 : i32
          %add3A_242 = arith.addi %scan3A_98, %add3A_241 : i32
          %get3A_243 = arith.index_cast %add3A_242 : i32 to index
          %get3A_244 = arith.constant 64 : index
          %get3A_245 = tpu.vector_load %arg11[%get3A_243, %get3A_244] {strides = array<i32>} : memref<128x256xf32, #tpu.memory_space<vmem>>, vector<16xf32>,
          %mul3A_246 = arith.mulf %gather3A_112, %get3A_245 : vector<16xf32>
          %add3A_247 = arith.addf %add3A_240, %mul3A_246 : vector<16xf32>
          %swap3A_248 = arith.index_cast %scan3A_98 : i32 to index
          %swap3A_249 = arith.constant 64 : index
          %swap3A_250 = tpu.vector_load %arg13[%swap3A_248, %swap3A_249] {strides = array<i32>} : memref<32x256xf32, #tpu.memory_space<vmem>>, vector<16xf32>,
          tpu.vector_store %arg13[%swap3A_248, %swap3A_249], %add3A_247 {strides = array<i32>} : memref<32x256xf32, #tpu.memory_space<vmem>>, vector<16xf32>,
          %get3A_251 = arith.index_cast %scan3A_98 : i32 to index
          %get3A_252 = arith.constant 80 : index
          %get3A_253 = tpu.vector_load %arg11[%get3A_251, %get3A_252] {strides = array<i32>} : memref<128x256xf32, #tpu.memory_space<vmem>>, vector<16xf32>,
          %mul3A_254 = arith.mulf %gather3A, %get3A_253 : vector<16xf32>
          %add3A_255 = arith.constant 32 : i32
          %add3A_256 = arith.addi %scan3A_98, %add3A_255 : i32
          %get3A_257 = arith.index_cast %add3A_256 : i32 to index
          %get3A_258 = arith.constant 80 : index
          %get3A_259 = tpu.vector_load %arg11[%get3A_257, %get3A_258] {strides = array<i32>} : memref<128x256xf32, #tpu.memory_space<vmem>>, vector<16xf32>,
          %mul3A_260 = arith.mulf %gather3A_104, %get3A_259 : vector<16xf32>
          %add3A_261 = arith.addf %mul3A_254, %mul3A_260 : vector<16xf32>
          %add3A_262 = arith.constant 64 : i32
          %add3A_263 = arith.addi %scan3A_98, %add3A_262 : i32
          %get3A_264 = arith.index_cast %add3A_263 : i32 to index
          %get3A_265 = arith.constant 80 : index
          %get3A_266 = tpu.vector_load %arg11[%get3A_264, %get3A_265] {strides = array<i32>} : memref<128x256xf32, #tpu.memory_space<vmem>>, vector<16xf32>,
          %mul3A_267 = arith.mulf %gather3A_108, %get3A_266 : vector<16xf32>
          %add3A_268 = arith.addf %add3A_261, %mul3A_267 : vector<16xf32>
          %add3A_269 = arith.constant 96 : i32
          %add3A_270 = arith.addi %scan3A_98, %add3A_269 : i32
          %get3A_271 = arith.index_cast %add3A_270 : i32 to index
          %get3A_272 = arith.constant 80 : index
          %get3A_273 = tpu.vector_load %arg11[%get3A_271, %get3A_272] {strides = array<i32>} : memref<128x256xf32, #tpu.memory_space<vmem>>, vector<16xf32>,
          %mul3A_274 = arith.mulf %gather3A_112, %get3A_273 : vector<16xf32>
          %add3A_275 = arith.addf %add3A_268, %mul3A_274 : vector<16xf32>
          %swap3A_276 = arith.index_cast %scan3A_98 : i32 to index
          %swap3A_277 = arith.constant 80 : index
          %swap3A_278 = tpu.vector_load %arg13[%swap3A_276, %swap3A_277] {strides = array<i32>} : memref<32x256xf32, #tpu.memory_space<vmem>>, vector<16xf32>,
          tpu.vector_store %arg13[%swap3A_276, %swap3A_277], %add3A_275 {strides = array<i32>} : memref<32x256xf32, #tpu.memory_space<vmem>>, vector<16xf32>,
          %get3A_279 = arith.index_cast %scan3A_98 : i32 to index
          %get3A_280 = arith.constant 96 : index
          %get3A_281 = tpu.vector_load %arg11[%get3A_279, %get3A_280] {strides = array<i32>} : memref<128x256xf32, #tpu.memory_space<vmem>>, vector<16xf32>,
          %mul3A_282 = arith.mulf %gather3A, %get3A_281 : vector<16xf32>
          %add3A_283 = arith.constant 32 : i32
          %add3A_284 = arith.addi %scan3A_98, %add3A_283 : i32
          %get3A_285 = arith.index_cast %add3A_284 : i32 to index
          %get3A_286 = arith.constant 96 : index
          %get3A_287 = tpu.vector_load %arg11[%get3A_285, %get3A_286] {strides = array<i32>} : memref<128x256xf32, #tpu.memory_space<vmem>>, vector<16xf32>,
          %mul3A_288 = arith.mulf %gather3A_104, %get3A_287 : vector<16xf32>
          %add3A_289 = arith.addf %mul3A_282, %mul3A_288 : vector<16xf32>
          %add3A_290 = arith.constant 64 : i32
          %add3A_291 = arith.addi %scan3A_98, %add3A_290 : i32
          %get3A_292 = arith.index_cast %add3A_291 : i32 to index
          %get3A_293 = arith.constant 96 : index
          %get3A_294 = tpu.vector_load %arg11[%get3A_292, %get3A_293] {strides = array<i32>} : memref<128x256xf32, #tpu.memory_space<vmem>>, vector<16xf32>,
          %mul3A_295 = arith.mulf %gather3A_108, %get3A_294 : vector<16xf32>
          %add3A_296 = arith.addf %add3A_289, %mul3A_295 : vector<16xf32>
          %add3A_297 = arith.constant 96 : i32
          %add3A_298 = arith.addi %scan3A_98, %add3A_297 : i32
          %get3A_299 = arith.index_cast %add3A_298 : i32 to index
          %get3A_300 = arith.constant 96 : index
          %get3A_301 = tpu.vector_load %arg11[%get3A_299, %get3A_300] {strides = array<i32>} : memref<128x256xf32, #tpu.memory_space<vmem>>, vector<16xf32>,
          %mul3A_302 = arith.mulf %gather3A_112, %get3A_301 : vector<16xf32>
          %add3A_303 = arith.addf %add3A_296, %mul3A_302 : vector<16xf32>
          %swap3A_304 = arith.index_cast %scan3A_98 : i32 to index
          %swap3A_305 = arith.constant 96 : index
          %swap3A_306 = tpu.vector_load %arg13[%swap3A_304, %swap3A_305] {strides = array<i32>} : memref<32x256xf32, #tpu.memory_space<vmem>>, vector<16xf32>,
          tpu.vector_store %arg13[%swap3A_304, %swap3A_305], %add3A_303 {strides = array<i32>} : memref<32x256xf32, #tpu.memory_space<vmem>>, vector<16xf32>,
          %get3A_307 = arith.index_cast %scan3A_98 : i32 to index
          %get3A_308 = arith.constant 112 : index
          %get3A_309 = tpu.vector_load %arg11[%get3A_307, %get3A_308] {strides = array<i32>} : memref<128x256xf32, #tpu.memory_space<vmem>>, vector<16xf32>,
          %mul3A_310 = arith.mulf %gather3A, %get3A_309 : vector<16xf32>
          %add3A_311 = arith.constant 32 : i32
          %add3A_312 = arith.addi %scan3A_98, %add3A_311 : i32
          %get3A_313 = arith.index_cast %add3A_312 : i32 to index
          %get3A_314 = arith.constant 112 : index
          %get3A_315 = tpu.vector_load %arg11[%get3A_313, %get3A_314] {strides = array<i32>} : memref<128x256xf32, #tpu.memory_space<vmem>>, vector<16xf32>,
          %mul3A_316 = arith.mulf %gather3A_104, %get3A_315 : vector<16xf32>
          %add3A_317 = arith.addf %mul3A_310, %mul3A_316 : vector<16xf32>
          %add3A_318 = arith.constant 64 : i32
          %add3A_319 = arith.addi %scan3A_98, %add3A_318 : i32
          %get3A_320 = arith.index_cast %add3A_319 : i32 to index
          %get3A_321 = arith.constant 112 : index
          %get3A_322 = tpu.vector_load %arg11[%get3A_320, %get3A_321] {strides = array<i32>} : memref<128x256xf32, #tpu.memory_space<vmem>>, vector<16xf32>,
          %mul3A_323 = arith.mulf %gather3A_108, %get3A_322 : vector<16xf32>
          %add3A_324 = arith.addf %add3A_317, %mul3A_323 : vector<16xf32>
          %add3A_325 = arith.constant 96 : i32
          %add3A_326 = arith.addi %scan3A_98, %add3A_325 : i32
          %get3A_327 = arith.index_cast %add3A_326 : i32 to index
          %get3A_328 = arith.constant 112 : index
          %get3A_329 = tpu.vector_load %arg11[%get3A_327, %get3A_328] {strides = array<i32>} : memref<128x256xf32, #tpu.memory_space<vmem>>, vector<16xf32>,
          %mul3A_330 = arith.mulf %gather3A_112, %get3A_329 : vector<16xf32>
          %add3A_331 = arith.addf %add3A_324, %mul3A_330 : vector<16xf32>
          %swap3A_332 = arith.index_cast %scan3A_98 : i32 to index
          %swap3A_333 = arith.constant 112 : index
          %swap3A_334 = tpu.vector_load %arg13[%swap3A_332, %swap3A_333] {strides = array<i32>} : memref<32x256xf32, #tpu.memory_space<vmem>>, vector<16xf32>,
          tpu.vector_store %arg13[%swap3A_332, %swap3A_333], %add3A_331 {strides = array<i32>} : memref<32x256xf32, #tpu.memory_space<vmem>>, vector<16xf32>,
          %get3A_335 = arith.index_cast %scan3A_98 : i32 to index
          %get3A_336 = arith.constant 128 : index
          %get3A_337 = tpu.vector_load %arg11[%get3A_335, %get3A_336] {strides = array<i32>} : memref<128x256xf32, #tpu.memory_space<vmem>>, vector<16xf32>,
          %mul3A_338 = arith.mulf %gather3A, %get3A_337 : vector<16xf32>
          %add3A_339 = arith.constant 32 : i32
          %add3A_340 = arith.addi %scan3A_98, %add3A_339 : i32
          %get3A_341 = arith.index_cast %add3A_340 : i32 to index
          %get3A_342 = arith.constant 128 : index
          %get3A_343 = tpu.vector_load %arg11[%get3A_341, %get3A_342] {strides = array<i32>} : memref<128x256xf32, #tpu.memory_space<vmem>>, vector<16xf32>,
          %mul3A_344 = arith.mulf %gather3A_104, %get3A_343 : vector<16xf32>
          %add3A_345 = arith.addf %mul3A_338, %mul3A_344 : vector<16xf32>
          %add3A_346 = arith.constant 64 : i32
          %add3A_347 = arith.addi %scan3A_98, %add3A_346 : i32
          %get3A_348 = arith.index_cast %add3A_347 : i32 to index
          %get3A_349 = arith.constant 128 : index
          %get3A_350 = tpu.vector_load %arg11[%get3A_348, %get3A_349] {strides = array<i32>} : memref<128x256xf32, #tpu.memory_space<vmem>>, vector<16xf32>,
          %mul3A_351 = arith.mulf %gather3A_108, %get3A_350 : vector<16xf32>
          %add3A_352 = arith.addf %add3A_345, %mul3A_351 : vector<16xf32>
          %add3A_353 = arith.constant 96 : i32
          %add3A_354 = arith.addi %scan3A_98, %add3A_353 : i32
          %get3A_355 = arith.index_cast %add3A_354 : i32 to index
          %get3A_356 = arith.constant 128 : index
          %get3A_357 = tpu.vector_load %arg11[%get3A_355, %get3A_356] {strides = array<i32>} : memref<128x256xf32, #tpu.memory_space<vmem>>, vector<16xf32>,
          %mul3A_358 = arith.mulf %gather3A_112, %get3A_357 : vector<16xf32>
          %add3A_359 = arith.addf %add3A_352, %mul3A_358 : vector<16xf32>
          %swap3A_360 = arith.index_cast %scan3A_98 : i32 to index
          %swap3A_361 = arith.constant 128 : index
          %swap3A_362 = tpu.vector_load %arg13[%swap3A_360, %swap3A_361] {strides = array<i32>} : memref<32x256xf32, #tpu.memory_space<vmem>>, vector<16xf32>,
          tpu.vector_store %arg13[%swap3A_360, %swap3A_361], %add3A_359 {strides = array<i32>} : memref<32x256xf32, #tpu.memory_space<vmem>>, vector<16xf32>,
          %get3A_363 = arith.index_cast %scan3A_98 : i32 to index
          %get3A_364 = arith.constant 144 : index
          %get3A_365 = tpu.vector_load %arg11[%get3A_363, %get3A_364] {strides = array<i32>} : memref<128x256xf32, #tpu.memory_space<vmem>>, vector<16xf32>,
          %mul3A_366 = arith.mulf %gather3A, %get3A_365 : vector<16xf32>
          %add3A_367 = arith.constant 32 : i32
          %add3A_368 = arith.addi %scan3A_98, %add3A_367 : i32
          %get3A_369 = arith.index_cast %add3A_368 : i32 to index
          %get3A_370 = arith.constant 144 : index
          %get3A_371 = tpu.vector_load %arg11[%get3A_369, %get3A_370] {strides = array<i32>} : memref<128x256xf32, #tpu.memory_space<vmem>>, vector<16xf32>,
          %mul3A_372 = arith.mulf %gather3A_104, %get3A_371 : vector<16xf32>
          %add3A_373 = arith.addf %mul3A_366, %mul3A_372 : vector<16xf32>
          %add3A_374 = arith.constant 64 : i32
          %add3A_375 = arith.addi %scan3A_98, %add3A_374 : i32
          %get3A_376 = arith.index_cast %add3A_375 : i32 to index
          %get3A_377 = arith.constant 144 : index
          %get3A_378 = tpu.vector_load %arg11[%get3A_376, %get3A_377] {strides = array<i32>} : memref<128x256xf32, #tpu.memory_space<vmem>>, vector<16xf32>,
          %mul3A_379 = arith.mulf %gather3A_108, %get3A_378 : vector<16xf32>
          %add3A_380 = arith.addf %add3A_373, %mul3A_379 : vector<16xf32>
          %add3A_381 = arith.constant 96 : i32
          %add3A_382 = arith.addi %scan3A_98, %add3A_381 : i32
          %get3A_383 = arith.index_cast %add3A_382 : i32 to index
          %get3A_384 = arith.constant 144 : index
          %get3A_385 = tpu.vector_load %arg11[%get3A_383, %get3A_384] {strides = array<i32>} : memref<128x256xf32, #tpu.memory_space<vmem>>, vector<16xf32>,
          %mul3A_386 = arith.mulf %gather3A_112, %get3A_385 : vector<16xf32>
          %add3A_387 = arith.addf %add3A_380, %mul3A_386 : vector<16xf32>
          %swap3A_388 = arith.index_cast %scan3A_98 : i32 to index
          %swap3A_389 = arith.constant 144 : index
          %swap3A_390 = tpu.vector_load %arg13[%swap3A_388, %swap3A_389] {strides = array<i32>} : memref<32x256xf32, #tpu.memory_space<vmem>>, vector<16xf32>,
          tpu.vector_store %arg13[%swap3A_388, %swap3A_389], %add3A_387 {strides = array<i32>} : memref<32x256xf32, #tpu.memory_space<vmem>>, vector<16xf32>,
          %get3A_391 = arith.index_cast %scan3A_98 : i32 to index
          %get3A_392 = arith.constant 160 : index
          %get3A_393 = tpu.vector_load %arg11[%get3A_391, %get3A_392] {strides = array<i32>} : memref<128x256xf32, #tpu.memory_space<vmem>>, vector<16xf32>,
          %mul3A_394 = arith.mulf %gather3A, %get3A_393 : vector<16xf32>
          %add3A_395 = arith.constant 32 : i32
          %add3A_396 = arith.addi %scan3A_98, %add3A_395 : i32
          %get3A_397 = arith.index_cast %add3A_396 : i32 to index
          %get3A_398 = arith.constant 160 : index
          %get3A_399 = tpu.vector_load %arg11[%get3A_397, %get3A_398] {strides = array<i32>} : memref<128x256xf32, #tpu.memory_space<vmem>>, vector<16xf32>,
          %mul3A_400 = arith.mulf %gather3A_104, %get3A_399 : vector<16xf32>
          %add3A_401 = arith.addf %mul3A_394, %mul3A_400 : vector<16xf32>
          %add3A_402 = arith.constant 64 : i32
          %add3A_403 = arith.addi %scan3A_98, %add3A_402 : i32
          %get3A_404 = arith.index_cast %add3A_403 : i32 to index
          %get3A_405 = arith.constant 160 : index
          %get3A_406 = tpu.vector_load %arg11[%get3A_404, %get3A_405] {strides = array<i32>} : memref<128x256xf32, #tpu.memory_space<vmem>>, vector<16xf32>,
          %mul3A_407 = arith.mulf %gather3A_108, %get3A_406 : vector<16xf32>
          %add3A_408 = arith.addf %add3A_401, %mul3A_407 : vector<16xf32>
          %add3A_409 = arith.constant 96 : i32
          %add3A_410 = arith.addi %scan3A_98, %add3A_409 : i32
          %get3A_411 = arith.index_cast %add3A_410 : i32 to index
          %get3A_412 = arith.constant 160 : index
          %get3A_413 = tpu.vector_load %arg11[%get3A_411, %get3A_412] {strides = array<i32>} : memref<128x256xf32, #tpu.memory_space<vmem>>, vector<16xf32>,
          %mul3A_414 = arith.mulf %gather3A_112, %get3A_413 : vector<16xf32>
          %add3A_415 = arith.addf %add3A_408, %mul3A_414 : vector<16xf32>
          %swap3A_416 = arith.index_cast %scan3A_98 : i32 to index
          %swap3A_417 = arith.constant 160 : index
          %swap3A_418 = tpu.vector_load %arg13[%swap3A_416, %swap3A_417] {strides = array<i32>} : memref<32x256xf32, #tpu.memory_space<vmem>>, vector<16xf32>,
          tpu.vector_store %arg13[%swap3A_416, %swap3A_417], %add3A_415 {strides = array<i32>} : memref<32x256xf32, #tpu.memory_space<vmem>>, vector<16xf32>,
          %get3A_419 = arith.index_cast %scan3A_98 : i32 to index
          %get3A_420 = arith.constant 176 : index
          %get3A_421 = tpu.vector_load %arg11[%get3A_419, %get3A_420] {strides = array<i32>} : memref<128x256xf32, #tpu.memory_space<vmem>>, vector<16xf32>,
          %mul3A_422 = arith.mulf %gather3A, %get3A_421 : vector<16xf32>
          %add3A_423 = arith.constant 32 : i32
          %add3A_424 = arith.addi %scan3A_98, %add3A_423 : i32
          %get3A_425 = arith.index_cast %add3A_424 : i32 to index
          %get3A_426 = arith.constant 176 : index
          %get3A_427 = tpu.vector_load %arg11[%get3A_425, %get3A_426] {strides = array<i32>} : memref<128x256xf32, #tpu.memory_space<vmem>>, vector<16xf32>,
          %mul3A_428 = arith.mulf %gather3A_104, %get3A_427 : vector<16xf32>
          %add3A_429 = arith.addf %mul3A_422, %mul3A_428 : vector<16xf32>
          %add3A_430 = arith.constant 64 : i32
          %add3A_431 = arith.addi %scan3A_98, %add3A_430 : i32
          %get3A_432 = arith.index_cast %add3A_431 : i32 to index
          %get3A_433 = arith.constant 176 : index
          %get3A_434 = tpu.vector_load %arg11[%get3A_432, %get3A_433] {strides = array<i32>} : memref<128x256xf32, #tpu.memory_space<vmem>>, vector<16xf32>,
          %mul3A_435 = arith.mulf %gather3A_108, %get3A_434 : vector<16xf32>
          %add3A_436 = arith.addf %add3A_429, %mul3A_435 : vector<16xf32>
          %add3A_437 = arith.constant 96 : i32
          %add3A_438 = arith.addi %scan3A_98, %add3A_437 : i32
          %get3A_439 = arith.index_cast %add3A_438 : i32 to index
          %get3A_440 = arith.constant 176 : index
          %get3A_441 = tpu.vector_load %arg11[%get3A_439, %get3A_440] {strides = array<i32>} : memref<128x256xf32, #tpu.memory_space<vmem>>, vector<16xf32>,
          %mul3A_442 = arith.mulf %gather3A_112, %get3A_441 : vector<16xf32>
          %add3A_443 = arith.addf %add3A_436, %mul3A_442 : vector<16xf32>
          %swap3A_444 = arith.index_cast %scan3A_98 : i32 to index
          %swap3A_445 = arith.constant 176 : index
          %swap3A_446 = tpu.vector_load %arg13[%swap3A_444, %swap3A_445] {strides = array<i32>} : memref<32x256xf32, #tpu.memory_space<vmem>>, vector<16xf32>,
          tpu.vector_store %arg13[%swap3A_444, %swap3A_445], %add3A_443 {strides = array<i32>} : memref<32x256xf32, #tpu.memory_space<vmem>>, vector<16xf32>,
          %get3A_447 = arith.index_cast %scan3A_98 : i32 to index
          %get3A_448 = arith.constant 192 : index
          %get3A_449 = tpu.vector_load %arg11[%get3A_447, %get3A_448] {strides = array<i32>} : memref<128x256xf32, #tpu.memory_space<vmem>>, vector<16xf32>,
          %mul3A_450 = arith.mulf %gather3A, %get3A_449 : vector<16xf32>
          %add3A_451 = arith.constant 32 : i32
          %add3A_452 = arith.addi %scan3A_98, %add3A_451 : i32
          %get3A_453 = arith.index_cast %add3A_452 : i32 to index
          %get3A_454 = arith.constant 192 : index
          %get3A_455 = tpu.vector_load %arg11[%get3A_453, %get3A_454] {strides = array<i32>} : memref<128x256xf32, #tpu.memory_space<vmem>>, vector<16xf32>,
          %mul3A_456 = arith.mulf %gather3A_104, %get3A_455 : vector<16xf32>
          %add3A_457 = arith.addf %mul3A_450, %mul3A_456 : vector<16xf32>
          %add3A_458 = arith.constant 64 : i32
          %add3A_459 = arith.addi %scan3A_98, %add3A_458 : i32
          %get3A_460 = arith.index_cast %add3A_459 : i32 to index
          %get3A_461 = arith.constant 192 : index
          %get3A_462 = tpu.vector_load %arg11[%get3A_460, %get3A_461] {strides = array<i32>} : memref<128x256xf32, #tpu.memory_space<vmem>>, vector<16xf32>,
          %mul3A_463 = arith.mulf %gather3A_108, %get3A_462 : vector<16xf32>
          %add3A_464 = arith.addf %add3A_457, %mul3A_463 : vector<16xf32>
          %add3A_465 = arith.constant 96 : i32
          %add3A_466 = arith.addi %scan3A_98, %add3A_465 : i32
          %get3A_467 = arith.index_cast %add3A_466 : i32 to index
          %get3A_468 = arith.constant 192 : index
          %get3A_469 = tpu.vector_load %arg11[%get3A_467, %get3A_468] {strides = array<i32>} : memref<128x256xf32, #tpu.memory_space<vmem>>, vector<16xf32>,
          %mul3A_470 = arith.mulf %gather3A_112, %get3A_469 : vector<16xf32>
          %add3A_471 = arith.addf %add3A_464, %mul3A_470 : vector<16xf32>
          %swap3A_472 = arith.index_cast %scan3A_98 : i32 to index
          %swap3A_473 = arith.constant 192 : index
          %swap3A_474 = tpu.vector_load %arg13[%swap3A_472, %swap3A_473] {strides = array<i32>} : memref<32x256xf32, #tpu.memory_space<vmem>>, vector<16xf32>,
          tpu.vector_store %arg13[%swap3A_472, %swap3A_473], %add3A_471 {strides = array<i32>} : memref<32x256xf32, #tpu.memory_space<vmem>>, vector<16xf32>,
          %get3A_475 = arith.index_cast %scan3A_98 : i32 to index
          %get3A_476 = arith.constant 208 : index
          %get3A_477 = tpu.vector_load %arg11[%get3A_475, %get3A_476] {strides = array<i32>} : memref<128x256xf32, #tpu.memory_space<vmem>>, vector<16xf32>,
          %mul3A_478 = arith.mulf %gather3A, %get3A_477 : vector<16xf32>
          %add3A_479 = arith.constant 32 : i32
          %add3A_480 = arith.addi %scan3A_98, %add3A_479 : i32
          %get3A_481 = arith.index_cast %add3A_480 : i32 to index
          %get3A_482 = arith.constant 208 : index
          %get3A_483 = tpu.vector_load %arg11[%get3A_481, %get3A_482] {strides = array<i32>} : memref<128x256xf32, #tpu.memory_space<vmem>>, vector<16xf32>,
          %mul3A_484 = arith.mulf %gather3A_104, %get3A_483 : vector<16xf32>
          %add3A_485 = arith.addf %mul3A_478, %mul3A_484 : vector<16xf32>
          %add3A_486 = arith.constant 64 : i32
          %add3A_487 = arith.addi %scan3A_98, %add3A_486 : i32
          %get3A_488 = arith.index_cast %add3A_487 : i32 to index
          %get3A_489 = arith.constant 208 : index
          %get3A_490 = tpu.vector_load %arg11[%get3A_488, %get3A_489] {strides = array<i32>} : memref<128x256xf32, #tpu.memory_space<vmem>>, vector<16xf32>,
          %mul3A_491 = arith.mulf %gather3A_108, %get3A_490 : vector<16xf32>
          %add3A_492 = arith.addf %add3A_485, %mul3A_491 : vector<16xf32>
          %add3A_493 = arith.constant 96 : i32
          %add3A_494 = arith.addi %scan3A_98, %add3A_493 : i32
          %get3A_495 = arith.index_cast %add3A_494 : i32 to index
          %get3A_496 = arith.constant 208 : index
          %get3A_497 = tpu.vector_load %arg11[%get3A_495, %get3A_496] {strides = array<i32>} : memref<128x256xf32, #tpu.memory_space<vmem>>, vector<16xf32>,
          %mul3A_498 = arith.mulf %gather3A_112, %get3A_497 : vector<16xf32>
          %add3A_499 = arith.addf %add3A_492, %mul3A_498 : vector<16xf32>
          %swap3A_500 = arith.index_cast %scan3A_98 : i32 to index
          %swap3A_501 = arith.constant 208 : index
          %swap3A_502 = tpu.vector_load %arg13[%swap3A_500, %swap3A_501] {strides = array<i32>} : memref<32x256xf32, #tpu.memory_space<vmem>>, vector<16xf32>,
          tpu.vector_store %arg13[%swap3A_500, %swap3A_501], %add3A_499 {strides = array<i32>} : memref<32x256xf32, #tpu.memory_space<vmem>>, vector<16xf32>,
          %get3A_503 = arith.index_cast %scan3A_98 : i32 to index
          %get3A_504 = arith.constant 224 : index
          %get3A_505 = tpu.vector_load %arg11[%get3A_503, %get3A_504] {strides = array<i32>} : memref<128x256xf32, #tpu.memory_space<vmem>>, vector<16xf32>,
          %mul3A_506 = arith.mulf %gather3A, %get3A_505 : vector<16xf32>
          %add3A_507 = arith.constant 32 : i32
          %add3A_508 = arith.addi %scan3A_98, %add3A_507 : i32
          %get3A_509 = arith.index_cast %add3A_508 : i32 to index
          %get3A_510 = arith.constant 224 : index
          %get3A_511 = tpu.vector_load %arg11[%get3A_509, %get3A_510] {strides = array<i32>} : memref<128x256xf32, #tpu.memory_space<vmem>>, vector<16xf32>,
          %mul3A_512 = arith.mulf %gather3A_104, %get3A_511 : vector<16xf32>
          %add3A_513 = arith.addf %mul3A_506, %mul3A_512 : vector<16xf32>
          %add3A_514 = arith.constant 64 : i32
          %add3A_515 = arith.addi %scan3A_98, %add3A_514 : i32
          %get3A_516 = arith.index_cast %add3A_515 : i32 to index
          %get3A_517 = arith.constant 224 : index
          %get3A_518 = tpu.vector_load %arg11[%get3A_516, %get3A_517] {strides = array<i32>} : memref<128x256xf32, #tpu.memory_space<vmem>>, vector<16xf32>,
          %mul3A_519 = arith.mulf %gather3A_108, %get3A_518 : vector<16xf32>
          %add3A_520 = arith.addf %add3A_513, %mul3A_519 : vector<16xf32>
          %add3A_521 = arith.constant 96 : i32
          %add3A_522 = arith.addi %scan3A_98, %add3A_521 : i32
          %get3A_523 = arith.index_cast %add3A_522 : i32 to index
          %get3A_524 = arith.constant 224 : index
          %get3A_525 = tpu.vector_load %arg11[%get3A_523, %get3A_524] {strides = array<i32>} : memref<128x256xf32, #tpu.memory_space<vmem>>, vector<16xf32>,
          %mul3A_526 = arith.mulf %gather3A_112, %get3A_525 : vector<16xf32>
          %add3A_527 = arith.addf %add3A_520, %mul3A_526 : vector<16xf32>
          %swap3A_528 = arith.index_cast %scan3A_98 : i32 to index
          %swap3A_529 = arith.constant 224 : index
          %swap3A_530 = tpu.vector_load %arg13[%swap3A_528, %swap3A_529] {strides = array<i32>} : memref<32x256xf32, #tpu.memory_space<vmem>>, vector<16xf32>,
          tpu.vector_store %arg13[%swap3A_528, %swap3A_529], %add3A_527 {strides = array<i32>} : memref<32x256xf32, #tpu.memory_space<vmem>>, vector<16xf32>,
          %get3A_531 = arith.index_cast %scan3A_98 : i32 to index
          %get3A_532 = arith.constant 240 : index
          %get3A_533 = tpu.vector_load %arg11[%get3A_531, %get3A_532] {strides = array<i32>} : memref<128x256xf32, #tpu.memory_space<vmem>>, vector<16xf32>,
          %mul3A_534 = arith.mulf %gather3A, %get3A_533 : vector<16xf32>
          %add3A_535 = arith.constant 32 : i32
          %add3A_536 = arith.addi %scan3A_98, %add3A_535 : i32
          %get3A_537 = arith.index_cast %add3A_536 : i32 to index
          %get3A_538 = arith.constant 240 : index
          %get3A_539 = tpu.vector_load %arg11[%get3A_537, %get3A_538] {strides = array<i32>} : memref<128x256xf32, #tpu.memory_space<vmem>>, vector<16xf32>,
          %mul3A_540 = arith.mulf %gather3A_104, %get3A_539 : vector<16xf32>
          %add3A_541 = arith.addf %mul3A_534, %mul3A_540 : vector<16xf32>
          %add3A_542 = arith.constant 64 : i32
          %add3A_543 = arith.addi %scan3A_98, %add3A_542 : i32
          %get3A_544 = arith.index_cast %add3A_543 : i32 to index
          %get3A_545 = arith.constant 240 : index
          %get3A_546 = tpu.vector_load %arg11[%get3A_544, %get3A_545] {strides = array<i32>} : memref<128x256xf32, #tpu.memory_space<vmem>>, vector<16xf32>,
          %mul3A_547 = arith.mulf %gather3A_108, %get3A_546 : vector<16xf32>
          %add3A_548 = arith.addf %add3A_541, %mul3A_547 : vector<16xf32>
          %add3A_549 = arith.constant 96 : i32
          %add3A_550 = arith.addi %scan3A_98, %add3A_549 : i32
          %get3A_551 = arith.index_cast %add3A_550 : i32 to index
          %get3A_552 = arith.constant 240 : index
          %get3A_553 = tpu.vector_load %arg11[%get3A_551, %get3A_552] {strides = array<i32>} : memref<128x256xf32, #tpu.memory_space<vmem>>, vector<16xf32>,
          %mul3A_554 = arith.mulf %gather3A_112, %get3A_553 : vector<16xf32>
          %add3A_555 = arith.addf %add3A_548, %mul3A_554 : vector<16xf32>
          %swap3A_556 = arith.index_cast %scan3A_98 : i32 to index
          %swap3A_557 = arith.constant 240 : index
          %swap3A_558 = tpu.vector_load %arg13[%swap3A_556, %swap3A_557] {strides = array<i32>} : memref<32x256xf32, #tpu.memory_space<vmem>>, vector<16xf32>,
          tpu.vector_store %arg13[%swap3A_556, %swap3A_557], %add3A_555 {strides = array<i32>} : memref<32x256xf32, #tpu.memory_space<vmem>>, vector<16xf32>,
        }
        %scan3A_89 = arith.constant 32 : i32
        %mul3A_90 = arith.constant 32 : i32
        %mul3A_91 = arith.muli %add3A_71, %mul3A_90 : i32
        %add3A_92 = arith.addi %add3A, %mul3A_91 : i32
        %mul3A_93 = arith.constant 32 : i32
        %mul3A_94 = arith.muli %add3A_92, %mul3A_93 : i32
        %dma_start3A = arith.constant 0 : i32
        %dma_start3A_95 = tpu.memref_slice %arg4[%mul3A_94, %dma_start3A] : memref<196000x256xf32, #tpu.memory_space<hbm>> -> memref<32x256xf32, #tpu.memory_space<hbm>>
        %dma_start3A_96 = arith.constant 0 : i32
        %dma_start3A_97 = tpu.memref_slice %arg4[%mul3A_94, %dma_start3A_96] : memref<196000x256xf32, #tpu.memory_space<hbm>> -> memref<32x256xf32, #tpu.memory_space<hbm>>
        tpu.enqueue_dma source(%arg13 : memref<32x256xf32, #tpu.memory_space<vmem>>) target(%dma_start3A_97 : memref<32x256xf32, #tpu.memory_space<hbm>>) target_semaphore(%arg17 : memref<!tpu.dma_semaphore, #tpu.memory_space<semaphore_mem>>)
      } else {
      }
    }
    %scan3A_25 = arith.constant 96 : i32
    %sub3A = arith.constant 1 : i32
    %sub3A_26 = arith.subi %add3A_4, %sub3A : i32
    %sub3A_27 = arith.constant 1 : i32
    %sub3A_28 = arith.subi %add3A_4, %sub3A_27 : i32
    %sub3A_29 = arith.constant 0 : i32
    %sub3A_30 = arith.subi %sub3A_28, %sub3A_29 : i32
    %and3A = arith.constant 1 : i32
    %and3A_31 = arith.andi %sub3A_30, %and3A : i32
    %sub3A_32 = arith.subi %sub3A_26, %and3A_31 : i32
    %ge3A = arith.constant 0 : i32
    %ge3A_33 = arith.cmpi sge, %sub3A_32, %ge3A : i32
    %convert_element_type3A_34 = arith.extui %ge3A_33 : i1 to i32
    %cond3A_35 = arith.constant 0 : i32
    %cond3A_36 = arith.cmpi ne, %convert_element_type3A_34, %cond3A_35 : i32
    scf.if %cond3A_36 {
      %mul3A_51 = arith.constant 32 : i32
      %mul3A_52 = arith.muli %sub3A_32, %mul3A_51 : i32
      %add3A_53 = arith.addi %add3A, %mul3A_52 : i32
      %mul3A_54 = arith.constant 32 : i32
      %mul3A_55 = arith.muli %add3A_53, %mul3A_54 : i32
      %dma_wait3A = arith.constant 0 : i32
      %dma_wait3A_56 = tpu.memref_slice %arg4[%mul3A_55, %dma_wait3A] : memref<196000x256xf32, #tpu.memory_space<hbm>> -> memref<32x256xf32, #tpu.memory_space<hbm>>
      %dma_wait3A_57 = arith.constant 0 : i32
      %dma_wait3A_58 = tpu.memref_slice %arg4[%mul3A_55, %dma_wait3A_57] : memref<196000x256xf32, #tpu.memory_space<hbm>> -> memref<32x256xf32, #tpu.memory_space<hbm>>
      tpu.wait_dma2 semaphore(%arg16 : memref<!tpu.dma_semaphore, #tpu.memory_space<semaphore_mem>>) src(%arg12 : memref<32x256xf32, #tpu.memory_space<vmem>>) dst(%dma_wait3A_58 : memref<32x256xf32, #tpu.memory_space<hbm>>)
    } else {
    }
    %sub3A_37 = arith.constant 1 : i32
    %sub3A_38 = arith.subi %add3A_4, %sub3A_37 : i32
    %sub3A_39 = arith.constant 1 : i32
    %sub3A_40 = arith.subi %add3A_4, %sub3A_39 : i32
    %sub3A_41 = arith.constant 1 : i32
    %sub3A_42 = arith.subi %sub3A_40, %sub3A_41 : i32
    %and3A_43 = arith.constant 1 : i32
    %and3A_44 = arith.andi %sub3A_42, %and3A_43 : i32
    %sub3A_45 = arith.subi %sub3A_38, %and3A_44 : i32
    %ge3A_46 = arith.constant 0 : i32
    %ge3A_47 = arith.cmpi sge, %sub3A_45, %ge3A_46 : i32
    %convert_element_type3A_48 = arith.extui %ge3A_47 : i1 to i32
    %cond3A_49 = arith.constant 0 : i32
    %cond3A_50 = arith.cmpi ne, %convert_element_type3A_48, %cond3A_49 : i32
    scf.if %cond3A_50 {
      %mul3A_51 = arith.constant 32 : i32
      %mul3A_52 = arith.muli %sub3A_45, %mul3A_51 : i32
      %add3A_53 = arith.addi %add3A, %mul3A_52 : i32
      %mul3A_54 = arith.constant 32 : i32
      %mul3A_55 = arith.muli %add3A_53, %mul3A_54 : i32
      %dma_wait3A = arith.constant 0 : i32
      %dma_wait3A_56 = tpu.memref_slice %arg4[%mul3A_55, %dma_wait3A] : memref<196000x256xf32, #tpu.memory_space<hbm>> -> memref<32x256xf32, #tpu.memory_space<hbm>>
      %dma_wait3A_57 = arith.constant 0 : i32
      %dma_wait3A_58 = tpu.memref_slice %arg4[%mul3A_55, %dma_wait3A_57] : memref<196000x256xf32, #tpu.memory_space<hbm>> -> memref<32x256xf32, #tpu.memory_space<hbm>>
      tpu.wait_dma2 semaphore(%arg17 : memref<!tpu.dma_semaphore, #tpu.memory_space<semaphore_mem>>) src(%arg13 : memref<32x256xf32, #tpu.memory_space<vmem>>) dst(%dma_wait3A_58 : memref<32x256xf32, #tpu.memory_space<hbm>>)
    } else {
    }
    return
  }
}

</mosaic_0001>

<sc_bundles>
// kernel: kernel.3.cloned.1.call-start
scs
__scs_entry_jumppad:
0x0: {  	(pc) =	sbr.rel $0x88, $3  }
0x1: {  	(tag) =	ssettag $0x0;
	lr =	simm.s32 $0x1  }
0x2: {  	[smem:$0x3F9F] =	sst lr;
	_ =	strace $0xD0000000  }
0x3: {  	_ = 	snop  }
0x4: {  	_ = 	snop  }
0x5: {  	_ = 	snop  }
0x6: {  	_ = 	snop  }
0x7: {  	_ = 	snop  }
__scs_overlays_trampoline_lowered:
0x8: {  	[smem:$0x3FAE] =	sst s0  }
0x9: {  	[smem:$0x3FAF] =	sst s1  }
0xa: {  	[smem:$0x3FB0] =	sst s2  }
0xb: {  	[smem:$0x3FB1] =	sst s3  }
0xc: {  	[smem:$0x3FB2] =	sst s4  }
0xd: {  	[smem:$0x3FB3] =	sst s5  }
0xe: {  	[smem:$0x3FB4] =	sst s6  }
0xf: {  	[smem:$0x3FB5] =	sst s7  }
0x10: {  	[smem:$0x3FB6] =	sst s8  }
0x11: {  	[smem:$0x3FB7] =	sst s9;
	s0 =	simm.s32 @!p0 $0x0  }
0x12: {  	s1 =	sld [smem:$0x3F9D];
	s0 =	simm.s32 @p0 $0x1  }
0x13: {  	[smem:$0x3FB8] =	sst s0;
	s0 =	simm.s32 @!p1 $0x0  }
0x14: {  	s2 =	sld [smem:$0x3F9C];
	s0 =	simm.s32 @p1 $0x1  }
0x15: {  	[smem:$0x3FB9] =	sst s0;
	s0 =	simm.s32 @!p2 $0x0  }
0x16: {  	s3 =	sld [smem:$0x3FDB];
	s0 =	simm.s32 @p2 $0x1  }
0x17: {  	s4 =	simm.s32 $0x1BF5;
	[smem:$0x3FBB] =	sst s0  }
0x18: {  	s0 =	sld [smem:$0x3F9E];
	_ =	swait.ge [sflag:s4], $0x0  }
0x19: {  	s7 =	sld [smem:$0x3F9F]  }
0x1a: {  	s8 =	sadd.s32 $0xFFFFE003, lr  }
0x1b: {  	s9 =	sadd.s32 $0xFFFFFEF7, lr;
	s5 =	simm.s32 $0xFFFFFFFF;
	p2 =	slt.u32 s8, $0xFFFFF086  }
0x1c: {  	p1 =	slt.u32 s9, $0xF7A;
	s5 =	simm.s32 @!p2 $0x0  }
0x1d: {  	s5 =	simm.s32 @p1 $0x1;
	p0 =	seq.s32 s7, s2  }
0x1e: {  	s7 =	smul.u32 @!p0 $0xF7A, s2;
	p2 =	seq.s32 @!p0 s5, $0x0  }
0x1f: {  	s9 =	smul.u32 $0xF7A, s1;
	s8 =	simm.s32 @!p0 $0x1BF5;
	p2 =	por !p2, p0  }
0x20: {  	[sflag:s8] =	ssyncset.s32 @!p0 $0xFFFFF086;
	s6 =	sadd.s32 @!p0 s3, s7;
	s7 =	simm.s32 @!p0 $0x108  }
0x21: {  	s3 =	sadd.s32 s3, s9;
	s6 =	sadd.s32 @!p0 $0x88, s6;
	s7 =	simm.s32 @p2 $0x1082  }
0x22: {  	[simem:s7], [sflag:s8] =	dma.local @!p0 [hbm:s6], $0xF7A  }
0x23: {  	s9 =	sor.u32 $0xD0000000, s2;
	s6 =	simm.s32 $0x108;
	_ =	swait.ge @!p0 [sflag:s8], $0x0  }
0x24: {  	s3 =	sadd.s32 $0x88, s3;
	s6 =	simm.s32 @!p1 $0x1082;
	[sflag:s4] =	ssyncset.s32 $0xFFFFF086  }
0x25: {  	[simem:s6], [sflag:s4] =	dma.local [hbm:s3], $0xF7A  }
0x26: {  	[smem:$0x3F9F] =	sst s1;
	(tag) =	ssettag s2;
	_ =	strace s9  }
0x27: {  	s1 =	sld [smem:$0x3FAF]  }
0x28: {  	s2 =	sld [smem:$0x3FB0]  }
0x29: {  	s4 =	sld [smem:$0x3FB2]  }
0x2a: {  	p0 =	seq.s32 s5, $0x0;
	s5 =	sld [smem:$0x3FB3]  }
0x2b: {  	s6 =	sld [smem:$0x3FB4]  }
0x2c: {  	s7 =	sld [smem:$0x3FB5]  }
0x2d: {  	s3 =	simm.s32 $0x108;
	s8 =	sld [smem:$0x3FB6]  }
0x2e: {  	s3 =	simm.s32 @!p0 $0x1082;
	s9 =	sld [smem:$0x3FB7]  }
0x2f: {  	lr =	sadd.s32 s0, s3;
	s0 =	sld [smem:$0x3FAE]  }
0x30: {  	s3 =	sld [smem:$0x3FB1]  }
0x31: {  	[smem:$0x3FBA] =	sst s10  }
0x32: {  	s10 =	sld [smem:$0x3FB8];
	_ =	sdelay $0x3  }
0x33: {  	p0 =	seq.s32 s10, $0x1;
	s10 =	sld [smem:$0x3FBA];
	_ =	sdelay $0x3  }
0x34: {  	[smem:$0x3FBA] =	sst s10  }
0x35: {  	s10 =	sld [smem:$0x3FB9];
	_ =	sdelay $0x3  }
0x36: {  	p1 =	seq.s32 s10, $0x1;
	s10 =	sld [smem:$0x3FBA];
	_ =	sdelay $0x3  }
0x37: {  	[smem:$0x3FBA] =	sst s10  }
0x38: {  	s10 =	sld [smem:$0x3FBB]  }
0x39: {  	_ = 	snop;
	(pc) =	sbr.ind lr, $3  }
0x3a: {  	_ = 	snop  }
0x3b: {  	_ = 	snop  }
0x3c: {  	p2 =	seq.s32 s10, $0x1;
	s10 =	sld [smem:$0x3FBA]  }
0x3d: {  	_ =	shalt  }
0x3e: {  	_ =	shalt  }
0x3f: {  	_ =	shalt  }
0x40: {  	_ =	shalt  }
0x41: {  	_ =	shalt  }
0x42: {  	_ =	shalt  }
0x43: {  	_ =	shalt  }
0x44: {  	_ =	shalt  }
0x45: {  	_ =	shalt  }
0x46: {  	_ =	shalt  }
0x47: {  	_ =	shalt  }
0x48: {  	_ =	shalt  }
0x49: {  	_ =	shalt  }
0x4a: {  	_ =	shalt  }
0x4b: {  	_ =	shalt  }
0x4c: {  	_ =	shalt  }
0x4d: {  	_ =	shalt  }
0x4e: {  	_ =	shalt  }
0x4f: {  	_ =	shalt  }
0x50: {  	_ =	shalt  }
0x51: {  	_ =	shalt  }
0x52: {  	_ =	shalt  }
0x53: {  	_ =	shalt  }
0x54: {  	_ =	shalt  }
0x55: {  	_ =	shalt  }
0x56: {  	_ =	shalt  }
0x57: {  	_ =	shalt  }
0x58: {  	_ =	shalt  }
0x59: {  	_ =	shalt  }
0x5a: {  	_ =	shalt  }
0x5b: {  	_ =	shalt  }
0x5c: {  	_ =	shalt  }
0x5d: {  	_ =	shalt  }
0x5e: {  	_ =	shalt  }
0x5f: {  	_ =	shalt  }
0x60: {  	_ =	shalt  }
0x61: {  	_ =	shalt  }
0x62: {  	_ =	shalt  }
0x63: {  	_ =	shalt  }
0x64: {  	_ =	shalt  }
0x65: {  	_ =	shalt  }
0x66: {  	_ =	shalt  }
0x67: {  	_ =	shalt  }
0x68: {  	_ =	shalt  }
0x69: {  	_ =	shalt  }
0x6a: {  	_ =	shalt  }
0x6b: {  	_ =	shalt  }
0x6c: {  	_ =	shalt  }
0x6d: {  	_ =	shalt  }
0x6e: {  	_ =	shalt  }
0x6f: {  	_ =	shalt  }
0x70: {  	_ =	shalt  }
0x71: {  	_ =	shalt  }
0x72: {  	_ =	shalt  }
0x73: {  	_ =	shalt  }
0x74: {  	_ =	shalt  }
0x75: {  	_ =	shalt  }
0x76: {  	_ =	shalt  }
0x77: {  	_ =	shalt  }
0x78: {  	_ =	shalt  }
0x79: {  	_ =	shalt  }
0x7a: {  	_ =	shalt  }
0x7b: {  	_ =	shalt  }
0x7c: {  	_ =	shalt  }
0x7d: {  	_ =	shalt  }
0x7e: {  	_ =	shalt  }
0x7f: {  	_ =	shalt  }
0x80: {  	_ =	shalt  }
0x81: {  	_ =	shalt  }
0x82: {  	_ =	shalt  }
0x83: {  	_ =	shalt  }
0x84: {  	_ =	shalt  }
0x85: {  	_ =	shalt  }
0x86: {  	_ =	shalt  }
0x87: {  	_ =	shalt  }
.Lfunc_end0:
.L_simem_size_0:
called_computation.1_lowered:
.L_overlay_start_0:
0x88: {  	s2 =	sld [smem:$0x3FD9]  }
0x89: {  	s3 =	sld [smem:$0x3FFE];
	_ =	sdelay $0x1  }
0x8a: {  	s1 =	srdreg.scid  }
0x8b: {  	s0 =	sand.u32 $0x1, s1  }
0x8c: {  	s17 =	sshll.u32 s0, $0xA;
	s2 =	sadd.s32 s3, s2  }
0x8d: {  	s2 =	sadd.s32 s2, s17  }
0x8e: {  	[smem:$0x3FC6] =	sst s2  }
0x8f: {  	_ = 	snop  }
0x90: {  	s2 =	sld [smem:$0x3FC9]  }
0x91: {  	s18 =	sld [smem:$0x3FD0];
	(tm) =	ssettm $0x1  }
0x92: {  	s4 =	sld [smem:$0x3FFB];
	_ =	sdelay $0x3  }
0x93: {  	_ =	strace s4  }
0x94: {  	s4 =	sld [smem:$0x3FFC];
	_ =	sdelay $0x3  }
0x95: {  	_ =	strace s4  }
0x96: {  	s4 =	sld [smem:$0x3FFD];
	_ =	sdelay $0x3  }
0x97: {  	_ =	strace s4  }
0x98: {  	_ =	strace $0x8FFFFFFF  }
0x99: {  	s19 =	sld [smem:$0x3FDB];
	_ =	sdelay $0x1  }
0x9a: {  	s5 =	simm.s32 $_scs_section_size  }
0x9b: {  	s6 =	simm.s32 $_size__tile_overlayer_lowered;
	s7 =	simm.s32 $_tile_overlayer_lowered  }
0x9c: {  	s22 =	simm.s32 $0x1BFF;
	s21 =	sshll.u32 s7, $0x1;
	s4 =	sadd.s32 s5, s19  }
0x9d: {  	s8 =	simm.s32 $0x0;
	s20 =	sshll.u32 s6, $0x1;
	s6 =	sadd.s32 s21, s4  }
0x9e: {  	[timem:s8], [sflag:s22] =	dma.local [hbm:s6], s20  }
0x9f: {  	_ =	swait.ge [sflag:s22], s20  }
0xa0: {  	s5 =	ssub.s32 $0x0, s20;
	[sflag:s22] =	ssyncset.done $0x0  }
0xa1: {  	[sflag:s22] =	ssyncadd.s32 s5;
	_ =	sdelay $0x1  }
0xa2: {  	s23 =	simm.s32 $0x1B8B  }
0xa3: {  	_ =	swait.ge [sflag:s23], $0x1  }
0xa4: {  	[sflag:s23] =	ssyncset.done $0x0  }
0xa5: {  	s25 =	simm.s32 $0x1B8E;
	s24 =	sld [smem:$0x3FFE];
	[sflag:s23] =	ssyncadd.s32 $0xFFFFFFFF  }
0xa6: {  	s26 =	simm.s32 $execute0_lowered;
	[smem:$0x3FD2] =	sst s25  }
0xa7: {  	s6 =	sshll.u32 s26, $0x1;
	_ =	strace $0x80000046;
	[dreg:$0x1] =	wrdreg $0xFFFFFFFF  }
0xa8: {  	s28 =	simm.s32 $_size_execute0_lowered;
	s4 =	sadd.s32 s4, s6;
	[dreg:$0x0] =	wrdreg $0x0  }
0xa9: {  	s6 =	sshll.u32 s28, $0x1;
	[dreg:$0x2] =	wrdreg s4  }
0xaa: {  	[dreg:$0x3] =	wrdreg s6  }
0xab: {  	[dreg:$0x4] =	wrdreg $0xC0  }
0xac: {  	_ =	task [dreg:s8], $0x5FFFF  }
0xad: {  	[dreg:$0x1] =	wrdreg $0xFFFFFFFF  }
0xae: {  	[dreg:$0x0] =	wrdreg $0x60  }
0xaf: {  	[dreg:$0x2] =	wrdreg s2  }
0xb0: {  	[dreg:$0x3] =	wrdreg s24  }
0xb1: {  	[dreg:$0x4] =	wrdreg s18  }
0xb2: {  	[dreg:$0x5] =	wrdreg $0x9  }
0xb3: {  	_ =	task.clear_ibuf [dreg:s8], $0x6FFFF;
	_ =	strace $0x90000046  }
0xb4: {  	s29 =	simm.s32 $0x9;
	_ =	strace $0x80000048  }
0xb5: {  	_ =	swait.ge [sflag:s29], $0x1  }
0xb6: {  	[sflag:s29] =	ssyncadd.s32 $0xFFFFFFFF  }
0xb7: {  	_ =	strace $0x90000048  }
0xb8: {  	_ =	sfence  }
0xb9: {  	s30 =	sld [smem:$0x0];
	_ =	sdelay $0x2  }
0xba: {  	s31 =	sshll.u32 s1, $0xD;
	s1 =	sshrl.u32 s1, $0x2  }
0xbb: {  	s3 =	sand.u32 $0x4000, s31;
	s1 =	sadd.s32 s1, s30  }
0xbc: {  	s0 =	sor.u32 s3, s0;
	s1 =	sshll.u32 s1, $0x11  }
0xbd: {  	s0 =	sor.u32 s1, s0  }
0xbe: {  	s0 =	sadd.s32 $0x8F2B, s0  }
0xbf: {  	[sflag:s0] =	ssyncadd.remote.s32 $0x1  }
0xc0: {  	_ =	sfence.sel $0xFFFF  }
0xc1: {  	[dreg:$0x0] =	wrdreg $0xFFFFFFFF;
	(pc) =	sbr.abs _section_cstart, $3  }
0xc2: {  	[dreg:$0x1] =	wrdreg $0xFFFFFFFF  }
0xc3: {  	_ =	task.clear_ibuf [dreg:s8], $0x2FFFF;
	_ =	strace $0x9FFFFFFF  }
0xc4: {  	(tm) =	ssettm $0x7FFFFFFF  }
0xc5: {  	_ =	shalt  }
tec
execute0_lowered:
.L_overlay_start_1:
0x0: {  	(tag) =	ssettag $0x1  }
0x1: {  	s0 =	srdreg.scid;
	s1 =	stileid.u32  }
0x2: {  	s0 =	sand.u32 $0x1, s0;
	s1 =	sshll.u32 s1, $0x1  }
0x3: {  	s3 =	sor.u32 s0, s1  }
0x4: {  	v0 =	vlaneseq.u32;
	s1 =	sshll.u32 s3, $0x5  }
0x5: {  	v2 =	vor.u32 s1, v0  }
0x6: {  	v1 =	vcvt.s32.f32 v2;
	_ =	sdelay $0x1  }
0x7: {  	s2 =	sor.u32 $0x10, s1;
	v1 =	vadd.f32 $5.000000000e-01, v1  }
0x8: {  	v3 =	vor.u32 s2, v0  }
0x9: {  	v4 =	vcvt.s32.f32 v3;
	v1 =	vmul.f32 $2.040816280e-02, v1;
	_ =	sdelay $0x1  }
0xa: {  	v4 =	vadd.f32 $5.000000000e-01, v4;
	v5 =	vtrunc.f32 v1  }
0xb: {  	v1 =	vcvt.f32.s32 v5  }
0xc: {  	v4 =	vmul.f32 $2.040816280e-02, v4  }
0xd: {  	v6 =	vmul.u32 $0xFFFFFFCF, v1  }
0xe: {  	v4 =	vtrunc.f32 v4  }
0xf: {  	v6 =	vadd.s32 v2, v6;
	v2 =	vcvt.f32.s32 v4  }
0x10: {  	v7 =	vcvt.s32.f32 v6  }
0x11: {  	v8 =	vmul.u32 $0xFFFFFFCF, v2  }
0x12: {  	v7 =	vadd.f32 $5.000000000e-01, v7  }
0x13: {  	v9 =	vadd.s32 v3, v8  }
0x14: {  	v3 =	vmul.f32 $1.428571490e-01, v7;
	v7 =	vcvt.s32.f32 v9;
	_ =	sdelay $0x1  }
0x15: {  	s5 =	rddreg [dreg:$0x1];
	v7 =	vadd.f32 $5.000000000e-01, v7  }
0x16: {  	s7 =	rddreg [dreg:$0x2];
	s4 =	simm.s32 $0x0;
	v3 =	vtrunc.f32 v3  }
0x17: {  	s14 =	simm.s32 $0x6080;
	s15 =	simm.s32 $0x6880;
	s16 =	simm.s32 $0x7080;
	v8 =	vcvt.f32.s32 v3;
	v3 =	vadd.f32 $5.000000000e-01, v5;
	v5 =	vmul.f32 $1.428571490e-01, v7  }
0x18: {  	s17 =	simm.s32 $0x7880;
	s18 =	simm.s32 $0x8080;
	s19 =	simm.s32 $0x8880;
	vm0 =	vmmov $0xffff;
	v16 =	vshrl.u32 v0, $0x3;
	v17 =	vor.u32 $0x8, v0  }
0x19: {  	s20 =	simm.s32 $0x9080;
	s21 =	simm.s32 $0x9880;
	s22 =	simm.s32 $0xA080;
	v7 =	vmul.u32 $0xFFFFFFF9, v8;
	v3 =	vmul.f32 $1.000000050e-03, v3;
	v5 =	vtrunc.f32 v5  }
0x1a: {  	s23 =	simm.s32 $0xA880;
	s24 =	simm.s32 $0xB080;
	s25 =	simm.s32 $0xB880;
	v16 =	vmul.u32 $0x8, v16;
	v12 =	vcvt.f32.s32 v5;
	v5 =	vadd.f32 $5.000000000e-01, v4  }
0x1b: {  	s9 =	simm.s32 $0x2;
	s26 =	simm.s32 $0x4000;
	s10 =	simm.s32 $0x0;
	v7 =	vadd.s32 v6, v7;
	v6 =	vtrunc.f32 v3;
	v3 =	vadd.s32 $0xFA0, v1  }
0x1c: {  	[smem:$0x7FF] =	sst s4;
	s5 =	sadd.s32 $0x800, s5;
	s0 =	ssub.s32 $0x2, s0;
	v10 =	vcvt.f32.s32 v6;
	v11 =	vmul.u32 $0xFFFFFFF9, v12;
	v13 =	vmul.f32 $1.000000050e-03, v5  }
.Ltmp0:
0x1d: {  	s6 =	sshrl.u32 s0, $0x1;
	p0 =	slt.u32 s3, $0xD;
	v4 =	vadd.s32 $0x1F40, v1;
	v6 =	vcvt.s32.f32 v8;
	v7 =	vcvt.s32.f32 v7;
	(pc) =	sbr.rel .LBB2_1-.Ltmp0, $4  }
0x1e: {  	s3 =	sshll.u32 s3, $0xA;
	s0 =	ssub.s32 s0, s6;
	s6 =	simm.s32 $0xC0;
	v5 =	vadd.s32 $0x2EE0, v1;
	v14 =	vadd.s32 v9, v11;
	v9 =	vtrunc.f32 v13  }
0x1f: {  	s7 =	sadd.s32 s7, s3;
	s2 =	rddreg [dreg:$0x0];
	_ =	strace $0x80000047;
	v12 =	vcvt.s32.f32 v12;
	v8 =	vshll.u32 v10, $0xE;
	v15 =	vcvt.f32.s32 v9  }
0x20: {  	[dreg:$0x4] =	wrdreg s5;
	s6 =	simm.s32 @!p0 $0xBF;
	s0 =	smax.u32 s0, $0x1;
	v10 =	vadd.s32 $0x1F40, v2;
	v11 =	vadd.s32 $0x2EE0, v2;
	v9 =	vadd.s32 $0xFA0, v2  }
0x21: {  	s5 =	simm.s32 $0x3F80;
	[dreg:$0x5] =	wrdreg s0;
	s0 =	simm.s32 $0x1;
	[tilespmem:$0x1FFF0] =	vst v3;
	v13 =	vcvt.s32.f32 v14;
	v14 =	vshll.u32 v15, $0xE;
	v15 =	vand.u32 $0x7, v0  }
.LBB2_15:
0x22: {  	s3 =	simm.s32 $0x3  }
0x23: {  	_ =	swait.ge [sflag:s3], $0x2000  }
0x24: {  	[sflag:s3] =	ssyncset.done $0x0  }
0x25: {  	s8 =	simm.s32 $0x4;
	[sflag:s3] =	ssyncadd.s32 $0xFFFFE000  }
0x26: {  	_ =	swait.ge [sflag:s8], $0x2000  }
0x27: {  	s10 =	rddreg [dreg:$0x6]  }
0x28: {  	s31 =	rddreg [dreg:$0x5];
	s10 =	sadd.s32 $0x1, s10  }
0x29: {  	p0 =	sne.s32 s10, s31  }
.Ltmp1:
0x2a: {  	_ = 	snop;
	(pc) =	sbr.rel @!p0 .LBB2_16-.Ltmp1, $3  }
0x2b: {  	_ =	sdelay $0x1  }
0x2c: {  	[sflag:s8] =	ssyncset.done $0x0  }
0x2d: {  	[sflag:s8] =	ssyncadd.s32 $0xFFFFE000  }
.LBB2_1:
0x2e: {  	[dreg:$0x6] =	wrdreg s10  }
0x2f: {  	s3 =	rddreg [dreg:$0x4];
	s12 =	simm.s32 $0x5  }
0x30: {  	[tilespmem:s4], [sflag:$0x5] =	stream.linear.gather [hbm4b:s3+s4], $0x3E80, $0x38;
	[tilespmem:$0x18080] =	vst v63  }
0x31: {  	_ =	swait.ge [sflag:s12], $0x3E80  }
0x32: {  	v3 =	vld [tilespmem:$0x1FFF0];
	_ =	sdelay $0x2  }
0x33: {  	[sflag:s12] =	ssyncset.done $0x0  }
0x34: {  	[sflag:s12] =	ssyncadd.s32 $0xFFFFC180  }
0x35: {  	v18 =	vld.idx.msk [tilespmem:v1+s4+$0x0], $0xffff  }
0x36: {  	v20 =	vld.idx.msk [tilespmem:v5+s4+$0x0], $0xffff  }
0x37: {  	v21 =	vld.idx.msk [tilespmem:v4+s4+$0x0], $0xffff  }
0x38: {  	v19 =	vld.idx.msk [tilespmem:v3+s4+$0x0], $0xffff;
	_ =	sdelay $0x3  }
0x39: {  	v21 =	vsub.f32 v21, v18  }
0x3a: {  	v20 =	vsub.f32 v20, v19  }
0x3b: {  	v21 =	vmul.f32 $2.116666600e+01, v21  }
0x3c: {  	v20 =	vmul.f32 $2.116666600e+01, v20  }
0x3d: {  	v18 =	vmul.f32 $1.270000000e+02, v18;
	v21 =	vmul.f32 v7, v21  }
0x3e: {  	v19 =	vmul.f32 $1.270000000e+02, v19;
	v20 =	vmul.f32 v6, v20  }
0x3f: {  	v18 =	vadd.f32 v21, v18  }
0x40: {  	v19 =	vadd.f32 v20, v19  }
0x41: {  	v18 =	vmax.f32 v18, $0.0e+00  }
0x42: {  	v18 =	vmin.f32 v18, $1.270000000e+02;
	v19 =	vmax.f32 v19, $0.0e+00  }
0x43: {  	v37 =	vtrunc.f32 v18;
	v19 =	vmin.f32 v19, $1.270000000e+02  }
0x44: {  	v21 =	vcvt.f32.s32 v37;
	v36 =	vtrunc.f32 v19  }
0x45: {  	v20 =	vcvt.f32.s32 v36  }
0x46: {  	v23 =	vcvt.s32.f32 v21;
	v39 =	vadd.s32 $0x1, v21  }
0x47: {  	v22 =	vcvt.s32.f32 v20;
	v24 =	vadd.s32 $0x1, v20;
	v20 =	vshll.u32 v20, $0x7  }
0x48: {  	v18 =	vsub.f32 v18, v23;
	vm1 =	vlt.s32 v24, $0x7F;
	v20 =	vadd.s32 v8, v20  }
0x49: {  	v19 =	vsub.f32 v19, v22;
	v38 =	vnsel vm1, $0x7F, v24;
	vm1 =	vlt.s32 v39, $0x7F  }
0x4a: {  	v40 =	vadd.s32 v21, v20;
	v22 =	vshll.u32 v38, $0x7;
	v23 =	vnsel vm1, $0x7F, v39  }
0x4b: {  	v25 =	vsub.f32 $1.000000000e+00, v18;
	[tilespmem:$0x3E80] =	vst v40;
	v22 =	vadd.s32 v8, v22;
	v20 =	vadd.s32 v23, v20  }
0x4c: {  	v41 =	vsub.f32 $1.000000000e+00, v19;
	[tilespmem:$0x3EA0] =	vst v20;
	v42 =	vadd.s32 v21, v22  }
0x4d: {  	v46 =	vmul.f32 v25, v19;
	v43 =	vadd.s32 v23, v22;
	[tilespmem:$0x3EC0] =	vst v42  }
0x4e: {  	v44 =	vmul.f32 v41, v25;
	[tilespmem:$0x3EE0] =	vst v43  }
0x4f: {  	v45 =	vmul.f32 v41, v18;
	[tilespmem:$0x3FC0] =	vst v46  }
0x50: {  	v18 =	vmul.f32 v19, v18;
	[tilespmem:$0x3F80] =	vst v44  }
0x51: {  	[tilespmem:$0x3FA0] =	vst v45  }
0x52: {  	[tilespmem:$0x3FE0] =	vst v18  }
0x53: {  	v18 =	vld.idx.msk [tilespmem:v2+s4+$0x0], $0xffff  }
0x54: {  	v19 =	vld.idx.msk [tilespmem:v9+s4+$0x0], $0xffff  }
0x55: {  	v20 =	vld.idx.msk [tilespmem:v11+s4+$0x0], $0xffff  }
0x56: {  	v21 =	vld.idx.msk [tilespmem:v10+s4+$0x0], $0xffff;
	_ =	sdelay $0x4  }
0x57: {  	v20 =	vsub.f32 v20, v19;
	v21 =	vsub.f32 v21, v18;
	_ =	sdelay $0x1  }
0x58: {  	v20 =	vmul.f32 $2.116666600e+01, v20;
	v21 =	vmul.f32 $2.116666600e+01, v21  }
0x59: {  	v19 =	vmul.f32 $1.270000000e+02, v19;
	v18 =	vmul.f32 $1.270000000e+02, v18  }
0x5a: {  	v51 =	vld [tilespmem:$0x3E80];
	v20 =	vmul.f32 v12, v20;
	v21 =	vmul.f32 v13, v21;
	_ =	sdelay $0x1  }
0x5b: {  	v19 =	vadd.f32 v20, v19;
	v18 =	vadd.f32 v21, v18;
	_ =	sdelay $0x1  }
0x5c: {  	v19 =	vmax.f32 v19, $0.0e+00;
	v18 =	vmax.f32 v18, $0.0e+00  }
0x5d: {  	v26 =	vshll.u32 v51, $0x1;
	v19 =	vmin.f32 v19, $1.270000000e+02;
	v18 =	vmin.f32 v18, $1.270000000e+02  }
0x5e: {  	v24 =	vand.u32 $0x7, v51;
	v47 =	vtrunc.f32 v19;
	v48 =	vtrunc.f32 v18  }
0x5f: {  	v26 =	vand.u32 $0xFFFFFFF0, v26;
	v20 =	vcvt.f32.s32 v47;
	v21 =	vcvt.f32.s32 v48  }
0x60: {  	v24 =	vor.u32 v24, v26  }
0x61: {  	v49 =	vcvt.s32.f32 v20;
	v50 =	vcvt.s32.f32 v21;
	v52 =	vadd.s32 $0x1, v20  }
0x62: {  	v53 =	vadd.s32 $0x1, v21;
	v20 =	vshll.u32 v20, $0x7;
	vm1 =	vlt.s32 v52, $0x7F  }
0x63: {  	v20 =	vadd.s32 v14, v20;
	v19 =	vsub.f32 v19, v49;
	v22 =	vnsel vm1, $0x7F, v52  }
0x64: {  	v18 =	vsub.f32 v18, v50;
	vm1 =	vlt.s32 v53, $0x7F;
	v22 =	vshll.u32 v22, $0x7  }
0x65: {  	v54 =	vadd.s32 v21, v20;
	v23 =	vnsel vm1, $0x7F, v53;
	v22 =	vadd.s32 v14, v22  }
0x66: {  	[tilespmem:$0x3E90] =	vst v54;
	v20 =	vadd.s32 v23, v20;
	v55 =	vsub.f32 $1.000000000e+00, v19;
	v56 =	vsub.f32 $1.000000000e+00, v18  }
0x67: {  	v58 =	vperm.xlane v24, v15;
	[tilespmem:$0x3EB0] =	vst v20;
	v57 =	vadd.s32 v21, v22  }
0x68: {  	v59 =	vadd.s32 v23, v22;
	[tilespmem:$0x3ED0] =	vst v57;
	v60 =	vmul.f32 v55, v56  }
0x69: {  	v62 =	vperm.xlane v24, v17;
	v21 =	vadd.s32 v16, v58;
	[tilespmem:$0x3EF0] =	vst v59;
	v61 =	vmul.f32 v55, v18  }
0x6a: {  	v63 =	vmul.f32 v56, v19;
	[tilespmem:$0x3F90] =	vst v60  }
0x6b: {  	v18 =	vmul.f32 v19, v18;
	v19 =	vadd.s32 v16, v62;
	[tilespmem:$0x3FB0] =	vst v61  }
0x6c: {  	[tilespmem:$0x3FD0] =	vst v63  }
0x6d: {  	s13 =	simm.s32 $0x4080;
	[tilespmem:$0x3FF0] =	vst v18  }
0x6e: {  	[tilespmem:s13], [sflag:$0x1] =	stream.indirect_vreg.gather [hbm4b:s2+s4], $0x80, v21, vm0, $0xb8;
	[tilespmem:$0x18080] =	vst v63  }
0x6f: {  	s28 =	simm.s32 $0x4880  }
0x70: {  	[tilespmem:s28], [sflag:$0x1] =	stream.indirect_vreg.gather [hbm4b:s2+s4], $0x80, v19, vm0, $0xb8;
	[tilespmem:$0x18080] =	vst v63  }
0x71: {  	v18 =	vld [tilespmem:$0x3E90];
	_ =	sdelay $0x4  }
0x72: {  	v19 =	vshll.u32 v18, $0x1  }
0x73: {  	v18 =	vand.u32 $0x7, v18;
	v19 =	vand.u32 $0xFFFFFFF0, v19  }
0x74: {  	v18 =	vor.u32 v18, v19  }
0x75: {  	v19 =	vperm.xlane v18, v15;
	_ =	sdelay $0x1  }
0x76: {  	v18 =	vperm.xlane v18, v17;
	v19 =	vadd.s32 v16, v19;
	_ =	sdelay $0x1  }
0x77: {  	v18 =	vadd.s32 v16, v18;
	_ =	sdelay $0x1  }
0x78: {  	s30 =	simm.s32 $0x5080  }
0x79: {  	[tilespmem:s30], [sflag:$0x1] =	stream.indirect_vreg.gather [hbm4b:s2+s4], $0x80, v19, vm0, $0xb8;
	[tilespmem:$0x18080] =	vst v63  }
0x7a: {  	s31 =	simm.s32 $0x5880  }
0x7b: {  	[tilespmem:s31], [sflag:$0x1] =	stream.indirect_vreg.gather [hbm4b:s2+s4], $0x80, v18, vm0, $0xb8;
	[tilespmem:$0x18080] =	vst v63  }
0x7c: {  	v18 =	vld [tilespmem:$0x3EA0];
	_ =	sdelay $0x4  }
0x7d: {  	v19 =	vshll.u32 v18, $0x1  }
0x7e: {  	v18 =	vand.u32 $0x7, v18;
	v19 =	vand.u32 $0xFFFFFFF0, v19  }
0x7f: {  	v18 =	vor.u32 v18, v19  }
0x80: {  	v19 =	vperm.xlane v18, v15;
	_ =	sdelay $0x1  }
0x81: {  	v18 =	vperm.xlane v18, v17;
	v19 =	vadd.s32 v16, v19;
	_ =	sdelay $0x1  }
0x82: {  	v18 =	vadd.s32 v16, v18;
	_ =	sdelay $0x2  }
0x83: {  	[tilespmem:s14], [sflag:$0x1] =	stream.indirect_vreg.gather [hbm4b:s2+s4], $0x80, v19, vm0, $0xb8;
	[tilespmem:$0x18080] =	vst v63  }
0x84: {  	_ = 	snop  }
0x85: {  	[tilespmem:s15], [sflag:$0x1] =	stream.indirect_vreg.gather [hbm4b:s2+s4], $0x80, v18, vm0, $0xb8;
	[tilespmem:$0x18080] =	vst v63  }
0x86: {  	v18 =	vld [tilespmem:$0x3EB0];
	_ =	sdelay $0x4  }
0x87: {  	v19 =	vshll.u32 v18, $0x1  }
0x88: {  	v18 =	vand.u32 $0x7, v18;
	v19 =	vand.u32 $0xFFFFFFF0, v19  }
0x89: {  	v18 =	vor.u32 v18, v19  }
0x8a: {  	v19 =	vperm.xlane v18, v15;
	_ =	sdelay $0x1  }
0x8b: {  	v18 =	vperm.xlane v18, v17;
	v19 =	vadd.s32 v16, v19;
	_ =	sdelay $0x1  }
0x8c: {  	v18 =	vadd.s32 v16, v18;
	_ =	sdelay $0x2  }
0x8d: {  	[tilespmem:s16], [sflag:$0x1] =	stream.indirect_vreg.gather [hbm4b:s2+s4], $0x80, v19, vm0, $0xb8;
	[tilespmem:$0x18080] =	vst v63  }
0x8e: {  	_ = 	snop  }
0x8f: {  	[tilespmem:s17], [sflag:$0x1] =	stream.indirect_vreg.gather [hbm4b:s2+s4], $0x80, v18, vm0, $0xb8;
	[tilespmem:$0x18080] =	vst v63  }
0x90: {  	v18 =	vld [tilespmem:$0x3EC0];
	_ =	sdelay $0x4  }
0x91: {  	v19 =	vshll.u32 v18, $0x1  }
0x92: {  	v18 =	vand.u32 $0x7, v18;
	v19 =	vand.u32 $0xFFFFFFF0, v19  }
0x93: {  	v18 =	vor.u32 v18, v19  }
0x94: {  	v19 =	vperm.xlane v18, v15;
	_ =	sdelay $0x1  }
0x95: {  	v18 =	vperm.xlane v18, v17;
	v19 =	vadd.s32 v16, v19;
	_ =	sdelay $0x1  }
0x96: {  	v18 =	vadd.s32 v16, v18;
	_ =	sdelay $0x2  }
0x97: {  	[tilespmem:s18], [sflag:$0x1] =	stream.indirect_vreg.gather [hbm4b:s2+s4], $0x80, v19, vm0, $0xb8;
	[tilespmem:$0x18080] =	vst v63  }
0x98: {  	_ = 	snop  }
0x99: {  	[tilespmem:s19], [sflag:$0x1] =	stream.indirect_vreg.gather [hbm4b:s2+s4], $0x80, v18, vm0, $0xb8;
	[tilespmem:$0x18080] =	vst v63  }
0x9a: {  	v18 =	vld [tilespmem:$0x3ED0];
	_ =	sdelay $0x4  }
0x9b: {  	v19 =	vshll.u32 v18, $0x1  }
0x9c: {  	v18 =	vand.u32 $0x7, v18;
	v19 =	vand.u32 $0xFFFFFFF0, v19  }
0x9d: {  	v18 =	vor.u32 v18, v19  }
0x9e: {  	v19 =	vperm.xlane v18, v15;
	_ =	sdelay $0x1  }
0x9f: {  	v18 =	vperm.xlane v18, v17;
	v19 =	vadd.s32 v16, v19;
	_ =	sdelay $0x1  }
0xa0: {  	v18 =	vadd.s32 v16, v18;
	_ =	sdelay $0x2  }
0xa1: {  	[tilespmem:s20], [sflag:$0x1] =	stream.indirect_vreg.gather [hbm4b:s2+s4], $0x80, v19, vm0, $0xb8;
	[tilespmem:$0x18080] =	vst v63  }
0xa2: {  	_ = 	snop  }
0xa3: {  	[tilespmem:s21], [sflag:$0x1] =	stream.indirect_vreg.gather [hbm4b:s2+s4], $0x80, v18, vm0, $0xb8;
	[tilespmem:$0x18080] =	vst v63  }
0xa4: {  	v18 =	vld [tilespmem:$0x3EE0];
	_ =	sdelay $0x4  }
0xa5: {  	v19 =	vshll.u32 v18, $0x1  }
0xa6: {  	v18 =	vand.u32 $0x7, v18;
	v19 =	vand.u32 $0xFFFFFFF0, v19  }
0xa7: {  	v18 =	vor.u32 v18, v19  }
0xa8: {  	v19 =	vperm.xlane v18, v15;
	_ =	sdelay $0x1  }
0xa9: {  	v18 =	vperm.xlane v18, v17;
	v19 =	vadd.s32 v16, v19;
	_ =	sdelay $0x1  }
0xaa: {  	v18 =	vadd.s32 v16, v18;
	_ =	sdelay $0x2  }
0xab: {  	[tilespmem:s22], [sflag:$0x1] =	stream.indirect_vreg.gather [hbm4b:s2+s4], $0x80, v19, vm0, $0xb8;
	[tilespmem:$0x18080] =	vst v63  }
0xac: {  	_ = 	snop  }
0xad: {  	[tilespmem:s23], [sflag:$0x1] =	stream.indirect_vreg.gather [hbm4b:s2+s4], $0x80, v18, vm0, $0xb8;
	[tilespmem:$0x18080] =	vst v63  }
0xae: {  	v18 =	vld [tilespmem:$0x3EF0];
	_ =	sdelay $0x4  }
0xaf: {  	v19 =	vshll.u32 v18, $0x1  }
0xb0: {  	v18 =	vand.u32 $0x7, v18;
	v19 =	vand.u32 $0xFFFFFFF0, v19  }
0xb1: {  	v18 =	vor.u32 v18, v19  }
0xb2: {  	v19 =	vperm.xlane v18, v15;
	_ =	sdelay $0x1  }
0xb3: {  	v18 =	vperm.xlane v18, v17;
	v19 =	vadd.s32 v16, v19;
	_ =	sdelay $0x1  }
0xb4: {  	v18 =	vadd.s32 v16, v18  }
.Ltmp2:
0xb5: {  	_ = 	snop;
	(pc) =	sbr.rel .LBB2_2-.Ltmp2, $4  }
0xb6: {  	_ = 	snop  }
0xb7: {  	[tilespmem:s24], [sflag:$0x1] =	stream.indirect_vreg.gather [hbm4b:s2+s4], $0x80, v19, vm0, $0xb8;
	[tilespmem:$0x18080] =	vst v63  }
0xb8: {  	s29 =	simm.s32 $0x0  }
0xb9: {  	[tilespmem:s25], [sflag:$0x1] =	stream.indirect_vreg.gather [hbm4b:s2+s4], $0x80, v18, vm0, $0xb8;
	[tilespmem:$0x18080] =	vst v63  }
.LBB2_14:
0xba: {  	s29 =	sadd.s32 $0x1, s29  }
0xbb: {  	p0 =	sne.s32 s29, $0x60  }
.Ltmp3:
0xbc: {  	_ = 	snop;
	(pc) =	sbr.rel @!p0 .LBB2_15-.Ltmp3, $1  }
0xbd: {  	_ =	sdelay $0x3  }
.LBB2_2:
0xbe: {  	s30 =	sshllo.u32 s29, $0x1  }
0xbf: {  	p0 =	sge.u32 s30, s6  }
.Ltmp4:
0xc0: {  	_ = 	snop;
	(pc) =	sbr.rel @p0 .LBB2_4-.Ltmp4, $1  }
0xc1: {  	_ =	sdelay $0x3  }
0xc2: {  	s3 =	sshll.u32 s30, $0xA  }
0xc3: {  	s3 =	sor.u32 s1, s3  }
0xc4: {  	v18 =	vor.u32 s3, v0  }
0xc5: {  	v19 =	vcvt.s32.f32 v18;
	_ =	sdelay $0x1  }
0xc6: {  	v19 =	vadd.f32 $5.000000000e-01, v19;
	_ =	sdelay $0x1  }
0xc7: {  	v19 =	vmul.f32 $2.040816280e-02, v19;
	_ =	sdelay $0x1  }
0xc8: {  	v19 =	vtrunc.f32 v19  }
0xc9: {  	v20 =	vcvt.f32.s32 v19;
	_ =	sdelay $0x1  }
0xca: {  	v22 =	vadd.s32 $0xFA0, v20  }
0xcb: {  	v21 =	vmul.u32 $0xFFFFFFCF, v20;
	v57 =	vadd.s32 $0x2EE0, v20;
	_ =	sdelay $0x1  }
0xcc: {  	v18 =	vadd.s32 v18, v21  }
0xcd: {  	v24 =	vadd.s32 $0x1F40, v20;
	v23 =	vcvt.s32.f32 v18  }
0xce: {  	v22 =	vld.idx.msk [tilespmem:v22+s4+$0x0], $0xffff  }
0xcf: {  	v23 =	vadd.f32 $5.000000000e-01, v23;
	v21 =	vld.idx.msk [tilespmem:v57+s4+$0x0], $0xffff;
	_ =	sdelay $0x1  }
0xd0: {  	v20 =	vld.idx.msk [tilespmem:v20+s4+$0x0], $0xffff;
	v23 =	vmul.f32 $1.428571490e-01, v23  }
0xd1: {  	v24 =	vld.idx.msk [tilespmem:v24+s4+$0x0], $0xffff  }
0xd2: {  	v23 =	vtrunc.f32 v23  }
0xd3: {  	v23 =	vcvt.f32.s32 v23;
	v21 =	vsub.f32 v21, v22;
	_ =	sdelay $0x1  }
0xd4: {  	v25 =	vmul.u32 $0xFFFFFFF9, v23;
	v21 =	vmul.f32 $2.116666600e+01, v21;
	v23 =	vcvt.s32.f32 v23  }
0xd5: {  	v24 =	vsub.f32 v24, v20  }
0xd6: {  	v22 =	vmul.f32 $1.270000000e+02, v22;
	v18 =	vadd.s32 v18, v25;
	v21 =	vmul.f32 v23, v21  }
0xd7: {  	v24 =	vmul.f32 $2.116666600e+01, v24;
	v18 =	vcvt.s32.f32 v18  }
0xd8: {  	s3 =	sor.u32 $0x10, s3;
	v19 =	vadd.f32 $5.000000000e-01, v19;
	v21 =	vadd.f32 v21, v22  }
0xd9: {  	v63 =	vor.u32 s3, v0;
	v20 =	vmul.f32 $1.270000000e+02, v20;
	v18 =	vmul.f32 v18, v24  }
0xda: {  	v26 =	vcvt.s32.f32 v63;
	v19 =	vmul.f32 $1.000000050e-03, v19;
	v58 =	vmax.f32 v21, $0.0e+00  }
0xdb: {  	v18 =	vadd.f32 v18, v20;
	v20 =	vmin.f32 v58, $1.270000000e+02  }
0xdc: {  	v26 =	vadd.f32 $5.000000000e-01, v26;
	v19 =	vtrunc.f32 v19;
	v59 =	vtrunc.f32 v20  }
0xdd: {  	v19 =	vcvt.f32.s32 v19;
	v18 =	vmax.f32 v18, $0.0e+00;
	v21 =	vcvt.f32.s32 v59  }
0xde: {  	v26 =	vmul.f32 $2.040816280e-02, v26;
	v18 =	vmin.f32 v18, $1.270000000e+02  }
0xdf: {  	v19 =	vshll.u32 v19, $0xE;
	v60 =	vtrunc.f32 v18;
	v61 =	vcvt.s32.f32 v21  }
0xe0: {  	v28 =	vadd.s32 $0x1, v21;
	v21 =	vshll.u32 v21, $0x7;
	v22 =	vcvt.f32.s32 v60  }
0xe1: {  	v26 =	vtrunc.f32 v26;
	vm1 =	vlt.s32 v28, $0x7F;
	v21 =	vadd.s32 v19, v21  }
0xe2: {  	v20 =	vsub.f32 v20, v61;
	v23 =	vnsel vm1, $0x7F, v28;
	v62 =	vcvt.s32.f32 v22  }
0xe3: {  	v29 =	vadd.s32 $0x1, v22;
	v23 =	vshll.u32 v23, $0x7;
	v30 =	vadd.s32 v22, v21  }
0xe4: {  	vm1 =	vlt.s32 v29, $0x7F;
	v19 =	vadd.s32 v19, v23;
	v31 =	vsub.f32 $1.000000000e+00, v20  }
0xe5: {  	[tilespmem:$0x3F00] =	vst v30;
	v18 =	vsub.f32 v18, v62;
	v24 =	vnsel vm1, $0x7F, v29;
	v32 =	vadd.s32 v22, v19  }
0xe6: {  	v33 =	vcvt.f32.s32 v26;
	[tilespmem:$0x3F40] =	vst v32;
	v19 =	vadd.s32 v24, v19  }
0xe7: {  	v21 =	vadd.s32 v24, v21;
	v27 =	vsub.f32 $1.000000000e+00, v18;
	[tilespmem:$0x3F60] =	vst v19;
	v19 =	vmul.f32 v31, v18  }
0xe8: {  	v37 =	vadd.s32 $0xFA0, v33;
	[tilespmem:$0x3F20] =	vst v21;
	v18 =	vmul.f32 v20, v18  }
0xe9: {  	v35 =	vmul.u32 $0xFFFFFFCF, v33;
	v38 =	vadd.s32 $0x2EE0, v33;
	v34 =	vmul.f32 v31, v27;
	[tilespmem:$0x4020] =	vst v19  }
0xea: {  	v36 =	vmul.f32 v27, v20;
	[tilespmem:$0x4060] =	vst v18  }
0xeb: {  	v19 =	vadd.s32 v63, v35;
	[tilespmem:$0x4000] =	vst v34  }
0xec: {  	v40 =	vadd.s32 $0x1F40, v33;
	v39 =	vcvt.s32.f32 v19;
	[tilespmem:$0x4040] =	vst v36  }
0xed: {  	v42 =	vld.idx.msk [tilespmem:v37+s4+$0x0], $0xffff  }
0xee: {  	v18 =	vadd.f32 $5.000000000e-01, v39;
	v20 =	vld.idx.msk [tilespmem:v38+s4+$0x0], $0xffff;
	_ =	sdelay $0x1  }
0xef: {  	v41 =	vld.idx.msk [tilespmem:v33+s4+$0x0], $0xffff;
	v18 =	vmul.f32 $1.428571490e-01, v18  }
0xf0: {  	v23 =	vld.idx.msk [tilespmem:v40+s4+$0x0], $0xffff  }
0xf1: {  	v18 =	vtrunc.f32 v18  }
0xf2: {  	v18 =	vcvt.f32.s32 v18;
	v20 =	vsub.f32 v20, v42;
	_ =	sdelay $0x1  }
0xf3: {  	v43 =	vmul.u32 $0xFFFFFFF9, v18;
	v20 =	vmul.f32 $2.116666600e+01, v20;
	v18 =	vcvt.s32.f32 v18  }
0xf4: {  	v23 =	vsub.f32 v23, v41  }
0xf5: {  	v22 =	vmul.f32 $1.270000000e+02, v42;
	v19 =	vadd.s32 v19, v43;
	v18 =	vmul.f32 v18, v20  }
0xf6: {  	v51 =	vld [tilespmem:$0x3F00];
	v23 =	vmul.f32 $2.116666600e+01, v23;
	v19 =	vcvt.s32.f32 v19  }
0xf7: {  	v45 =	vadd.f32 $5.000000000e-01, v26;
	v18 =	vadd.f32 v18, v22  }
0xf8: {  	v44 =	vmul.f32 $1.270000000e+02, v41;
	v19 =	vmul.f32 v19, v23  }
0xf9: {  	v20 =	vmul.f32 $1.000000050e-03, v45;
	v18 =	vmax.f32 v18, $0.0e+00  }
0xfa: {  	v19 =	vadd.f32 v19, v44;
	v18 =	vmin.f32 v18, $1.270000000e+02  }
0xfb: {  	v55 =	vshll.u32 v51, $0x1;
	v20 =	vtrunc.f32 v20;
	v46 =	vtrunc.f32 v18  }
0xfc: {  	v20 =	vcvt.f32.s32 v20;
	v19 =	vmax.f32 v19, $0.0e+00;
	v21 =	vcvt.f32.s32 v46  }
0xfd: {  	v26 =	vand.u32 $0x7, v51;
	v25 =	vand.u32 $0xFFFFFFF0, v55;
	v19 =	vmin.f32 v19, $1.270000000e+02  }
0xfe: {  	v20 =	vshll.u32 v20, $0xE;
	v47 =	vtrunc.f32 v19;
	v48 =	vcvt.s32.f32 v21  }
0xff: {  	v50 =	vadd.s32 $0x1, v21;
	v21 =	vshll.u32 v21, $0x7;
	v22 =	vcvt.f32.s32 v47  }
0x100: {  	v25 =	vor.u32 v26, v25;
	vm1 =	vlt.s32 v50, $0x7F;
	v21 =	vadd.s32 v20, v21  }
0x101: {  	v18 =	vsub.f32 v18, v48;
	v52 =	vnsel vm1, $0x7F, v50;
	v49 =	vcvt.s32.f32 v22  }
0x102: {  	v53 =	vadd.s32 $0x1, v22;
	v23 =	vshll.u32 v52, $0x7;
	v54 =	vadd.s32 v22, v21  }
0x103: {  	vm1 =	vlt.s32 v53, $0x7F;
	v20 =	vadd.s32 v20, v23;
	v19 =	vsub.f32 v19, v49  }
0x104: {  	[tilespmem:$0x3F10] =	vst v54;
	v56 =	vsub.f32 $1.000000000e+00, v18;
	v24 =	vnsel vm1, $0x7F, v53;
	v58 =	vadd.s32 v22, v20  }
0x105: {  	v59 =	vperm.xlane v25, v15;
	v21 =	vadd.s32 v24, v21;
	[tilespmem:$0x3F50] =	vst v58;
	v57 =	vsub.f32 $1.000000000e+00, v19  }
0x106: {  	v20 =	vadd.s32 v24, v20;
	[tilespmem:$0x3F30] =	vst v21;
	v61 =	vmul.f32 v56, v19  }
0x107: {  	v62 =	vperm.xlane v25, v17;
	v22 =	vadd.s32 v16, v59;
	[tilespmem:$0x3F70] =	vst v20;
	v60 =	vmul.f32 v56, v57  }
0x108: {  	v63 =	vmul.f32 v57, v18;
	[tilespmem:$0x4030] =	vst v61  }
0x109: {  	v18 =	vmul.f32 v18, v19;
	v19 =	vadd.s32 v16, v62;
	[tilespmem:$0x4010] =	vst v60  }
0x10a: {  	[tilespmem:$0x4050] =	vst v63  }
0x10b: {  	s28 =	simm.s32 $0xC080;
	[tilespmem:$0x4070] =	vst v18  }
0x10c: {  	[tilespmem:s28], [sflag:$0x2] =	stream.indirect_vreg.gather [hbm4b:s2+s4], $0x80, v22, vm0, $0xb8;
	[tilespmem:$0x18080] =	vst v63  }
0x10d: {  	s31 =	simm.s32 $0xC880  }
0x10e: {  	[tilespmem:s31], [sflag:$0x2] =	stream.indirect_vreg.gather [hbm4b:s2+s4], $0x80, v19, vm0, $0xb8;
	[tilespmem:$0x18080] =	vst v63  }
0x10f: {  	v18 =	vld [tilespmem:$0x3F10];
	_ =	sdelay $0x4  }
0x110: {  	v19 =	vshll.u32 v18, $0x1  }
0x111: {  	v18 =	vand.u32 $0x7, v18;
	v19 =	vand.u32 $0xFFFFFFF0, v19  }
0x112: {  	v18 =	vor.u32 v18, v19  }
0x113: {  	v19 =	vperm.xlane v18, v15;
	_ =	sdelay $0x1  }
0x114: {  	v18 =	vperm.xlane v18, v17;
	v19 =	vadd.s32 v16, v19;
	_ =	sdelay $0x1  }
0x115: {  	v18 =	vadd.s32 v16, v18;
	_ =	sdelay $0x1  }
0x116: {  	s8 =	simm.s32 $0xD080  }
0x117: {  	[tilespmem:s8], [sflag:$0x2] =	stream.indirect_vreg.gather [hbm4b:s2+s4], $0x80, v19, vm0, $0xb8;
	[tilespmem:$0x18080] =	vst v63  }
0x118: {  	s10 =	simm.s32 $0xD880  }
0x119: {  	[tilespmem:s10], [sflag:$0x2] =	stream.indirect_vreg.gather [hbm4b:s2+s4], $0x80, v18, vm0, $0xb8;
	[tilespmem:$0x18080] =	vst v63  }
0x11a: {  	v18 =	vld [tilespmem:$0x3F20];
	_ =	sdelay $0x4  }
0x11b: {  	v19 =	vshll.u32 v18, $0x1  }
0x11c: {  	v18 =	vand.u32 $0x7, v18;
	v19 =	vand.u32 $0xFFFFFFF0, v19  }
0x11d: {  	v18 =	vor.u32 v18, v19  }
0x11e: {  	v19 =	vperm.xlane v18, v15;
	_ =	sdelay $0x1  }
0x11f: {  	v18 =	vperm.xlane v18, v17;
	v19 =	vadd.s32 v16, v19;
	_ =	sdelay $0x1  }
0x120: {  	v18 =	vadd.s32 v16, v18;
	_ =	sdelay $0x1  }
0x121: {  	s11 =	simm.s32 $0xE080  }
0x122: {  	[tilespmem:s11], [sflag:$0x2] =	stream.indirect_vreg.gather [hbm4b:s2+s4], $0x80, v19, vm0, $0xb8;
	[tilespmem:$0x18080] =	vst v63  }
0x123: {  	s12 =	simm.s32 $0xE880  }
0x124: {  	[tilespmem:s12], [sflag:$0x2] =	stream.indirect_vreg.gather [hbm4b:s2+s4], $0x80, v18, vm0, $0xb8;
	[tilespmem:$0x18080] =	vst v63  }
0x125: {  	v18 =	vld [tilespmem:$0x3F30];
	_ =	sdelay $0x4  }
0x126: {  	v19 =	vshll.u32 v18, $0x1  }
0x127: {  	v18 =	vand.u32 $0x7, v18;
	v19 =	vand.u32 $0xFFFFFFF0, v19  }
0x128: {  	v18 =	vor.u32 v18, v19  }
0x129: {  	v19 =	vperm.xlane v18, v15;
	_ =	sdelay $0x1  }
0x12a: {  	v18 =	vperm.xlane v18, v17;
	v19 =	vadd.s32 v16, v19;
	_ =	sdelay $0x1  }
0x12b: {  	v18 =	vadd.s32 v16, v18;
	_ =	sdelay $0x1  }
0x12c: {  	s13 =	simm.s32 $0xF080  }
0x12d: {  	[tilespmem:s13], [sflag:$0x2] =	stream.indirect_vreg.gather [hbm4b:s2+s4], $0x80, v19, vm0, $0xb8;
	[tilespmem:$0x18080] =	vst v63  }
0x12e: {  	s28 =	simm.s32 $0xF880  }
0x12f: {  	[tilespmem:s28], [sflag:$0x2] =	stream.indirect_vreg.gather [hbm4b:s2+s4], $0x80, v18, vm0, $0xb8;
	[tilespmem:$0x18080] =	vst v63  }
0x130: {  	v18 =	vld [tilespmem:$0x3F40];
	_ =	sdelay $0x4  }
0x131: {  	v19 =	vshll.u32 v18, $0x1  }
0x132: {  	v18 =	vand.u32 $0x7, v18;
	v19 =	vand.u32 $0xFFFFFFF0, v19  }
0x133: {  	v18 =	vor.u32 v18, v19  }
0x134: {  	v19 =	vperm.xlane v18, v15;
	_ =	sdelay $0x1  }
0x135: {  	v18 =	vperm.xlane v18, v17;
	v19 =	vadd.s32 v16, v19;
	_ =	sdelay $0x1  }
0x136: {  	v18 =	vadd.s32 v16, v18;
	_ =	sdelay $0x1  }
0x137: {  	s31 =	simm.s32 $0x10080  }
0x138: {  	[tilespmem:s31], [sflag:$0x2] =	stream.indirect_vreg.gather [hbm4b:s2+s4], $0x80, v19, vm0, $0xb8;
	[tilespmem:$0x18080] =	vst v63  }
0x139: {  	s8 =	simm.s32 $0x10880  }
0x13a: {  	[tilespmem:s8], [sflag:$0x2] =	stream.indirect_vreg.gather [hbm4b:s2+s4], $0x80, v18, vm0, $0xb8;
	[tilespmem:$0x18080] =	vst v63  }
0x13b: {  	v18 =	vld [tilespmem:$0x3F50];
	_ =	sdelay $0x4  }
0x13c: {  	v19 =	vshll.u32 v18, $0x1  }
0x13d: {  	v18 =	vand.u32 $0x7, v18;
	v19 =	vand.u32 $0xFFFFFFF0, v19  }
0x13e: {  	v18 =	vor.u32 v18, v19  }
0x13f: {  	v19 =	vperm.xlane v18, v15;
	_ =	sdelay $0x1  }
0x140: {  	v18 =	vperm.xlane v18, v17;
	v19 =	vadd.s32 v16, v19;
	_ =	sdelay $0x1  }
0x141: {  	v18 =	vadd.s32 v16, v18;
	_ =	sdelay $0x1  }
0x142: {  	s10 =	simm.s32 $0x11080  }
0x143: {  	[tilespmem:s10], [sflag:$0x2] =	stream.indirect_vreg.gather [hbm4b:s2+s4], $0x80, v19, vm0, $0xb8;
	[tilespmem:$0x18080] =	vst v63  }
0x144: {  	s11 =	simm.s32 $0x11880  }
0x145: {  	[tilespmem:s11], [sflag:$0x2] =	stream.indirect_vreg.gather [hbm4b:s2+s4], $0x80, v18, vm0, $0xb8;
	[tilespmem:$0x18080] =	vst v63  }
0x146: {  	v18 =	vld [tilespmem:$0x3F60];
	_ =	sdelay $0x4  }
0x147: {  	v19 =	vshll.u32 v18, $0x1  }
0x148: {  	v18 =	vand.u32 $0x7, v18;
	v19 =	vand.u32 $0xFFFFFFF0, v19  }
0x149: {  	v18 =	vor.u32 v18, v19  }
0x14a: {  	v19 =	vperm.xlane v18, v15;
	_ =	sdelay $0x1  }
0x14b: {  	v18 =	vperm.xlane v18, v17;
	v19 =	vadd.s32 v16, v19;
	_ =	sdelay $0x1  }
0x14c: {  	v18 =	vadd.s32 v16, v18;
	_ =	sdelay $0x1  }
0x14d: {  	s12 =	simm.s32 $0x12080  }
0x14e: {  	[tilespmem:s12], [sflag:$0x2] =	stream.indirect_vreg.gather [hbm4b:s2+s4], $0x80, v19, vm0, $0xb8;
	[tilespmem:$0x18080] =	vst v63  }
0x14f: {  	s13 =	simm.s32 $0x12880  }
0x150: {  	[tilespmem:s13], [sflag:$0x2] =	stream.indirect_vreg.gather [hbm4b:s2+s4], $0x80, v18, vm0, $0xb8;
	[tilespmem:$0x18080] =	vst v63  }
0x151: {  	v18 =	vld [tilespmem:$0x3F70];
	_ =	sdelay $0x4  }
0x152: {  	v19 =	vshll.u32 v18, $0x1  }
0x153: {  	v18 =	vand.u32 $0x7, v18;
	v19 =	vand.u32 $0xFFFFFFF0, v19  }
0x154: {  	v18 =	vor.u32 v18, v19  }
0x155: {  	v19 =	vperm.xlane v18, v15;
	_ =	sdelay $0x1  }
0x156: {  	v18 =	vperm.xlane v18, v17;
	v19 =	vadd.s32 v16, v19;
	_ =	sdelay $0x1  }
0x157: {  	v18 =	vadd.s32 v16, v18;
	_ =	sdelay $0x1  }
0x158: {  	s28 =	simm.s32 $0x13080  }
0x159: {  	[tilespmem:s28], [sflag:$0x2] =	stream.indirect_vreg.gather [hbm4b:s2+s4], $0x80, v19, vm0, $0xb8;
	[tilespmem:$0x18080] =	vst v63  }
0x15a: {  	s31 =	simm.s32 $0x13880  }
0x15b: {  	[tilespmem:s31], [sflag:$0x2] =	stream.indirect_vreg.gather [hbm4b:s2+s4], $0x80, v18, vm0, $0xb8;
	[tilespmem:$0x18080] =	vst v63  }
.LBB2_4:
0x15c: {  	s31 =	sshll.u32 s29, $0x1  }
0x15d: {  	p2 =	sge.u32 s31, s6  }
.Ltmp5:
0x15e: {  	_ = 	snop;
	(pc) =	sbr.rel @p2 .LBB2_8-.Ltmp5, $2  }
0x15f: {  	_ =	sdelay $0x2  }
0x160: {  	p1 =	seq.s32 s29, $0x0  }
0x161: {  	_ =	swait.ge [sflag:s0], $0x8000  }
0x162: {  	[sflag:s0] =	ssyncset.done $0x0  }
0x163: {  	s3 =	simm.s32 @!p1 $0x3;
	[sflag:s0] =	ssyncadd.s32 $0xFFFF8000  }
0x164: {  	s8 =	simm.s32 $0x0;
	_ =	swait.ge @!p1 [sflag:s3], $0x2000  }
0x165: {  	s10 =	sand.u32 $0x1800, s8;
	s11 =	sand.u32 $0x380, s8;
	[sflag:s3] =	ssyncset.done @!p1 $0x0  }
0x166: {  	[sflag:s3] =	ssyncadd.s32 @!p1 $0xFFFFE000;
	s3 =	sor.u32 s11, s10  }
0x167: {  	v25 =	vld [tilespmem:s3+$0xA4D0]  }
0x168: {  	v26 =	vld [tilespmem:s3+$0x84D0]  }
0x169: {  	v27 =	vld [tilespmem:s3+$0x44D0]  }
0x16a: {  	v19 =	vld [tilespmem:s3+$0xA480]  }
0x16b: {  	v32 =	vld [tilespmem:s3+$0x64C0]  }
0x16c: {  	v18 =	vld [tilespmem:s3+$0xA490]  }
0x16d: {  	v28 =	vld [tilespmem:s3+$0x44B0]  }
0x16e: {  	v33 =	vld [tilespmem:s3+$0x8490]  }
0x16f: {  	v29 =	vld [tilespmem:s3+$0x8480]  }
0x170: {  	v20 =	vld [tilespmem:s3+$0x6490]  }
0x171: {  	v34 =	vld [tilespmem:s3+$0x4490]  }
0x172: {  	v35 =	vld [tilespmem:s3+$0x6480]  }
0x173: {  	v31 =	vld [tilespmem:s3+$0x4480]  }
0x174: {  	v36 =	vld [tilespmem:s3+$0x60F0]  }
0x175: {  	v37 =	vld [tilespmem:s3+$0x40F0]  }
0x176: {  	v38 =	vld [tilespmem:s3+$0x60E0]  }
0x177: {  	v39 =	vld [tilespmem:s3+$0x60D0]  }
0x178: {  	v40 =	vld [tilespmem:s3+$0x60C0]  }
0x179: {  	v41 =	vld [tilespmem:s3+$0x40C0]  }
0x17a: {  	v42 =	vld [tilespmem:s3+$0x60B0]  }
0x17b: {  	v43 =	vld [tilespmem:s3+$0x40B0]  }
0x17c: {  	v44 =	vld [tilespmem:s3+$0x60A0]  }
0x17d: {  	v45 =	vld [tilespmem:s3+$0xA0B0]  }
0x17e: {  	v22 =	vmov s8;
	v46 =	vld [tilespmem:s3+$0x64F0]  }
0x17f: {  	v47 =	vld [tilespmem:s3+$0x64D0]  }
0x180: {  	v49 =	vld [tilespmem:s3+$0x8080]  }
0x181: {  	v51 =	vld [tilespmem:s3+$0x6080]  }
0x182: {  	v23 =	vor.u32 $0x20, v22;
	v52 =	vld [tilespmem:s3+$0x64E0]  }
0x183: {  	v48 =	vor.u32 $0x60, v22;
	v30 =	vld.idx.msk [tilespmem:v22+s5+$0x0], $0xffff  }
0x184: {  	v50 =	vor.u32 $0x40, v22;
	v53 =	vld [tilespmem:s3+$0x84E0]  }
0x185: {  	v54 =	vld [tilespmem:s3+$0x4090]  }
0x186: {  	v57 =	vld [tilespmem:s3+$0x6090]  }
0x187: {  	v24 =	vld.idx.msk [tilespmem:v23+s5+$0x0], $0xffff  }
0x188: {  	v22 =	vld.idx.msk [tilespmem:v48+s5+$0x0], $0xffff  }
0x189: {  	v23 =	vld.idx.msk [tilespmem:v50+s5+$0x0], $0xffff  }
0x18a: {  	v55 =	vld [tilespmem:s3+$0xA080];
	v27 =	vmul.f32 v27, v30  }
0x18b: {  	v56 =	vld [tilespmem:s3+$0xA4E0];
	v54 =	vmul.f32 v54, v30;
	v43 =	vmul.f32 v43, v30  }
0x18c: {  	v59 =	vld [tilespmem:s3+$0x8090];
	v41 =	vmul.f32 v41, v30;
	v31 =	vmul.f32 v31, v30  }
0x18d: {  	v61 =	vld [tilespmem:s3+$0xA090];
	v47 =	vmul.f32 v47, v24;
	v57 =	vmul.f32 v57, v24  }
0x18e: {  	v63 =	vld [tilespmem:s3+$0x40A0];
	v26 =	vmul.f32 v26, v23;
	v3 =	vmul.f32 v25, v22  }
0x18f: {  	v48 =	vld [tilespmem:s3+$0x4080];
	v25 =	vmul.f32 v34, v30;
	v40 =	vmul.f32 v40, v24  }
0x190: {  	v42 =	vmul.f32 v42, v24;
	v39 =	vmul.f32 v39, v24;
	v27 =	vadd.f32 v47, v27;
	v47 =	vld [tilespmem:s3+$0x80A0]  }
0x191: {  	v54 =	vadd.f32 v57, v54;
	v57 =	vmul.f32 v59, v23;
	v40 =	vadd.f32 v40, v41;
	v41 =	vld [tilespmem:s3+$0x80E0]  }
0x192: {  	v36 =	vmul.f32 v36, v24;
	v35 =	vmul.f32 v35, v24;
	v26 =	vadd.f32 v26, v27;
	v27 =	vld [tilespmem:s3+$0x80C0]  }
0x193: {  	v38 =	vmul.f32 v38, v24;
	v34 =	vadd.f32 v57, v54;
	v54 =	vmul.f32 v61, v22;
	v57 =	vld [tilespmem:s3+$0xA0A0]  }
0x194: {  	v29 =	vmul.f32 v29, v23;
	v61 =	vld [tilespmem:s3+$0xA0C0];
	v3 =	vadd.f32 v3, v26;
	v26 =	vmul.f32 v48, v30  }
0x195: {  	v62 =	vld [tilespmem:s3+$0xA4F0];
	v48 =	vmul.f32 v51, v24;
	v34 =	vadd.f32 v54, v34;
	v54 =	vmul.f32 v55, v22  }
0x196: {  	v51 =	vld [tilespmem:s3+$0x40D0];
	v55 =	vmul.f32 v47, v23;
	[tilespmem:s3+$0x144D0] =	vst v3;
	v3 =	vmul.f32 v44, v24  }
0x197: {  	v58 =	vld [tilespmem:s3+$0x44F0];
	v44 =	vmul.f32 v63, v30;
	v26 =	vadd.f32 v48, v26;
	v63 =	vmul.f32 v49, v23  }
0x198: {  	v47 =	vld [tilespmem:s3+$0x40E0];
	v41 =	vmul.f32 v41, v23;
	v27 =	vmul.f32 v27, v23  }
0x199: {  	v50 =	vld [tilespmem:s3+$0x44E0];
	v57 =	vmul.f32 v57, v22;
	v26 =	vadd.f32 v63, v26;
	v63 =	vmul.f32 v61, v22  }
0x19a: {  	v49 =	vld [tilespmem:s3+$0x80D0];
	v3 =	vadd.f32 v3, v44;
	v61 =	vmul.f32 v52, v24;
	v44 =	vmul.f32 v62, v22  }
0x19b: {  	v60 =	vld [tilespmem:s3+$0x84F0];
	v40 =	vadd.f32 v27, v40;
	v27 =	vmul.f32 v33, v23;
	v51 =	vmul.f32 v51, v30  }
0x19c: {  	[tilespmem:s3+$0x14090] =	vst v34;
	v48 =	vld [tilespmem:s3+$0xA0D0];
	v3 =	vadd.f32 v55, v3;
	v34 =	vadd.f32 v54, v26;
	v26 =	vmul.f32 v45, v22  }
0x19d: {  	v35 =	vadd.f32 v35, v31;
	v52 =	vld [tilespmem:s3+$0xA0F0];
	v47 =	vmul.f32 v47, v30;
	v54 =	vmul.f32 v32, v24  }
0x19e: {  	v45 =	vld [tilespmem:s3+$0x80F0];
	v40 =	vadd.f32 v63, v40;
	v3 =	vadd.f32 v57, v3;
	v57 =	vmul.f32 v50, v30  }
0x19f: {  	v63 =	vmul.f32 v56, v22;
	v39 =	vadd.f32 v39, v51;
	v56 =	vmul.f32 v49, v23;
	v51 =	vld [tilespmem:s3+$0x44A0]  }
0x1a0: {  	[tilespmem:s3+$0x14080] =	vst v34;
	v34 =	vmul.f32 v53, v23;
	v50 =	vld [tilespmem:s3+$0xA0E0];
	v53 =	vmul.f32 v60, v23;
	v33 =	vadd.f32 v61, v57  }
0x1a1: {  	v49 =	vld [tilespmem:s3+$0x44C0];
	v60 =	vmul.f32 v48, v22;
	v38 =	vadd.f32 v38, v47;
	[tilespmem:s3+$0x140C0] =	vst v40;
	v57 =	vmul.f32 v37, v30  }
0x1a2: {  	v40 =	vld [tilespmem:s3+$0x64A0];
	[tilespmem:s3+$0x140A0] =	vst v3;
	v3 =	vmul.f32 v58, v30;
	v58 =	vadd.f32 v56, v39;
	v33 =	vadd.f32 v34, v33  }
0x1a3: {  	v59 =	vld [tilespmem:s3+$0x80B0];
	v55 =	vadd.f32 v41, v38;
	v45 =	vmul.f32 v45, v23;
	v62 =	vadd.f32 v36, v57  }
0x1a4: {  	v21 =	vld [tilespmem:s3+$0x84C0];
	v61 =	vadd.f32 v63, v33;
	v63 =	vadd.f32 v60, v58;
	v58 =	vmul.f32 v46, v24  }
0x1a5: {  	v48 =	vld [tilespmem:s3+$0x64B0];
	v57 =	vadd.f32 v42, v43;
	v36 =	vmul.f32 v51, v30;
	v56 =	vmul.f32 v50, v22  }
0x1a6: {  	v37 =	vld [tilespmem:s3+$0x84A0];
	v32 =	vadd.f32 v45, v62;
	v60 =	vmul.f32 v52, v22;
	v3 =	vadd.f32 v58, v3  }
0x1a7: {  	v34 =	vld [tilespmem:s3+$0x84B0];
	v62 =	vmul.f32 v49, v30;
	v39 =	vmul.f32 v40, v24;
	v38 =	vadd.f32 v56, v55;
	[tilespmem:s3+$0x144E0] =	vst v61  }
0x1a8: {  	v33 =	vld [tilespmem:s3+$0xA4B0];
	[tilespmem:s3+$0x140D0] =	vst v63;
	v61 =	vmul.f32 v59, v23;
	v63 =	vadd.f32 v60, v32;
	v3 =	vadd.f32 v53, v3  }
0x1a9: {  	v30 =	vmul.f32 v28, v30;
	v28 =	vld [tilespmem:s3+$0xA4C0];
	v32 =	vadd.f32 v29, v35;
	v35 =	vadd.f32 v54, v62;
	[tilespmem:s3+$0x140E0] =	vst v38  }
0x1aa: {  	s28 =	simm.s32 $0x100;
	s8 =	simm.s32 $0x80;
	s10 =	simm.s32 $0x1;
	v40 =	vmul.f32 v48, v24;
	v38 =	vld [tilespmem:s3+$0xA4A0];
	v31 =	vadd.f32 v61, v57;
	[tilespmem:s3+$0x140F0] =	vst v63;
	v29 =	vadd.f32 v44, v3  }
.LBB2_6:
0x1ab: {  	s11 =	smov.u32 s10  }
0x1ac: {  	v3 =	vmov s10;
	s12 =	sand.u32 $0x1800, s28;
	s13 =	sand.u32 $0x380, s8;
	v20 =	vmul.f32 v20, v24;
	v21 =	vmul.f32 v21, v23;
	s11 =	sadd.s32 $0x1, s10  }
0x1ad: {  	p2 =	sne.s32 s10, $0x1F;
	v24 =	vor.u32 $0x20, v3;
	s12 =	sor.u32 s13, s12;
	v30 =	vadd.f32 v40, v30;
	v40 =	vmul.f32 v34, v23  }
0x1ae: {  	v41 =	vor.u32 $0x40, v3;
	v20 =	vadd.f32 v20, v25;
	v23 =	vmul.f32 v37, v23;
	v34 =	vld [tilespmem:s12+$0xA4D0];
	[tilespmem:s3+$0x144F0] =	vst v29  }
0x1af: {  	v25 =	vmul.f32 v38, v22;
	v29 =	vadd.f32 v40, v30;
	v30 =	vmul.f32 v33, v22;
	v37 =	vld [tilespmem:s12+$0x84D0]  }
0x1b0: {  	v20 =	vadd.f32 v27, v20;
	v27 =	vadd.f32 v39, v36;
	v33 =	vmul.f32 v28, v22;
	v38 =	vld [tilespmem:s12+$0x44D0]  }
0x1b1: {  	v26 =	vadd.f32 v26, v31;
	v28 =	vmul.f32 v18, v22;
	v29 =	vadd.f32 v30, v29;
	v36 =	vld [tilespmem:s12+$0xA480]  }
0x1b2: {  	v19 =	vmul.f32 v19, v22;
	v21 =	vadd.f32 v21, v35;
	v22 =	vadd.f32 v23, v27;
	v31 =	vld [tilespmem:s12+$0x64C0]  }
0x1b3: {  	v20 =	vadd.f32 v28, v20;
	v18 =	vld [tilespmem:s12+$0xA490];
	[tilespmem:s3+$0x144B0] =	vst v29  }
0x1b4: {  	v21 =	vadd.f32 v33, v21;
	v22 =	vadd.f32 v25, v22;
	v28 =	vld [tilespmem:s12+$0x44B0];
	[tilespmem:s3+$0x140B0] =	vst v26  }
0x1b5: {  	v23 =	vadd.f32 v19, v32;
	v27 =	vld [tilespmem:s12+$0x8490];
	[tilespmem:s3+$0x14490] =	vst v20  }
0x1b6: {  	v33 =	vld [tilespmem:s12+$0x8480];
	[tilespmem:s3+$0x144A0] =	vst v22;
	v19 =	vmov v36  }
0x1b7: {  	v20 =	vld [tilespmem:s12+$0x6490];
	[tilespmem:s3+$0x14480] =	vst v23  }
0x1b8: {  	v25 =	vld [tilespmem:s12+$0x4490];
	[tilespmem:s3+$0x144C0] =	vst v21;
	s3 =	smov.u32 s12  }
0x1b9: {  	v35 =	vld [tilespmem:s3+$0x6480]  }
0x1ba: {  	v36 =	vld [tilespmem:s3+$0x4480]  }
0x1bb: {  	v26 =	vld [tilespmem:s3+$0x60F0]  }
0x1bc: {  	v30 =	vld [tilespmem:s3+$0x40F0]  }
0x1bd: {  	v21 =	vld [tilespmem:s3+$0x84C0]  }
0x1be: {  	v32 =	vld [tilespmem:s3+$0x60E0]  }
0x1bf: {  	v39 =	vld [tilespmem:s3+$0x60D0]  }
0x1c0: {  	v40 =	vld [tilespmem:s3+$0x60C0]  }
0x1c1: {  	v42 =	vld [tilespmem:s3+$0x40C0]  }
0x1c2: {  	v43 =	vld [tilespmem:s3+$0x60B0]  }
0x1c3: {  	v44 =	vld [tilespmem:s3+$0x40B0]  }
0x1c4: {  	v45 =	vld [tilespmem:s3+$0x60A0]  }
0x1c5: {  	v46 =	vld [tilespmem:s3+$0xA0B0]  }
0x1c6: {  	v47 =	vld [tilespmem:s3+$0x64F0]  }
0x1c7: {  	v22 =	vor.u32 $0x60, v3;
	v48 =	vld [tilespmem:s3+$0x64D0]  }
0x1c8: {  	v49 =	vld [tilespmem:s3+$0x8080]  }
0x1c9: {  	v50 =	vld [tilespmem:s3+$0x6080]  }
0x1ca: {  	v51 =	vld [tilespmem:s3+$0x64E0]  }
0x1cb: {  	v29 =	vld.idx.msk [tilespmem:v3+s5+$0x0], $0xffff  }
0x1cc: {  	v24 =	vld.idx.msk [tilespmem:v24+s5+$0x0], $0xffff  }
0x1cd: {  	v22 =	vld.idx.msk [tilespmem:v22+s5+$0x0], $0xffff  }
0x1ce: {  	v23 =	vld.idx.msk [tilespmem:v41+s5+$0x0], $0xffff  }
0x1cf: {  	v3 =	vld [tilespmem:s3+$0x4080]  }
0x1d0: {  	v41 =	vld [tilespmem:s3+$0x44E0]  }
0x1d1: {  	v44 =	vmul.f32 v44, v29;
	v25 =	vmul.f32 v25, v29;
	v52 =	vld [tilespmem:s3+$0x84E0]  }
0x1d2: {  	v43 =	vmul.f32 v43, v24;
	v39 =	vmul.f32 v39, v24;
	v53 =	vld [tilespmem:s3+$0x4090]  }
0x1d3: {  	v38 =	vmul.f32 v38, v29;
	v55 =	vmul.f32 v26, v24;
	v54 =	vld [tilespmem:s3+$0xA080]  }
0x1d4: {  	v26 =	vmul.f32 v46, v22;
	v43 =	vadd.f32 v43, v44;
	v3 =	vmul.f32 v3, v29;
	v44 =	vld [tilespmem:s3+$0xA4E0]  }
0x1d5: {  	v45 =	vmul.f32 v45, v24;
	v35 =	vmul.f32 v35, v24;
	v46 =	vld [tilespmem:s3+$0x6090]  }
0x1d6: {  	v37 =	vmul.f32 v37, v23;
	v52 =	vmul.f32 v52, v23;
	v56 =	vld [tilespmem:s3+$0x44F0]  }
0x1d7: {  	v40 =	vmul.f32 v40, v24;
	v53 =	vmul.f32 v53, v29;
	v57 =	vld [tilespmem:s3+$0x8090]  }
0x1d8: {  	v41 =	vmul.f32 v41, v29;
	v54 =	vmul.f32 v54, v22;
	v58 =	vld [tilespmem:s3+$0x84F0]  }
0x1d9: {  	v50 =	vmul.f32 v50, v24;
	v48 =	vmul.f32 v48, v24;
	v59 =	vld [tilespmem:s3+$0xA090]  }
0x1da: {  	v27 =	vmul.f32 v27, v23;
	v46 =	vmul.f32 v46, v24;
	v60 =	vld [tilespmem:s3+$0xA4F0]  }
0x1db: {  	v34 =	vmul.f32 v34, v22;
	v38 =	vadd.f32 v48, v38;
	v61 =	vld [tilespmem:s3+$0x40A0];
	v48 =	vmul.f32 v56, v29  }
0x1dc: {  	v51 =	vmul.f32 v51, v24;
	v46 =	vadd.f32 v46, v53;
	v53 =	vmul.f32 v57, v23;
	v56 =	vld [tilespmem:s3+$0x80A0]  }
0x1dd: {  	v42 =	vmul.f32 v42, v29;
	v37 =	vadd.f32 v37, v38;
	v57 =	vld [tilespmem:s3+$0x80B0];
	v38 =	vmul.f32 v58, v23  }
0x1de: {  	v44 =	vmul.f32 v44, v22;
	v46 =	vadd.f32 v53, v46;
	v53 =	vmul.f32 v59, v22;
	v58 =	vld [tilespmem:s3+$0x80C0]  }
0x1df: {  	v40 =	vadd.f32 v40, v42;
	v34 =	vadd.f32 v34, v37;
	v59 =	vld [tilespmem:s3+$0xA0A0];
	v42 =	vmul.f32 v60, v22  }
0x1e0: {  	v60 =	vmul.f32 v31, v24;
	v37 =	vadd.f32 v53, v46;
	v46 =	vmul.f32 v61, v29;
	v53 =	vld [tilespmem:s3+$0xA0C0]  }
0x1e1: {  	v36 =	vmul.f32 v36, v29;
	v3 =	vadd.f32 v50, v3;
	v31 =	vmul.f32 v49, v23;
	v49 =	vld [tilespmem:s3+$0x40D0];
	[tilespmem:s3+$0x144D0] =	vst v34  }
0x1e2: {  	[tilespmem:s3+$0x14090] =	vst v37;
	v34 =	vadd.f32 v45, v46;
	v37 =	vmul.f32 v56, v23;
	v45 =	vld [tilespmem:s3+$0x80D0];
	v46 =	vmul.f32 v33, v23  }
0x1e3: {  	v3 =	vadd.f32 v31, v3;
	v31 =	vmul.f32 v57, v23;
	v33 =	vmul.f32 v58, v23;
	v50 =	vld [tilespmem:s3+$0x40E0]  }
0x1e4: {  	v47 =	vmul.f32 v47, v24;
	v34 =	vadd.f32 v37, v34;
	v37 =	vmul.f32 v59, v22;
	v56 =	vld [tilespmem:s3+$0x80E0]  }
0x1e5: {  	v3 =	vadd.f32 v54, v3;
	v33 =	vadd.f32 v33, v40;
	v40 =	vmul.f32 v53, v22;
	v53 =	vld [tilespmem:s3+$0xA0D0]  }
0x1e6: {  	v31 =	vadd.f32 v31, v43;
	v34 =	vadd.f32 v37, v34;
	v37 =	vmul.f32 v49, v29;
	v43 =	vld [tilespmem:s3+$0x80F0]  }
0x1e7: {  	v32 =	vmul.f32 v32, v24;
	[tilespmem:s3+$0x14080] =	vst v3;
	v3 =	vadd.f32 v40, v33;
	v33 =	vld [tilespmem:s3+$0xA0E0];
	v40 =	vadd.f32 v51, v41  }
0x1e8: {  	[tilespmem:s3+$0x140A0] =	vst v34;
	v34 =	vadd.f32 v39, v37;
	v37 =	vmul.f32 v45, v23;
	v39 =	vmul.f32 v50, v29;
	v41 =	vld [tilespmem:s3+$0xA0F0]  }
0x1e9: {  	v30 =	vmul.f32 v30, v29;
	[tilespmem:s3+$0x140C0] =	vst v3;
	v3 =	vmul.f32 v56, v23;
	v45 =	vld [tilespmem:s3+$0x44C0];
	v40 =	vadd.f32 v52, v40  }
0x1ea: {  	v34 =	vadd.f32 v37, v34;
	v37 =	vmul.f32 v53, v22;
	v32 =	vadd.f32 v32, v39;
	v39 =	vld [tilespmem:s3+$0x44A0]  }
0x1eb: {  	v30 =	vadd.f32 v55, v30;
	v43 =	vmul.f32 v43, v23;
	v49 =	vld [tilespmem:s3+$0x64A0];
	v40 =	vadd.f32 v44, v40  }
0x1ec: {  	v34 =	vadd.f32 v37, v34;
	v3 =	vadd.f32 v3, v32;
	v32 =	vmul.f32 v33, v22;
	v44 =	vld [tilespmem:s3+$0x64B0]  }
.Ltmp6:
0x1ed: {  	v30 =	vadd.f32 v43, v30;
	v37 =	vmul.f32 v41, v22;
	v33 =	vld [tilespmem:s3+$0xA4B0];
	[tilespmem:s3+$0x144E0] =	vst v40;
	v40 =	vadd.f32 v47, v48;
	(pc) =	sbr.rel @p2 .LBB2_6-.Ltmp6, $4  }
0x1ee: {  	[tilespmem:s3+$0x140D0] =	vst v34;
	v3 =	vadd.f32 v32, v3;
	v32 =	vadd.f32 v35, v36;
	v34 =	vld [tilespmem:s3+$0x84B0];
	v35 =	vmul.f32 v45, v29  }
0x1ef: {  	v30 =	vadd.f32 v37, v30;
	v36 =	vmul.f32 v39, v29;
	v37 =	vld [tilespmem:s3+$0x84A0];
	v41 =	vadd.f32 v38, v40  }
0x1f0: {  	[tilespmem:s3+$0x140E0] =	vst v3;
	v32 =	vadd.f32 v46, v32;
	v39 =	vmul.f32 v49, v24;
	v38 =	vld [tilespmem:s3+$0xA4A0];
	v35 =	vadd.f32 v60, v35  }
0x1f1: {  	s8 =	sadd.s32 $0x80, s8;
	s28 =	sadd.s32 $0x100, s28;
	s10 =	smov.u32 s11;
	[tilespmem:s3+$0x140F0] =	vst v30;
	v30 =	vmul.f32 v28, v29;
	v40 =	vmul.f32 v44, v24;
	v28 =	vld [tilespmem:s3+$0xA4C0];
	v29 =	vadd.f32 v42, v41  }
0x1f2: {  	v3 =	vmul.f32 v20, v24;
	v58 =	vmul.f32 v33, v22  }
0x1f3: {  	v21 =	vmul.f32 v21, v23;
	v56 =	vadd.f32 v40, v30;
	v57 =	vmul.f32 v34, v23  }
0x1f4: {  	v60 =	vadd.f32 v39, v36;
	v19 =	vmul.f32 v19, v22;
	v3 =	vadd.f32 v3, v25  }
0x1f5: {  	v26 =	vadd.f32 v26, v31;
	v59 =	vmul.f32 v37, v23;
	v20 =	vadd.f32 v57, v56  }
0x1f6: {  	v18 =	vmul.f32 v18, v22;
	[tilespmem:s3+$0x144F0] =	vst v29;
	v19 =	vadd.f32 v19, v32;
	v3 =	vadd.f32 v27, v3  }
0x1f7: {  	[tilespmem:s3+$0x140B0] =	vst v26;
	v61 =	vmul.f32 v38, v22;
	v23 =	vadd.f32 v59, v60;
	v20 =	vadd.f32 v58, v20  }
0x1f8: {  	v62 =	vadd.f32 v21, v35;
	[tilespmem:s3+$0x14480] =	vst v19;
	v3 =	vadd.f32 v18, v3;
	v18 =	vmul.f32 v28, v22  }
0x1f9: {  	v63 =	vadd.f32 v61, v23;
	[tilespmem:s3+$0x144B0] =	vst v20  }
0x1fa: {  	[tilespmem:s3+$0x14490] =	vst v3;
	v3 =	vadd.f32 v18, v62  }
0x1fb: {  	s8 =	sshll.u32 s29, $0x10;
	[tilespmem:s3+$0x144A0] =	vst v63  }
0x1fc: {  	s28 =	simm.s32 $0x14080;
	s13 =	sadd.s32 s8, s7;
	[tilespmem:s3+$0x144C0] =	vst v3  }
0x1fd: {  	[hbm4b:s13+s4] =	stream.linear.scatter [tilespmem:s28], [sflag:$0x3], $0x2000, $0x38;
	[tilespmem:$0x18080] =	vst v63  }
.LBB2_8:
0x1fe: {  	s3 =	sadd.s32 $0x2, s31  }
0x1ff: {  	p2 =	sge.u32 s3, s6  }
.Ltmp7:
0x200: {  	_ = 	snop;
	(pc) =	sbr.rel @p2 .LBB2_10-.Ltmp7, $1  }
0x201: {  	_ =	sdelay $0x3  }
0x202: {  	s3 =	sshll.u32 s3, $0xA  }
0x203: {  	s3 =	sor.u32 s1, s3  }
0x204: {  	v3 =	vor.u32 s3, v0  }
0x205: {  	v18 =	vcvt.s32.f32 v3;
	_ =	sdelay $0x1  }
0x206: {  	v18 =	vadd.f32 $5.000000000e-01, v18;
	_ =	sdelay $0x1  }
0x207: {  	v18 =	vmul.f32 $2.040816280e-02, v18;
	_ =	sdelay $0x1  }
0x208: {  	v18 =	vtrunc.f32 v18  }
0x209: {  	v19 =	vcvt.f32.s32 v18;
	_ =	sdelay $0x1  }
0x20a: {  	v20 =	vmul.u32 $0xFFFFFFCF, v19  }
0x20b: {  	v21 =	vadd.s32 $0xFA0, v19  }
0x20c: {  	v26 =	vadd.s32 $0x2EE0, v19;
	v3 =	vadd.s32 v3, v20  }
0x20d: {  	v23 =	vadd.s32 $0x1F40, v19;
	v22 =	vcvt.s32.f32 v3;
	_ =	sdelay $0x1  }
0x20e: {  	v19 =	vld.idx.msk [tilespmem:v19+s4+$0x0], $0xffff;
	v22 =	vadd.f32 $5.000000000e-01, v22  }
0x20f: {  	v21 =	vld.idx.msk [tilespmem:v21+s4+$0x0], $0xffff  }
0x210: {  	v20 =	vld.idx.msk [tilespmem:v26+s4+$0x0], $0xffff;
	v22 =	vmul.f32 $1.428571490e-01, v22  }
0x211: {  	v23 =	vld.idx.msk [tilespmem:v23+s4+$0x0], $0xffff  }
0x212: {  	v22 =	vtrunc.f32 v22  }
0x213: {  	v22 =	vcvt.f32.s32 v22;
	_ =	sdelay $0x1  }
0x214: {  	v20 =	vsub.f32 v20, v21;
	v24 =	vmul.u32 $0xFFFFFFF9, v22  }
0x215: {  	v23 =	vsub.f32 v23, v19  }
0x216: {  	v20 =	vmul.f32 $2.116666600e+01, v20;
	v22 =	vcvt.s32.f32 v22;
	v3 =	vadd.s32 v3, v24  }
0x217: {  	s3 =	sor.u32 $0x10, s3;
	v23 =	vmul.f32 $2.116666600e+01, v23;
	v3 =	vcvt.s32.f32 v3  }
0x218: {  	v31 =	vor.u32 s3, v0;
	v21 =	vmul.f32 $1.270000000e+02, v21;
	v20 =	vmul.f32 v22, v20  }
0x219: {  	v18 =	vadd.f32 $5.000000000e-01, v18;
	v19 =	vmul.f32 $1.270000000e+02, v19;
	v3 =	vmul.f32 v3, v23  }
0x21a: {  	v25 =	vcvt.s32.f32 v31;
	v20 =	vadd.f32 v20, v21  }
0x21b: {  	v18 =	vmul.f32 $1.000000050e-03, v18;
	v3 =	vadd.f32 v3, v19  }
0x21c: {  	v25 =	vadd.f32 $5.000000000e-01, v25;
	v19 =	vmax.f32 v20, $0.0e+00  }
0x21d: {  	v18 =	vtrunc.f32 v18;
	v19 =	vmin.f32 v19, $1.270000000e+02;
	v3 =	vmax.f32 v3, $0.0e+00  }
0x21e: {  	v18 =	vcvt.f32.s32 v18;
	v27 =	vtrunc.f32 v19;
	v3 =	vmin.f32 v3, $1.270000000e+02  }
0x21f: {  	v20 =	vcvt.f32.s32 v27;
	v28 =	vtrunc.f32 v3  }
0x220: {  	v25 =	vmul.f32 $2.040816280e-02, v25;
	v18 =	vshll.u32 v18, $0xE;
	v21 =	vcvt.f32.s32 v28  }
0x221: {  	v29 =	vcvt.s32.f32 v20;
	v32 =	vadd.s32 $0x1, v20;
	v20 =	vshll.u32 v20, $0x7  }
0x222: {  	v25 =	vtrunc.f32 v25;
	vm1 =	vlt.s32 v32, $0x7F;
	v20 =	vadd.s32 v18, v20  }
0x223: {  	v30 =	vcvt.s32.f32 v21;
	v19 =	vsub.f32 v19, v29;
	v33 =	vadd.s32 $0x1, v21  }
0x224: {  	v22 =	vnsel vm1, $0x7F, v32;
	v34 =	vadd.s32 v21, v20;
	vm1 =	vlt.s32 v33, $0x7F  }
0x225: {  	v22 =	vshll.u32 v22, $0x7;
	v3 =	vsub.f32 v3, v30;
	v23 =	vnsel vm1, $0x7F, v33  }
0x226: {  	[tilespmem:$0x3E80] =	vst v34;
	v18 =	vadd.s32 v18, v22;
	v35 =	vsub.f32 $1.000000000e+00, v19;
	v20 =	vadd.s32 v23, v20  }
0x227: {  	v37 =	vcvt.f32.s32 v25;
	v36 =	vadd.s32 v21, v18;
	v18 =	vadd.s32 v23, v18;
	[tilespmem:$0x3EA0] =	vst v20  }
0x228: {  	v26 =	vsub.f32 $1.000000000e+00, v3;
	[tilespmem:$0x3EE0] =	vst v18;
	v18 =	vmul.f32 v35, v3  }
0x229: {  	v39 =	vmul.u32 $0xFFFFFFCF, v37;
	[tilespmem:$0x3EC0] =	vst v36;
	v3 =	vmul.f32 v19, v3  }
0x22a: {  	v41 =	vadd.s32 $0xFA0, v37;
	v38 =	vmul.f32 v35, v26;
	[tilespmem:$0x3FA0] =	vst v18  }
0x22b: {  	v40 =	vmul.f32 v26, v19;
	v18 =	vadd.s32 v31, v39;
	v19 =	vadd.s32 $0x2EE0, v37;
	[tilespmem:$0x3FE0] =	vst v3  }
0x22c: {  	v43 =	vadd.s32 $0x1F40, v37;
	v42 =	vcvt.s32.f32 v18;
	[tilespmem:$0x3F80] =	vst v38  }
0x22d: {  	[tilespmem:$0x3FC0] =	vst v40  }
0x22e: {  	v3 =	vadd.f32 $5.000000000e-01, v42;
	v44 =	vld.idx.msk [tilespmem:v37+s4+$0x0], $0xffff  }
0x22f: {  	v45 =	vld.idx.msk [tilespmem:v41+s4+$0x0], $0xffff  }
0x230: {  	v3 =	vmul.f32 $1.428571490e-01, v3;
	v19 =	vld.idx.msk [tilespmem:v19+s4+$0x0], $0xffff  }
0x231: {  	v22 =	vld.idx.msk [tilespmem:v43+s4+$0x0], $0xffff  }
0x232: {  	v3 =	vtrunc.f32 v3  }
0x233: {  	v3 =	vcvt.f32.s32 v3;
	_ =	sdelay $0x1  }
0x234: {  	v46 =	vmul.u32 $0xFFFFFFF9, v3;
	v19 =	vsub.f32 v19, v45  }
0x235: {  	v52 =	vld [tilespmem:$0x3E80];
	v22 =	vsub.f32 v22, v44  }
0x236: {  	v3 =	vcvt.s32.f32 v3;
	v18 =	vadd.s32 v18, v46;
	v19 =	vmul.f32 $2.116666600e+01, v19  }
0x237: {  	v22 =	vmul.f32 $2.116666600e+01, v22;
	v18 =	vcvt.s32.f32 v18  }
0x238: {  	v21 =	vmul.f32 $1.270000000e+02, v45;
	v3 =	vmul.f32 v3, v19  }
0x239: {  	v19 =	vmul.f32 $1.270000000e+02, v44;
	v18 =	vmul.f32 v18, v22  }
0x23a: {  	v56 =	vshll.u32 v52, $0x1;
	v3 =	vadd.f32 v3, v21  }
0x23b: {  	v24 =	vand.u32 $0xFFFFFFF0, v56;
	v18 =	vadd.f32 v18, v19  }
0x23c: {  	v19 =	vadd.f32 $5.000000000e-01, v25;
	v25 =	vand.u32 $0x7, v52;
	v3 =	vmax.f32 v3, $0.0e+00  }
0x23d: {  	v24 =	vor.u32 v25, v24;
	v3 =	vmin.f32 v3, $1.270000000e+02  }
0x23e: {  	v18 =	vmax.f32 v18, $0.0e+00;
	v19 =	vmul.f32 $1.000000050e-03, v19;
	v47 =	vtrunc.f32 v3  }
0x23f: {  	v60 =	vperm.xlane v24, v15;
	v18 =	vmin.f32 v18, $1.270000000e+02;
	v20 =	vcvt.f32.s32 v47  }
0x240: {  	v48 =	vtrunc.f32 v18;
	v19 =	vtrunc.f32 v19  }
0x241: {  	v21 =	vcvt.f32.s32 v48;
	v19 =	vcvt.f32.s32 v19  }
0x242: {  	v49 =	vcvt.s32.f32 v20;
	v51 =	vadd.s32 $0x1, v20;
	v20 =	vshll.u32 v20, $0x7  }
0x243: {  	v50 =	vcvt.s32.f32 v21;
	vm1 =	vlt.s32 v51, $0x7F;
	v54 =	vadd.s32 $0x1, v21  }
0x244: {  	v19 =	vshll.u32 v19, $0xE;
	v3 =	vsub.f32 v3, v49;
	v53 =	vnsel vm1, $0x7F, v51  }
0x245: {  	vm1 =	vlt.s32 v54, $0x7F;
	v20 =	vadd.s32 v19, v20;
	v18 =	vsub.f32 v18, v50  }
0x246: {  	v23 =	vnsel vm1, $0x7F, v54;
	v22 =	vshll.u32 v53, $0x7;
	v55 =	vadd.s32 v21, v20  }
0x247: {  	v19 =	vadd.s32 v19, v22;
	v20 =	vadd.s32 v23, v20;
	[tilespmem:$0x3E90] =	vst v55;
	v57 =	vsub.f32 $1.000000000e+00, v3  }
0x248: {  	v58 =	vsub.f32 $1.000000000e+00, v18;
	[tilespmem:$0x3EB0] =	vst v20;
	v59 =	vadd.s32 v21, v19;
	v19 =	vadd.s32 v23, v19  }
0x249: {  	[tilespmem:$0x3EF0] =	vst v19;
	v19 =	vmul.f32 v57, v18  }
0x24a: {  	v62 =	vperm.xlane v24, v17;
	v21 =	vadd.s32 v16, v60;
	[tilespmem:$0x3ED0] =	vst v59;
	v61 =	vmul.f32 v57, v58  }
0x24b: {  	v63 =	vmul.f32 v58, v3;
	[tilespmem:$0x3FB0] =	vst v19  }
0x24c: {  	v3 =	vmul.f32 v3, v18;
	v18 =	vadd.s32 v16, v62;
	[tilespmem:$0x3F90] =	vst v61  }
0x24d: {  	[tilespmem:$0x3FD0] =	vst v63  }
0x24e: {  	s12 =	simm.s32 $0x4080;
	[tilespmem:$0x3FF0] =	vst v3  }
0x24f: {  	[tilespmem:s12], [sflag:$0x1] =	stream.indirect_vreg.gather [hbm4b:s2+s4], $0x80, v21, vm0, $0xb8;
	[tilespmem:$0x18080] =	vst v63  }
0x250: {  	s13 =	simm.s32 $0x4880  }
0x251: {  	[tilespmem:s13], [sflag:$0x1] =	stream.indirect_vreg.gather [hbm4b:s2+s4], $0x80, v18, vm0, $0xb8;
	[tilespmem:$0x18080] =	vst v63  }
0x252: {  	v3 =	vld [tilespmem:$0x3E90];
	_ =	sdelay $0x4  }
0x253: {  	v18 =	vshll.u32 v3, $0x1  }
0x254: {  	v3 =	vand.u32 $0x7, v3;
	v18 =	vand.u32 $0xFFFFFFF0, v18  }
0x255: {  	v3 =	vor.u32 v3, v18  }
0x256: {  	v18 =	vperm.xlane v3, v15;
	_ =	sdelay $0x1  }
0x257: {  	v3 =	vperm.xlane v3, v17;
	v18 =	vadd.s32 v16, v18;
	_ =	sdelay $0x1  }
0x258: {  	v3 =	vadd.s32 v16, v3;
	_ =	sdelay $0x1  }
0x259: {  	s28 =	simm.s32 $0x5080  }
0x25a: {  	[tilespmem:s28], [sflag:$0x1] =	stream.indirect_vreg.gather [hbm4b:s2+s4], $0x80, v18, vm0, $0xb8;
	[tilespmem:$0x18080] =	vst v63  }
0x25b: {  	s31 =	simm.s32 $0x5880  }
0x25c: {  	[tilespmem:s31], [sflag:$0x1] =	stream.indirect_vreg.gather [hbm4b:s2+s4], $0x80, v3, vm0, $0xb8;
	[tilespmem:$0x18080] =	vst v63  }
0x25d: {  	v3 =	vld [tilespmem:$0x3EA0];
	_ =	sdelay $0x4  }
0x25e: {  	v18 =	vshll.u32 v3, $0x1  }
0x25f: {  	v3 =	vand.u32 $0x7, v3;
	v18 =	vand.u32 $0xFFFFFFF0, v18  }
0x260: {  	v3 =	vor.u32 v3, v18  }
0x261: {  	v18 =	vperm.xlane v3, v15;
	_ =	sdelay $0x1  }
0x262: {  	v3 =	vperm.xlane v3, v17;
	v18 =	vadd.s32 v16, v18;
	_ =	sdelay $0x1  }
0x263: {  	v3 =	vadd.s32 v16, v3;
	_ =	sdelay $0x2  }
0x264: {  	[tilespmem:s14], [sflag:$0x1] =	stream.indirect_vreg.gather [hbm4b:s2+s4], $0x80, v18, vm0, $0xb8;
	[tilespmem:$0x18080] =	vst v63  }
0x265: {  	_ = 	snop  }
0x266: {  	[tilespmem:s15], [sflag:$0x1] =	stream.indirect_vreg.gather [hbm4b:s2+s4], $0x80, v3, vm0, $0xb8;
	[tilespmem:$0x18080] =	vst v63  }
0x267: {  	v3 =	vld [tilespmem:$0x3EB0];
	_ =	sdelay $0x4  }
0x268: {  	v18 =	vshll.u32 v3, $0x1  }
0x269: {  	v3 =	vand.u32 $0x7, v3;
	v18 =	vand.u32 $0xFFFFFFF0, v18  }
0x26a: {  	v3 =	vor.u32 v3, v18  }
0x26b: {  	v18 =	vperm.xlane v3, v15;
	_ =	sdelay $0x1  }
0x26c: {  	v3 =	vperm.xlane v3, v17;
	v18 =	vadd.s32 v16, v18;
	_ =	sdelay $0x1  }
0x26d: {  	v3 =	vadd.s32 v16, v3;
	_ =	sdelay $0x2  }
0x26e: {  	[tilespmem:s16], [sflag:$0x1] =	stream.indirect_vreg.gather [hbm4b:s2+s4], $0x80, v18, vm0, $0xb8;
	[tilespmem:$0x18080] =	vst v63  }
0x26f: {  	_ = 	snop  }
0x270: {  	[tilespmem:s17], [sflag:$0x1] =	stream.indirect_vreg.gather [hbm4b:s2+s4], $0x80, v3, vm0, $0xb8;
	[tilespmem:$0x18080] =	vst v63  }
0x271: {  	v3 =	vld [tilespmem:$0x3EC0];
	_ =	sdelay $0x4  }
0x272: {  	v18 =	vshll.u32 v3, $0x1  }
0x273: {  	v3 =	vand.u32 $0x7, v3;
	v18 =	vand.u32 $0xFFFFFFF0, v18  }
0x274: {  	v3 =	vor.u32 v3, v18  }
0x275: {  	v18 =	vperm.xlane v3, v15;
	_ =	sdelay $0x1  }
0x276: {  	v3 =	vperm.xlane v3, v17;
	v18 =	vadd.s32 v16, v18;
	_ =	sdelay $0x1  }
0x277: {  	v3 =	vadd.s32 v16, v3;
	_ =	sdelay $0x2  }
0x278: {  	[tilespmem:s18], [sflag:$0x1] =	stream.indirect_vreg.gather [hbm4b:s2+s4], $0x80, v18, vm0, $0xb8;
	[tilespmem:$0x18080] =	vst v63  }
0x279: {  	_ = 	snop  }
0x27a: {  	[tilespmem:s19], [sflag:$0x1] =	stream.indirect_vreg.gather [hbm4b:s2+s4], $0x80, v3, vm0, $0xb8;
	[tilespmem:$0x18080] =	vst v63  }
0x27b: {  	v3 =	vld [tilespmem:$0x3ED0];
	_ =	sdelay $0x4  }
0x27c: {  	v18 =	vshll.u32 v3, $0x1  }
0x27d: {  	v3 =	vand.u32 $0x7, v3;
	v18 =	vand.u32 $0xFFFFFFF0, v18  }
0x27e: {  	v3 =	vor.u32 v3, v18  }
0x27f: {  	v18 =	vperm.xlane v3, v15;
	_ =	sdelay $0x1  }
0x280: {  	v3 =	vperm.xlane v3, v17;
	v18 =	vadd.s32 v16, v18;
	_ =	sdelay $0x1  }
0x281: {  	v3 =	vadd.s32 v16, v3;
	_ =	sdelay $0x2  }
0x282: {  	[tilespmem:s20], [sflag:$0x1] =	stream.indirect_vreg.gather [hbm4b:s2+s4], $0x80, v18, vm0, $0xb8;
	[tilespmem:$0x18080] =	vst v63  }
0x283: {  	_ = 	snop  }
0x284: {  	[tilespmem:s21], [sflag:$0x1] =	stream.indirect_vreg.gather [hbm4b:s2+s4], $0x80, v3, vm0, $0xb8;
	[tilespmem:$0x18080] =	vst v63  }
0x285: {  	v3 =	vld [tilespmem:$0x3EE0];
	_ =	sdelay $0x4  }
0x286: {  	v18 =	vshll.u32 v3, $0x1  }
0x287: {  	v3 =	vand.u32 $0x7, v3;
	v18 =	vand.u32 $0xFFFFFFF0, v18  }
0x288: {  	v3 =	vor.u32 v3, v18  }
0x289: {  	v18 =	vperm.xlane v3, v15;
	_ =	sdelay $0x1  }
0x28a: {  	v3 =	vperm.xlane v3, v17;
	v18 =	vadd.s32 v16, v18;
	_ =	sdelay $0x1  }
0x28b: {  	v3 =	vadd.s32 v16, v3;
	_ =	sdelay $0x2  }
0x28c: {  	[tilespmem:s22], [sflag:$0x1] =	stream.indirect_vreg.gather [hbm4b:s2+s4], $0x80, v18, vm0, $0xb8;
	[tilespmem:$0x18080] =	vst v63  }
0x28d: {  	_ = 	snop  }
0x28e: {  	[tilespmem:s23], [sflag:$0x1] =	stream.indirect_vreg.gather [hbm4b:s2+s4], $0x80, v3, vm0, $0xb8;
	[tilespmem:$0x18080] =	vst v63  }
0x28f: {  	v3 =	vld [tilespmem:$0x3EF0];
	_ =	sdelay $0x4  }
0x290: {  	v18 =	vshll.u32 v3, $0x1  }
0x291: {  	v3 =	vand.u32 $0x7, v3;
	v18 =	vand.u32 $0xFFFFFFF0, v18  }
0x292: {  	v3 =	vor.u32 v3, v18  }
0x293: {  	v18 =	vperm.xlane v3, v15;
	_ =	sdelay $0x1  }
0x294: {  	v3 =	vperm.xlane v3, v17;
	v18 =	vadd.s32 v16, v18;
	_ =	sdelay $0x1  }
0x295: {  	v3 =	vadd.s32 v16, v3;
	_ =	sdelay $0x2  }
0x296: {  	[tilespmem:s24], [sflag:$0x1] =	stream.indirect_vreg.gather [hbm4b:s2+s4], $0x80, v18, vm0, $0xb8;
	[tilespmem:$0x18080] =	vst v63  }
0x297: {  	_ = 	snop  }
0x298: {  	[tilespmem:s25], [sflag:$0x1] =	stream.indirect_vreg.gather [hbm4b:s2+s4], $0x80, v3, vm0, $0xb8;
	[tilespmem:$0x18080] =	vst v63  }
.LBB2_10:
.Ltmp8:
0x299: {  	(pc) =	sbr.rel @p0 .LBB2_14-.Ltmp8, $1  }
0x29a: {  	_ =	sdelay $0x3  }
0x29b: {  	_ =	swait.ge [sflag:s9], $0x8000  }
0x29c: {  	[sflag:s9] =	ssyncset.done $0x0  }
0x29d: {  	s3 =	simm.s32 @!p1 $0x4;
	[sflag:s9] =	ssyncadd.s32 $0xFFFF8000  }
0x29e: {  	s8 =	simm.s32 $0x0;
	_ =	swait.ge @!p1 [sflag:s3], $0x2000  }
0x29f: {  	s10 =	sand.u32 $0x1800, s8;
	s11 =	sand.u32 $0x380, s8;
	[sflag:s3] =	ssyncset.done @!p1 $0x0  }
0x2a0: {  	[sflag:s3] =	ssyncadd.s32 @!p1 $0xFFFFE000;
	s3 =	sor.u32 s11, s10  }
0x2a1: {  	v3 =	vld [tilespmem:s3+$0x124D0]  }
0x2a2: {  	v25 =	vld [tilespmem:s3+$0x104D0]  }
0x2a3: {  	v26 =	vld [tilespmem:s3+$0xC4D0]  }
0x2a4: {  	v19 =	vld [tilespmem:s3+$0x12480]  }
0x2a5: {  	v32 =	vld [tilespmem:s3+$0xE4C0]  }
0x2a6: {  	v18 =	vld [tilespmem:s3+$0x12490]  }
0x2a7: {  	v28 =	vld [tilespmem:s3+$0xC4B0]  }
0x2a8: {  	v27 =	vld [tilespmem:s3+$0x10490]  }
0x2a9: {  	v29 =	vld [tilespmem:s3+$0x10480]  }
0x2aa: {  	v20 =	vld [tilespmem:s3+$0xE490]  }
0x2ab: {  	v33 =	vld [tilespmem:s3+$0xC490]  }
0x2ac: {  	v34 =	vld [tilespmem:s3+$0xE480]  }
0x2ad: {  	v31 =	vld [tilespmem:s3+$0xC480]  }
0x2ae: {  	v35 =	vld [tilespmem:s3+$0xE0F0]  }
0x2af: {  	v36 =	vld [tilespmem:s3+$0xC0F0]  }
0x2b0: {  	v21 =	vld [tilespmem:s3+$0x104C0]  }
0x2b1: {  	v37 =	vld [tilespmem:s3+$0xE0E0]  }
0x2b2: {  	v38 =	vld [tilespmem:s3+$0xE0D0]  }
0x2b3: {  	v39 =	vld [tilespmem:s3+$0xE0C0]  }
0x2b4: {  	v40 =	vld [tilespmem:s3+$0xC0C0]  }
0x2b5: {  	v41 =	vld [tilespmem:s3+$0xE0B0]  }
0x2b6: {  	v42 =	vld [tilespmem:s3+$0xC0B0]  }
0x2b7: {  	v43 =	vld [tilespmem:s3+$0xE0A0]  }
0x2b8: {  	v22 =	vmov s8;
	v44 =	vld [tilespmem:s3+$0x120B0]  }
0x2b9: {  	v46 =	vld [tilespmem:s3+$0xE4D0]  }
0x2ba: {  	v48 =	vld [tilespmem:s3+$0x10080]  }
0x2bb: {  	v50 =	vld [tilespmem:s3+$0xE080]  }
0x2bc: {  	v23 =	vor.u32 $0x20, v22;
	v51 =	vld [tilespmem:s3+$0xE4E0]  }
0x2bd: {  	v47 =	vor.u32 $0x60, v22;
	v30 =	vld.idx.msk [tilespmem:v22+s26+$0x0], $0xffff  }
0x2be: {  	v49 =	vor.u32 $0x40, v22;
	v52 =	vld [tilespmem:s3+$0x104E0]  }
0x2bf: {  	v53 =	vld [tilespmem:s3+$0xC090]  }
0x2c0: {  	v56 =	vld [tilespmem:s3+$0xE090]  }
0x2c1: {  	v24 =	vld.idx.msk [tilespmem:v23+s26+$0x0], $0xffff  }
0x2c2: {  	v22 =	vld.idx.msk [tilespmem:v47+s26+$0x0], $0xffff  }
0x2c3: {  	v23 =	vld.idx.msk [tilespmem:v49+s26+$0x0], $0xffff  }
0x2c4: {  	v54 =	vld [tilespmem:s3+$0x12080];
	v26 =	vmul.f32 v26, v30;
	v53 =	vmul.f32 v53, v30  }
0x2c5: {  	v55 =	vld [tilespmem:s3+$0x124E0];
	v42 =	vmul.f32 v42, v30;
	v40 =	vmul.f32 v40, v30  }
0x2c6: {  	v58 =	vld [tilespmem:s3+$0x10090];
	v36 =	vmul.f32 v36, v30;
	v31 =	vmul.f32 v31, v30  }
0x2c7: {  	v59 =	vld [tilespmem:s3+$0x104F0];
	v46 =	vmul.f32 v46, v24;
	v56 =	vmul.f32 v56, v24  }
0x2c8: {  	v60 =	vld [tilespmem:s3+$0x12090];
	v25 =	vmul.f32 v25, v23;
	v3 =	vmul.f32 v3, v22  }
0x2c9: {  	v47 =	vld [tilespmem:s3+$0xC080];
	v41 =	vmul.f32 v41, v24;
	v38 =	vmul.f32 v38, v24  }
0x2ca: {  	v62 =	vld [tilespmem:s3+$0xC0A0];
	v39 =	vmul.f32 v39, v24;
	v35 =	vmul.f32 v35, v24;
	v26 =	vadd.f32 v46, v26  }
0x2cb: {  	v27 =	vmul.f32 v27, v23;
	v46 =	vld [tilespmem:s3+$0x100A0];
	v53 =	vadd.f32 v56, v53;
	v56 =	vmul.f32 v58, v23  }
0x2cc: {  	v63 =	vld [tilespmem:s3+$0x100C0];
	v51 =	vmul.f32 v51, v24;
	v39 =	vadd.f32 v39, v40;
	v26 =	vadd.f32 v25, v26  }
0x2cd: {  	v40 =	vld [tilespmem:s3+$0xC4C0];
	v25 =	vmul.f32 v33, v30;
	v33 =	vadd.f32 v56, v53;
	v53 =	vmul.f32 v60, v22  }
0x2ce: {  	v37 =	vmul.f32 v37, v24;
	v56 =	vld [tilespmem:s3+$0x120A0];
	v3 =	vadd.f32 v3, v26;
	v26 =	vmul.f32 v47, v30  }
0x2cf: {  	v60 =	vld [tilespmem:s3+$0x120C0];
	v47 =	vmul.f32 v50, v24;
	v33 =	vadd.f32 v53, v33;
	v53 =	vmul.f32 v54, v22  }
0x2d0: {  	v49 =	vld [tilespmem:s3+$0xC4E0];
	v54 =	vmul.f32 v46, v23;
	[tilespmem:s3+$0x164D0] =	vst v3;
	v3 =	vmul.f32 v43, v24  }
0x2d1: {  	v46 =	vld [tilespmem:s3+$0xC0E0];
	v43 =	vmul.f32 v62, v30;
	v26 =	vadd.f32 v47, v26;
	v62 =	vmul.f32 v48, v23  }
0x2d2: {  	v29 =	vmul.f32 v29, v23;
	v40 =	vmul.f32 v40, v30;
	v48 =	vld [tilespmem:s3+$0x100D0]  }
0x2d3: {  	v47 =	vld [tilespmem:s3+$0x100E0];
	v26 =	vadd.f32 v62, v26;
	v62 =	vmul.f32 v63, v23;
	v63 =	vmul.f32 v56, v22  }
0x2d4: {  	v50 =	vld [tilespmem:s3+$0xC0D0];
	v3 =	vadd.f32 v3, v43;
	v56 =	vmul.f32 v60, v22;
	v60 =	vmul.f32 v52, v23  }
0x2d5: {  	v61 =	vld [tilespmem:s3+$0x124F0];
	[tilespmem:s3+$0x16090] =	vst v33;
	v52 =	vmul.f32 v59, v23;
	v33 =	vadd.f32 v53, v26;
	v26 =	vmul.f32 v44, v22  }
0x2d6: {  	v57 =	vld [tilespmem:s3+$0xC4F0];
	v44 =	vmul.f32 v34, v24;
	v39 =	vadd.f32 v62, v39;
	v62 =	vmul.f32 v49, v30  }
0x2d7: {  	v3 =	vadd.f32 v54, v3;
	v53 =	vld [tilespmem:s3+$0x120D0];
	v46 =	vmul.f32 v46, v30;
	v54 =	vmul.f32 v32, v24  }
0x2d8: {  	v34 =	vld [tilespmem:s3+$0x100F0];
	v59 =	vmul.f32 v48, v23;
	v47 =	vmul.f32 v47, v23  }
0x2d9: {  	v45 =	vld [tilespmem:s3+$0xE4F0];
	v3 =	vadd.f32 v63, v3;
	v39 =	vadd.f32 v56, v39;
	v63 =	vmul.f32 v50, v30  }
0x2da: {  	v49 =	vld [tilespmem:s3+$0x120E0];
	v43 =	vadd.f32 v51, v62;
	v51 =	vmul.f32 v61, v22;
	v37 =	vadd.f32 v37, v46  }
0x2db: {  	v50 =	vld [tilespmem:s3+$0x120F0];
	v62 =	vadd.f32 v35, v36;
	v35 =	vadd.f32 v54, v40;
	[tilespmem:s3+$0x160A0] =	vst v3;
	v3 =	vmul.f32 v57, v30  }
0x2dc: {  	v58 =	vld [tilespmem:s3+$0x100B0];
	[tilespmem:s3+$0x16080] =	vst v33;
	v57 =	vmul.f32 v55, v22;
	v38 =	vadd.f32 v38, v63;
	v33 =	vadd.f32 v60, v43  }
0x2dd: {  	v48 =	vld [tilespmem:s3+$0xE4A0];
	v55 =	vadd.f32 v47, v37;
	v60 =	vmul.f32 v53, v22;
	v34 =	vmul.f32 v34, v23  }
0x2de: {  	v43 =	vld [tilespmem:s3+$0xC4A0];
	v38 =	vadd.f32 v59, v38;
	v61 =	vadd.f32 v57, v33;
	v59 =	vmul.f32 v45, v24  }
0x2df: {  	v53 =	vld [tilespmem:s3+$0xE4B0];
	v56 =	vmul.f32 v49, v22;
	v57 =	vadd.f32 v41, v42;
	v32 =	vadd.f32 v34, v62  }
0x2e0: {  	[tilespmem:s3+$0x160C0] =	vst v39;
	v37 =	vld [tilespmem:s3+$0x104A0];
	v63 =	vadd.f32 v60, v38;
	v60 =	vmul.f32 v50, v22;
	v3 =	vadd.f32 v59, v3  }
0x2e1: {  	v33 =	vld [tilespmem:s3+$0x124B0];
	v36 =	vadd.f32 v56, v55;
	v62 =	vadd.f32 v44, v31;
	[tilespmem:s3+$0x164E0] =	vst v61;
	v61 =	vmul.f32 v58, v23  }
0x2e2: {  	v39 =	vmul.f32 v48, v24;
	v34 =	vld [tilespmem:s3+$0x104B0];
	[tilespmem:s3+$0x160D0] =	vst v63;
	v63 =	vadd.f32 v60, v32;
	v3 =	vadd.f32 v52, v3  }
0x2e3: {  	v38 =	vld [tilespmem:s3+$0x124A0];
	[tilespmem:s3+$0x160E0] =	vst v36;
	v36 =	vmul.f32 v43, v30;
	v30 =	vmul.f32 v28, v30;
	v31 =	vadd.f32 v61, v57  }
0x2e4: {  	s28 =	simm.s32 $0x100;
	s8 =	simm.s32 $0x80;
	s11 =	simm.s32 $0x1;
	v28 =	vld [tilespmem:s3+$0x124C0];
	v32 =	vadd.f32 v29, v62;
	v40 =	vmul.f32 v53, v24;
	[tilespmem:s3+$0x160F0] =	vst v63;
	v29 =	vadd.f32 v51, v3  }
.LBB2_12:
0x2e5: {  	s10 =	smov.u32 s11  }
0x2e6: {  	v3 =	vmov s11;
	s12 =	sand.u32 $0x1800, s28;
	s13 =	sand.u32 $0x380, s8;
	v20 =	vmul.f32 v20, v24;
	v21 =	vmul.f32 v21, v23;
	s10 =	sadd.s32 $0x1, s11  }
0x2e7: {  	p0 =	sne.s32 s11, $0x1F;
	v24 =	vor.u32 $0x20, v3;
	s12 =	sor.u32 s13, s12;
	v30 =	vadd.f32 v40, v30;
	v40 =	vmul.f32 v34, v23  }
0x2e8: {  	v41 =	vor.u32 $0x40, v3;
	v20 =	vadd.f32 v20, v25;
	v23 =	vmul.f32 v37, v23;
	v34 =	vld [tilespmem:s12+$0x124D0];
	[tilespmem:s3+$0x164F0] =	vst v29  }
0x2e9: {  	v25 =	vmul.f32 v38, v22;
	v29 =	vadd.f32 v40, v30;
	v30 =	vmul.f32 v33, v22;
	v37 =	vld [tilespmem:s12+$0x104D0]  }
0x2ea: {  	v20 =	vadd.f32 v27, v20;
	v27 =	vadd.f32 v39, v36;
	v33 =	vmul.f32 v28, v22;
	v38 =	vld [tilespmem:s12+$0xC4D0]  }
0x2eb: {  	v26 =	vadd.f32 v26, v31;
	v28 =	vmul.f32 v18, v22;
	v29 =	vadd.f32 v30, v29;
	v36 =	vld [tilespmem:s12+$0x12480]  }
0x2ec: {  	v19 =	vmul.f32 v19, v22;
	v21 =	vadd.f32 v21, v35;
	v22 =	vadd.f32 v23, v27;
	v31 =	vld [tilespmem:s12+$0xE4C0]  }
0x2ed: {  	v20 =	vadd.f32 v28, v20;
	v18 =	vld [tilespmem:s12+$0x12490];
	[tilespmem:s3+$0x164B0] =	vst v29  }
0x2ee: {  	v21 =	vadd.f32 v33, v21;
	v22 =	vadd.f32 v25, v22;
	v28 =	vld [tilespmem:s12+$0xC4B0];
	[tilespmem:s3+$0x160B0] =	vst v26  }
0x2ef: {  	v23 =	vadd.f32 v19, v32;
	v27 =	vld [tilespmem:s12+$0x10490];
	[tilespmem:s3+$0x16490] =	vst v20  }
0x2f0: {  	v33 =	vld [tilespmem:s12+$0x10480];
	[tilespmem:s3+$0x164A0] =	vst v22;
	v19 =	vmov v36  }
0x2f1: {  	v20 =	vld [tilespmem:s12+$0xE490];
	[tilespmem:s3+$0x16480] =	vst v23  }
0x2f2: {  	v25 =	vld [tilespmem:s12+$0xC490];
	[tilespmem:s3+$0x164C0] =	vst v21;
	s3 =	smov.u32 s12  }
0x2f3: {  	v35 =	vld [tilespmem:s3+$0xE480]  }
0x2f4: {  	v36 =	vld [tilespmem:s3+$0xC480]  }
0x2f5: {  	v26 =	vld [tilespmem:s3+$0xE0F0]  }
0x2f6: {  	v30 =	vld [tilespmem:s3+$0xC0F0]  }
0x2f7: {  	v21 =	vld [tilespmem:s3+$0x104C0]  }
0x2f8: {  	v32 =	vld [tilespmem:s3+$0xE0E0]  }
0x2f9: {  	v39 =	vld [tilespmem:s3+$0xE0D0]  }
0x2fa: {  	v40 =	vld [tilespmem:s3+$0xE0C0]  }
0x2fb: {  	v42 =	vld [tilespmem:s3+$0xC0C0]  }
0x2fc: {  	v43 =	vld [tilespmem:s3+$0xE0B0]  }
0x2fd: {  	v44 =	vld [tilespmem:s3+$0xC0B0]  }
0x2fe: {  	v45 =	vld [tilespmem:s3+$0xE0A0]  }
0x2ff: {  	v46 =	vld [tilespmem:s3+$0x120B0]  }
0x300: {  	v47 =	vld [tilespmem:s3+$0xE4F0]  }
0x301: {  	v22 =	vor.u32 $0x60, v3;
	v48 =	vld [tilespmem:s3+$0xE4D0]  }
0x302: {  	v49 =	vld [tilespmem:s3+$0x10080]  }
0x303: {  	v50 =	vld [tilespmem:s3+$0xE080]  }
0x304: {  	v51 =	vld [tilespmem:s3+$0xE4E0]  }
0x305: {  	v29 =	vld.idx.msk [tilespmem:v3+s26+$0x0], $0xffff  }
0x306: {  	v24 =	vld.idx.msk [tilespmem:v24+s26+$0x0], $0xffff  }
0x307: {  	v22 =	vld.idx.msk [tilespmem:v22+s26+$0x0], $0xffff  }
0x308: {  	v23 =	vld.idx.msk [tilespmem:v41+s26+$0x0], $0xffff  }
0x309: {  	v3 =	vld [tilespmem:s3+$0xC080]  }
0x30a: {  	v41 =	vld [tilespmem:s3+$0xC4E0]  }
0x30b: {  	v44 =	vmul.f32 v44, v29;
	v25 =	vmul.f32 v25, v29;
	v52 =	vld [tilespmem:s3+$0x104E0]  }
0x30c: {  	v43 =	vmul.f32 v43, v24;
	v39 =	vmul.f32 v39, v24;
	v53 =	vld [tilespmem:s3+$0xC090]  }
0x30d: {  	v38 =	vmul.f32 v38, v29;
	v55 =	vmul.f32 v26, v24;
	v54 =	vld [tilespmem:s3+$0x12080]  }
0x30e: {  	v26 =	vmul.f32 v46, v22;
	v43 =	vadd.f32 v43, v44;
	v3 =	vmul.f32 v3, v29;
	v44 =	vld [tilespmem:s3+$0x124E0]  }
0x30f: {  	v45 =	vmul.f32 v45, v24;
	v35 =	vmul.f32 v35, v24;
	v46 =	vld [tilespmem:s3+$0xE090]  }
0x310: {  	v37 =	vmul.f32 v37, v23;
	v52 =	vmul.f32 v52, v23;
	v56 =	vld [tilespmem:s3+$0xC4F0]  }
0x311: {  	v40 =	vmul.f32 v40, v24;
	v53 =	vmul.f32 v53, v29;
	v57 =	vld [tilespmem:s3+$0x10090]  }
0x312: {  	v41 =	vmul.f32 v41, v29;
	v54 =	vmul.f32 v54, v22;
	v58 =	vld [tilespmem:s3+$0x104F0]  }
0x313: {  	v50 =	vmul.f32 v50, v24;
	v48 =	vmul.f32 v48, v24;
	v59 =	vld [tilespmem:s3+$0x12090]  }
0x314: {  	v27 =	vmul.f32 v27, v23;
	v46 =	vmul.f32 v46, v24;
	v60 =	vld [tilespmem:s3+$0x124F0]  }
0x315: {  	v34 =	vmul.f32 v34, v22;
	v38 =	vadd.f32 v48, v38;
	v61 =	vld [tilespmem:s3+$0xC0A0];
	v48 =	vmul.f32 v56, v29  }
0x316: {  	v51 =	vmul.f32 v51, v24;
	v46 =	vadd.f32 v46, v53;
	v53 =	vmul.f32 v57, v23;
	v56 =	vld [tilespmem:s3+$0x100A0]  }
0x317: {  	v42 =	vmul.f32 v42, v29;
	v37 =	vadd.f32 v37, v38;
	v57 =	vld [tilespmem:s3+$0x100B0];
	v38 =	vmul.f32 v58, v23  }
0x318: {  	v44 =	vmul.f32 v44, v22;
	v46 =	vadd.f32 v53, v46;
	v53 =	vmul.f32 v59, v22;
	v58 =	vld [tilespmem:s3+$0x100C0]  }
0x319: {  	v40 =	vadd.f32 v40, v42;
	v34 =	vadd.f32 v34, v37;
	v59 =	vld [tilespmem:s3+$0x120A0];
	v42 =	vmul.f32 v60, v22  }
0x31a: {  	v60 =	vmul.f32 v31, v24;
	v37 =	vadd.f32 v53, v46;
	v46 =	vmul.f32 v61, v29;
	v53 =	vld [tilespmem:s3+$0x120C0]  }
0x31b: {  	v36 =	vmul.f32 v36, v29;
	v3 =	vadd.f32 v50, v3;
	v31 =	vmul.f32 v49, v23;
	v49 =	vld [tilespmem:s3+$0xC0D0];
	[tilespmem:s3+$0x164D0] =	vst v34  }
0x31c: {  	[tilespmem:s3+$0x16090] =	vst v37;
	v34 =	vadd.f32 v45, v46;
	v37 =	vmul.f32 v56, v23;
	v45 =	vld [tilespmem:s3+$0x100D0];
	v46 =	vmul.f32 v33, v23  }
0x31d: {  	v3 =	vadd.f32 v31, v3;
	v31 =	vmul.f32 v57, v23;
	v33 =	vmul.f32 v58, v23;
	v50 =	vld [tilespmem:s3+$0xC0E0]  }
0x31e: {  	v47 =	vmul.f32 v47, v24;
	v34 =	vadd.f32 v37, v34;
	v37 =	vmul.f32 v59, v22;
	v56 =	vld [tilespmem:s3+$0x100E0]  }
0x31f: {  	v3 =	vadd.f32 v54, v3;
	v33 =	vadd.f32 v33, v40;
	v40 =	vmul.f32 v53, v22;
	v53 =	vld [tilespmem:s3+$0x120D0]  }
0x320: {  	v31 =	vadd.f32 v31, v43;
	v34 =	vadd.f32 v37, v34;
	v37 =	vmul.f32 v49, v29;
	v43 =	vld [tilespmem:s3+$0x100F0]  }
0x321: {  	v32 =	vmul.f32 v32, v24;
	[tilespmem:s3+$0x16080] =	vst v3;
	v3 =	vadd.f32 v40, v33;
	v33 =	vld [tilespmem:s3+$0x120E0];
	v40 =	vadd.f32 v51, v41  }
0x322: {  	[tilespmem:s3+$0x160A0] =	vst v34;
	v34 =	vadd.f32 v39, v37;
	v37 =	vmul.f32 v45, v23;
	v39 =	vmul.f32 v50, v29;
	v41 =	vld [tilespmem:s3+$0x120F0]  }
0x323: {  	v30 =	vmul.f32 v30, v29;
	[tilespmem:s3+$0x160C0] =	vst v3;
	v3 =	vmul.f32 v56, v23;
	v45 =	vld [tilespmem:s3+$0xC4C0];
	v40 =	vadd.f32 v52, v40  }
0x324: {  	v34 =	vadd.f32 v37, v34;
	v37 =	vmul.f32 v53, v22;
	v32 =	vadd.f32 v32, v39;
	v39 =	vld [tilespmem:s3+$0xC4A0]  }
0x325: {  	v30 =	vadd.f32 v55, v30;
	v43 =	vmul.f32 v43, v23;
	v49 =	vld [tilespmem:s3+$0xE4A0];
	v40 =	vadd.f32 v44, v40  }
0x326: {  	v34 =	vadd.f32 v37, v34;
	v3 =	vadd.f32 v3, v32;
	v32 =	vmul.f32 v33, v22;
	v44 =	vld [tilespmem:s3+$0xE4B0]  }
.Ltmp9:
0x327: {  	v30 =	vadd.f32 v43, v30;
	v37 =	vmul.f32 v41, v22;
	v33 =	vld [tilespmem:s3+$0x124B0];
	[tilespmem:s3+$0x164E0] =	vst v40;
	v40 =	vadd.f32 v47, v48;
	(pc) =	sbr.rel @p0 .LBB2_12-.Ltmp9, $4  }
0x328: {  	[tilespmem:s3+$0x160D0] =	vst v34;
	v3 =	vadd.f32 v32, v3;
	v32 =	vadd.f32 v35, v36;
	v34 =	vld [tilespmem:s3+$0x104B0];
	v35 =	vmul.f32 v45, v29  }
0x329: {  	v30 =	vadd.f32 v37, v30;
	v36 =	vmul.f32 v39, v29;
	v37 =	vld [tilespmem:s3+$0x104A0];
	v41 =	vadd.f32 v38, v40  }
0x32a: {  	[tilespmem:s3+$0x160E0] =	vst v3;
	v32 =	vadd.f32 v46, v32;
	v39 =	vmul.f32 v49, v24;
	v38 =	vld [tilespmem:s3+$0x124A0];
	v35 =	vadd.f32 v60, v35  }
0x32b: {  	s8 =	sadd.s32 $0x80, s8;
	s28 =	sadd.s32 $0x100, s28;
	s11 =	smov.u32 s10;
	[tilespmem:s3+$0x160F0] =	vst v30;
	v30 =	vmul.f32 v28, v29;
	v40 =	vmul.f32 v44, v24;
	v28 =	vld [tilespmem:s3+$0x124C0];
	v29 =	vadd.f32 v42, v41  }
0x32c: {  	v3 =	vmul.f32 v20, v24;
	v58 =	vmul.f32 v33, v22  }
0x32d: {  	v21 =	vmul.f32 v21, v23;
	v56 =	vadd.f32 v40, v30;
	v57 =	vmul.f32 v34, v23  }
0x32e: {  	v60 =	vadd.f32 v39, v36;
	v19 =	vmul.f32 v19, v22;
	v3 =	vadd.f32 v3, v25  }
0x32f: {  	v26 =	vadd.f32 v26, v31;
	v59 =	vmul.f32 v37, v23;
	v20 =	vadd.f32 v57, v56  }
0x330: {  	v18 =	vmul.f32 v18, v22;
	[tilespmem:s3+$0x164F0] =	vst v29;
	v19 =	vadd.f32 v19, v32;
	v3 =	vadd.f32 v27, v3  }
0x331: {  	[tilespmem:s3+$0x160B0] =	vst v26;
	v61 =	vmul.f32 v38, v22;
	v23 =	vadd.f32 v59, v60;
	v20 =	vadd.f32 v58, v20  }
0x332: {  	v62 =	vadd.f32 v21, v35;
	[tilespmem:s3+$0x16480] =	vst v19;
	v3 =	vadd.f32 v18, v3;
	v18 =	vmul.f32 v28, v22  }
.Ltmp10:
0x333: {  	v63 =	vadd.f32 v61, v23;
	[tilespmem:s3+$0x164B0] =	vst v20;
	(pc) =	sbr.rel .LBB2_14-.Ltmp10, $4  }
0x334: {  	[tilespmem:s3+$0x16490] =	vst v3;
	v3 =	vadd.f32 v18, v62  }
0x335: {  	s8 =	sshll.u32 s30, $0xF;
	[tilespmem:s3+$0x164A0] =	vst v63  }
0x336: {  	s31 =	simm.s32 $0x16080;
	s30 =	sadd.s32 s8, s7;
	[tilespmem:s3+$0x164C0] =	vst v3  }
0x337: {  	[hbm4b:s30+s4] =	stream.linear.scatter [tilespmem:s31], [sflag:$0x4], $0x2000, $0x38;
	[tilespmem:$0x18080] =	vst v63  }
.LBB2_16:
0x338: {  	_ =	sfence.sel $0x180000  }
0x339: {  	[bflag:$0x0] =	sbarrier.arrive $0xFFFF  }
0x33a: {  	_ =	strace $0x90000047  }
0x33b: {  	s0 =	stileid.u32;
	[bflag:$0x2] =	sbarrier.arrive $0xFFFF  }
0x33c: {  	p0 =	sne.s32 s0, $0x0;
	s0 =	rddreg [dreg:$0x3]  }
0x33d: {  	s0 =	sadd.s32 @!p0 $0x100000, s0  }
0x33e: {  	[sflag:s0] =	ssyncadd.tile.s32 @!p0 $0x1;
	_ =	shalt  }
.Lfunc_end2:
_tile_overlayer_lowered:
.L_overlay_start_2:
0x33f: {  	(tag) =	ssettag $0x2  }
0x340: {  	s0 =	rddreg [dreg:$0x0];
	s2 =	stileid.u32  }
0x341: {  	s1 =	rddreg [dreg:$0x1];
	p0 =	sne.s32 s2, $0x0  }
0x342: {  	s3 =	rddreg [dreg:$0x2];
	[bflag:$0x3] =	sbarrier.arrive $0xFFFF;
	s2 =	simm.s32 @!p0 $0x1C05  }
0x343: {  	[timem:s3], [sflag:s2] =	dma.local @!p0 [hbm:s0], s1  }
0x344: {  	s0 =	simm.s32 @!p0 $0x5  }
0x345: {  	_ =	swait.ge @!p0 [sflag:s0], s1  }
0x346: {  	s1 =	ssub.s32 @!p0 $0x0, s1;
	[sflag:s0] =	ssyncset.done @!p0 $0x0  }
0x347: {  	[sflag:s0] =	ssyncadd.s32 @!p0 s1  }
0x348: {  	[bflag:$0x3] =	sbarrier.arrive $0xFFFF  }
0x349: {  	_ =	shalt  }

// kernel: sparse-core-data-format-call.cloned.1.call-start
scs
called_computation_lowered:
.L_overlay_start_0:
0x0: {  	s2 =	sld [smem:$0x3FD9]  }
0x1: {  	s3 =	sld [smem:$0x3FFE];
	_ =	sdelay $0x1  }
0x2: {  	s1 =	srdreg.scid  }
0x3: {  	s0 =	sand.u32 $0x1, s1  }
0x4: {  	s18 =	sshll.u32 s0, $0xA;
	s2 =	sadd.s32 s3, s2  }
0x5: {  	s2 =	sadd.s32 s2, s18  }
0x6: {  	[smem:$0x3FC6] =	sst s2  }
0x7: {  	_ = 	snop  }
0x8: {  	s2 =	sld [smem:$0x3FD0];
	(tm) =	ssettm $0x1  }
0x9: {  	s19 =	sld [smem:$0x3FFB];
	_ =	sdelay $0x3  }
0xa: {  	_ =	strace s19  }
0xb: {  	s3 =	sld [smem:$0x3FFC];
	_ =	sdelay $0x3  }
0xc: {  	_ =	strace s3  }
0xd: {  	s3 =	sld [smem:$0x3FFD];
	_ =	sdelay $0x3  }
0xe: {  	_ =	strace s3  }
0xf: {  	_ =	strace $0x8FFFFFFF  }
0x10: {  	s20 =	sld [smem:$0x3FDB];
	_ =	sdelay $0x1  }
0x11: {  	s4 =	simm.s32 $_scs_section_size  }
0x12: {  	s5 =	simm.s32 $_size__tile_overlayer_lowered;
	s6 =	simm.s32 $_tile_overlayer_lowered  }
0x13: {  	s23 =	simm.s32 $0x1BFF;
	s22 =	sshll.u32 s6, $0x1;
	s3 =	sadd.s32 s4, s20  }
0x14: {  	s7 =	simm.s32 $0x0;
	s21 =	sshll.u32 s5, $0x1;
	s5 =	sadd.s32 s22, s3  }
0x15: {  	[timem:s7], [sflag:s23] =	dma.local [hbm:s5], s21  }
0x16: {  	_ =	swait.ge [sflag:s23], s21  }
0x17: {  	s4 =	ssub.s32 $0x0, s21;
	[sflag:s23] =	ssyncset.done $0x0  }
0x18: {  	[sflag:s23] =	ssyncadd.s32 s4;
	_ =	sdelay $0x1  }
0x19: {  	s24 =	simm.s32 $0x1B8B  }
0x1a: {  	_ =	swait.ge [sflag:s24], $0x1  }
0x1b: {  	[sflag:s24] =	ssyncset.done $0x0  }
0x1c: {  	s26 =	simm.s32 $0x1B8E;
	s25 =	sld [smem:$0x3FFE];
	[sflag:s24] =	ssyncadd.s32 $0xFFFFFFFF  }
0x1d: {  	s27 =	simm.s32 $execute0_lowered;
	[smem:$0x3FD2] =	sst s26  }
0x1e: {  	s5 =	sshll.u32 s27, $0x1;
	_ =	strace $0x80000049;
	[dreg:$0x1] =	wrdreg $0xFFFFFFFF  }
0x1f: {  	s28 =	simm.s32 $_size_execute0_lowered;
	s3 =	sadd.s32 s3, s5;
	[dreg:$0x0] =	wrdreg $0x0  }
0x20: {  	s5 =	sshll.u32 s28, $0x1;
	[dreg:$0x2] =	wrdreg s3  }
0x21: {  	[dreg:$0x3] =	wrdreg s5  }
0x22: {  	[dreg:$0x4] =	wrdreg $0xC0  }
0x23: {  	_ =	task [dreg:s7], $0x5FFFF  }
0x24: {  	[dreg:$0x1] =	wrdreg $0xFFFFFFFF  }
0x25: {  	[dreg:$0x0] =	wrdreg $0x60  }
0x26: {  	[dreg:$0x2] =	wrdreg s25  }
0x27: {  	[dreg:$0x3] =	wrdreg s2  }
0x28: {  	[dreg:$0x4] =	wrdreg $0x9  }
0x29: {  	_ =	task.clear_ibuf [dreg:s7], $0x5FFFF;
	_ =	strace $0x90000049  }
0x2a: {  	s29 =	simm.s32 $0x9;
	_ =	strace $0x8000004B  }
0x2b: {  	_ =	swait.ge [sflag:s29], $0x1  }
0x2c: {  	[sflag:s29] =	ssyncadd.s32 $0xFFFFFFFF  }
0x2d: {  	_ =	strace $0x9000004B  }
0x2e: {  	_ =	sfence  }
0x2f: {  	s30 =	sld [smem:$0x0];
	_ =	sdelay $0x2  }
0x30: {  	s31 =	sshll.u32 s1, $0xD;
	s1 =	sshrl.u32 s1, $0x2  }
0x31: {  	s3 =	sand.u32 $0x4000, s31;
	s1 =	sadd.s32 s1, s30  }
0x32: {  	s0 =	sor.u32 s3, s0;
	s1 =	sshll.u32 s1, $0x11  }
0x33: {  	s0 =	sor.u32 s1, s0  }
0x34: {  	s0 =	sadd.s32 $0x8F2B, s0  }
0x35: {  	[sflag:s0] =	ssyncadd.remote.s32 $0x1  }
0x36: {  	_ =	sfence.sel $0xFFFF  }
0x37: {  	[dreg:$0x0] =	wrdreg $0xFFFFFFFF;
	(pc) =	sbr.abs _section_cstart, $3  }
0x38: {  	[dreg:$0x1] =	wrdreg $0xFFFFFFFF  }
0x39: {  	_ =	task.clear_ibuf [dreg:s7], $0x2FFFF;
	_ =	strace $0x9FFFFFFF  }
0x3a: {  	(tm) =	ssettm $0x7FFFFFFF  }
0x3b: {  	_ =	shalt  }
tec
execute0_lowered:
.L_overlay_start_1:
0x0: {  	(tag) =	ssettag $0x1  }
0x1: {  	s0 =	rddreg [dreg:$0x0]  }
0x2: {  	_ =	strace $0x8000004A;
	s1 =	stileid.u32;
	s30 =	srdreg.scid  }
0x3: {  	s2 =	simm.s32 $0x1;
	s31 =	simm.s32 $0x2;
	s21 =	simm.s32 $0x0  }
0x4: {  	s23 =	simm.s32 $0x0;
	s25 =	simm.s32 $0x0;
	s22 =	simm.s32 $0x0  }
0x5: {  	s24 =	simm.s32 $0x0;
	s11 =	simm.s32 $0x0;
	s10 =	simm.s32 $0x0  }
0x6: {  	s13 =	simm.s32 $0x0;
	s15 =	simm.s32 $0x0;
	s16 =	simm.s32 $0x0  }
0x7: {  	s14 =	simm.s32 $0x0;
	s17 =	simm.s32 $0x0;
	s20 =	simm.s32 $0x0  }
.Ltmp0:
0x8: {  	s0 =	sadd.s32 $0x800, s0;
	s8 =	sand.u32 $0x3, s1;
	(pc) =	sbr.rel .LBB1_1-.Ltmp0, $4  }
0x9: {  	s1 =	sshll.u32 s1, $0x5;
	[dreg:$0x3] =	wrdreg s0;
	s0 =	sshll.u32 s30, $0x9  }
0xa: {  	s12 =	simm.s32 $0x0;
	[sflag:s2] =	ssyncpa.u1 $0x0;
	s0 =	sor.u32 s1, s0  }
0xb: {  	[sflag:s31] =	ssyncpa.u1 $0x0;
	[dreg:$0x4] =	wrdreg s8;
	s9 =	sand.u32 $0x380, s0  }
0xc: {  	s19 =	smov.u32 s8;
	s18 =	smov.u32 s9;
	[dreg:$0x5] =	wrdreg s9  }
.LBB1_20:
0xd: {  	s15 =	rddreg [dreg:$0x8]  }
0xe: {  	s11 =	rddreg [dreg:$0x6]  }
0xf: {  	s16 =	rddreg [dreg:$0x11]  }
0x10: {  	s20 =	rddreg [dreg:$0x10]  }
0x11: {  	s21 =	rddreg [dreg:$0x12]  }
0x12: {  	p0 =	sgt.s32 s10, $0x6;
	s7 =	rddreg [dreg:$0x1]  }
0x13: {  	s3 =	smov.u32 s10;
	s23 =	smul.u32 $0x7D00, s10;
	s8 =	rddreg [dreg:$0x4]  }
0x14: {  	s29 =	sor.u32 $0x8000, s28;
	s31 =	simm.s32 $0x800;
	s9 =	rddreg [dreg:$0x5]  }
0x15: {  	s0 =	sshll.u32 s15, $0x8;
	s1 =	sshll.u32 s11, $0x3;
	s2 =	sshll.u32 s15, $0x7  }
0x16: {  	s3 =	simm.s32 @!p0 $0x6;
	s5 =	sand.u32 $0x78, s11;
	s26 =	sand.u32 $0x7, s11  }
0x17: {  	s0 =	sand.u32 $0xFFFFF800, s0;
	s1 =	sand.u32 $0xFFFFFC00, s1;
	s13 =	sand.u32 $0x300, s2  }
0x18: {  	s2 =	sand.u32 $0x80, s2;
	s27 =	sshll.u32 s26, $0x12;
	s0 =	sadd.s32 s0, s1  }
0x19: {  	s1 =	sadd.s32 s16, s3;
	s16 =	rddreg [dreg:$0x9];
	s2 =	sor.u32 s2, s5  }
0x1a: {  	s30 =	sor.u32 $0x400, s27;
	s0 =	sor.u32 s13, s0;
	s3 =	sadd.s32 $0xFFFFFFFA, s1  }
0x1b: {  	s1 =	ssub.s32 $0x7, s1;
	s22 =	smul.u32 $0x17ED00, s16;
	s0 =	sshrl.u32 s0, $0x8  }
0x1c: {  	s13 =	rddreg [dreg:$0x7];
	p0 =	sgt.s32 s3, $0x0;
	s4 =	smulhi.u32 $0x83126F, s0  }
0x1d: {  	s2 =	sshrl.u32 s2, $0x3;
	s6 =	smul.u32 $0x36B00, s13;
	s1 =	simm.s32 @p0 $0x0  }
0x1e: {  	s1 =	smul.u32 s1, s20;
	s20 =	rddreg [dreg:$0xb];
	s17 =	sshrl.u32 s4, $0x1  }
0x1f: {  	s4 =	sadd.s32 s7, s22;
	s22 =	rddreg [dreg:$0xd];
	s3 =	smul.u32 $0x3E8, s17  }
0x20: {  	s1 =	smul.u32 s21, s1;
	s25 =	sadd.s32 s6, s4;
	s17 =	rddreg [dreg:$0xa]  }
0x21: {  	s21 =	rddreg [dreg:$0xc];
	s0 =	ssub.s32 s0, s3;
	s3 =	sadd.s32 s23, s25  }
0x22: {  	s23 =	rddreg [dreg:$0xe];
	s0 =	sshll.u32 s0, $0x5;
	s2 =	sadd.s32 s2, s3  }
0x23: {  	s1 =	sand.u32 $0x3FFFFFFF, s1;
	s25 =	rddreg [dreg:$0xf];
	s0 =	sadd.s32 s0, s2  }
0x24: {  	[hbm4b:s0+s30] =	stream.strided.scatter [tilespmem:s29], [sflag:$0x2], s1, s31, s30, $0x38;
	[tilespmem:$0x10000] =	vst v63  }
.LBB1_21:
0x25: {  	p0 =	slt.u32 s12, $0x2  }
0x26: {  	s0 =	smov.u32 s24;
	s2 =	smov.u32 s25;
	s6 =	sadd.s32 $0x80, s14  }
0x27: {  	s12 =	sadd.s32 $0x1, s12;
	p1 =	sgt.s32 @!p0 s24, $0x3;
	s1 =	sshra.s32 @!p0 s24, $0x1F  }
0x28: {  	s3 =	sshra.s32 @!p0 s25, $0x1F;
	s4 =	sshra.s32 @!p0 s22, $0x1F;
	p3 =	sgt.s32 @!p0 s21, $0x80  }
0x29: {  	p1 =	por !p1, p0;
	s1 =	sand.u32 @!p0 s1, s24;
	s4 =	sand.u32 @!p0 s4, s22  }
0x2a: {  	s24 =	smov.u32 s16;
	s0 =	simm.s32 @p1 $0x3;
	p1 =	sgt.s32 @!p0 s25, $0x6  }
0x2b: {  	s16 =	smov.u32 s19;
	s0 =	ssub.s32 @!p0 s0, s1;
	p1 =	por !p1, p0  }
0x2c: {  	s1 =	sadd.s32 @!p0 $0xFFFFFFFD, s0;
	s2 =	simm.s32 @p1 $0x6;
	s0 =	ssub.s32 @!p0 $0x4, s0  }
0x2d: {  	p2 =	sgt.s32 @!p0 s1, $0x0;
	s1 =	sand.u32 @!p0 s3, s25;
	s3 =	sshra.s32 @!p0 s23, $0x1F  }
0x2e: {  	s25 =	smov.u32 s13;
	p1 =	por !p2, p0;
	s1 =	ssub.s32 @!p0 s2, s1  }
0x2f: {  	s0 =	simm.s32 @!p1 $0x0;
	s2 =	sadd.s32 @!p0 $0xFFFFFFFA, s1;
	p1 =	sgt.s32 @!p0 s23, $0x6  }
0x30: {  	p2 =	sgt.s32 @!p0 s2, $0x0;
	p1 =	por !p1, p0;
	s2 =	smov.u32 s23  }
0x31: {  	s3 =	sand.u32 @!p0 s3, s23;
	s2 =	simm.s32 @p1 $0x6;
	p1 =	sgt.s32 @!p0 s22, $0x368  }
0x32: {  	s2 =	ssub.s32 @!p0 s2, s3;
	p1 =	por !p1, p0;
	s3 =	smov.u32 s22  }
0x33: {  	s13 =	smov.u32 s20;
	s1 =	ssub.s32 @!p0 $0x7, s1;
	s3 =	simm.s32 @p1 $0x368  }
0x34: {  	s23 =	smov.u32 s10;
	p1 =	por !p2, p0;
	s3 =	ssub.s32 @!p0 s3, s4  }
0x35: {  	s5 =	sadd.s32 @!p0 $0xFFFFFFFA, s2;
	s2 =	ssub.s32 @!p0 $0x7, s2;
	s4 =	sadd.s32 @!p0 $0xFFFFFC98, s3  }
0x36: {  	s1 =	simm.s32 @!p1 $0x0;
	p1 =	sgt.s32 @!p0 s5, $0x0;
	p2 =	sgt.s32 @!p0 s4, $0x7F  }
0x37: {  	s5 =	sshra.s32 @!p0 s21, $0x1F;
	s3 =	ssub.s32 @!p0 $0x3E8, s3;
	p2 =	por !p2, p0  }
0x38: {  	s4 =	smov.u32 s21;
	s3 =	simm.s32 @!p2 $0x0;
	p2 =	por !p3, p0  }
0x39: {  	p1 =	por !p1, p0;
	s5 =	sand.u32 @!p0 s5, s21;
	s4 =	simm.s32 @p2 $0x80  }
0x3a: {  	p2 =	sgt.s32 s6, $0xFF;
	s4 =	ssub.s32 @!p0 s4, s5;
	s5 =	simm.s32 $0x1  }
0x3b: {  	s0 =	smul.u32 @!p0 s0, s3;
	s3 =	sadd.s32 @!p0 $0xFFFFFF80, s4;
	s5 =	simm.s32 @!p2 $0x0  }
0x3c: {  	s2 =	simm.s32 @!p1 $0x0;
	p1 =	sgt.s32 @!p0 s3, $0x7F;
	s3 =	sadd.s32 s5, s17  }
0x3d: {  	s0 =	smul.u32 @!p0 s1, s0;
	s1 =	simm.s32 $0x1;
	p3 =	sgt.s32 s3, $0x6  }
0x3e: {  	s4 =	ssub.s32 @!p0 $0x100, s4;
	s5 =	smov.u32 s18;
	s1 =	simm.s32 @!p3 $0x0  }
0x3f: {  	p1 =	por !p1, p0;
	s0 =	smul.u32 @!p0 s2, s0;
	s1 =	sadd.s32 s1, s20  }
0x40: {  	s2 =	sadd.s32 $0x400, s18;
	s4 =	simm.s32 @!p1 $0x0;
	p1 =	sgt.s32 s1, $0x6  }
0x41: {  	s6 =	simm.s32 @p2 $0x0;
	s0 =	smul.u32 @!p0 s4, s0;
	s5 =	smov.u32 @p1 s2  }
0x42: {  	s4 =	smov.u32 s19;
	s2 =	sadd.s32 $0x4, s19;
	p2 =	sgt.s32 s5, $0x3E7  }
0x43: {  	s10 =	smov.u32 s17;
	s22 =	smov.u32 s15;
	s4 =	smov.u32 @p2 s2  }
0x44: {  	s15 =	smov.u32 s18;
	s1 =	simm.s32 @p1 $0x0;
	p1 =	sgt.s32 s4, $0x3  }
0x45: {  	s21 =	smov.u32 s11;
	s4 =	smov.u32 @p1 s8;
	p1 =	sne.s32 s12, $0x64  }
.Ltmp1:
0x46: {  	s11 =	smov.u32 s14;
	s14 =	smov.u32 s6;
	(pc) =	sbr.rel @!p1 .LBB1_22-.Ltmp1, $4  }
0x47: {  	s3 =	simm.s32 @p3 $0x0;
	s0 =	sand.u32 @!p0 $0x3FFFFFFF, s0;
	s2 =	simm.s32 @!p0 $0x2  }
0x48: {  	s17 =	smov.u32 s3;
	s20 =	smov.u32 s1;
	_ =	swait.ge @!p0 [sflag:s2], s0  }
0x49: {  	s5 =	smov.u32 @p2 s9;
	s0 =	ssub.s32 @!p0 $0x0, s0;
	[sflag:s2] =	ssyncset.done @!p0 $0x0  }
0x4a: {  	s18 =	smov.u32 s5;
	[sflag:s2] =	ssyncadd.s32 @!p0 s0;
	s19 =	smov.u32 s4  }
.LBB1_1:
0x4b: {  	p0 =	sgt.u32 s12, $0x61  }
.Ltmp2:
0x4c: {  	_ = 	snop;
	(pc) =	sbr.rel @p0 .LBB1_3-.Ltmp2, $1  }
0x4d: {  	_ =	sdelay $0x3  }
0x4e: {  	p0 =	sgt.s32 s19, $0x3;
	s0 =	smov.u32 s19;
	s1 =	sshra.s32 s19, $0x1F  }
0x4f: {  	p1 =	sgt.s32 s18, $0x368;
	s2 =	sshra.s32 s18, $0x1F;
	s3 =	sshra.s32 s20, $0x1F  }
0x50: {  	s6 =	sshra.s32 s17, $0x1F;
	s0 =	simm.s32 @!p0 $0x3;
	s1 =	sand.u32 s1, s19  }
0x51: {  	s26 =	sshra.s32 s14, $0x1F;
	s28 =	sxor.u32 $0xFFFFFFFF, s12;
	s0 =	ssub.s32 s0, s1  }
0x52: {  	s31 =	sand.u32 $0x78, s14;
	s5 =	smul.u32 $0x1B5800, s19;
	s1 =	sadd.s32 $0xFFFFFFFD, s0  }
0x53: {  	s2 =	sand.u32 s2, s18;
	p0 =	sgt.s32 s1, $0x0;
	s1 =	smov.u32 s18  }
0x54: {  	s3 =	sand.u32 s3, s20;
	s7 =	sand.u32 s6, s17;
	s1 =	simm.s32 @!p1 $0x368  }
0x55: {  	p1 =	sgt.s32 s20, $0x6;
	s1 =	ssub.s32 s1, s2;
	s2 =	smov.u32 s20  }
0x56: {  	s0 =	ssub.s32 $0x4, s0;
	s4 =	sadd.s32 $0xFFFFFC98, s1;
	s2 =	simm.s32 @!p1 $0x6  }
0x57: {  	s1 =	ssub.s32 $0x3E8, s1;
	p1 =	sgt.s32 s4, $0x7F;
	s2 =	ssub.s32 s2, s3  }
0x58: {  	s0 =	simm.s32 @p0 $0x0;
	s1 =	simm.s32 @p1 $0x0;
	s3 =	sadd.s32 $0xFFFFFFFA, s2  }
0x59: {  	s30 =	sshll.u32 s28, $0xE;
	s0 =	smul.u32 s0, s1;
	p0 =	sgt.s32 s3, $0x0  }
0x5a: {  	s1 =	ssub.s32 $0x7, s2;
	s2 =	smov.u32 s17;
	s3 =	sand.u32 s26, s14  }
0x5b: {  	s26 =	sshll.u32 s17, $0x7;
	s1 =	simm.s32 @p0 $0x0;
	p0 =	sgt.s32 s17, $0x7  }
0x5c: {  	s6 =	smul.u32 $0x700, s18;
	s4 =	sand.u32 $0x380, s26;
	s2 =	simm.s32 @!p0 $0x7  }
0x5d: {  	s0 =	smul.u32 s1, s0;
	p0 =	sgt.s32 s14, $0x80;
	s1 =	ssub.s32 s2, s7  }
0x5e: {  	s2 =	smov.u32 s14;
	s7 =	sshll.u32 s14, $0x3;
	s27 =	sadd.s32 $0xFFFFFFF9, s1  }
0x5f: {  	s2 =	simm.s32 @!p0 $0x80;
	s1 =	ssub.s32 $0x8, s1;
	p0 =	sgt.s32 s27, $0x0  }
0x60: {  	s2 =	ssub.s32 s2, s3;
	s3 =	sor.u32 s31, s4;
	s27 =	rddreg [dreg:$0x3]  }
0x61: {  	s31 =	simm.s32 $0x3800;
	s1 =	simm.s32 @p0 $0x0;
	s29 =	sadd.s32 $0xFFFFFF80, s2  }
0x62: {  	s0 =	smul.u32 s1, s0;
	p0 =	sgt.s32 s29, $0x7F;
	s1 =	ssub.s32 $0x100, s2  }
0x63: {  	s4 =	sadd.s32 s27, s5;
	s2 =	sand.u32 $0x4000, s30;
	s1 =	simm.s32 @p0 $0x0  }
0x64: {  	s28 =	sadd.s32 s6, s4;
	s0 =	smul.u32 s1, s0;
	s1 =	sand.u32 $0x400, s7  }
0x65: {  	s29 =	sand.u32 $0x7, s14;
	s7 =	sshll.u32 s20, $0x8;
	s1 =	sor.u32 s1, s3  }
0x66: {  	s4 =	sshll.u32 s29, $0x12;
	s3 =	sadd.s32 s7, s28;
	s1 =	sshrl.u32 s1, $0x3  }
0x67: {  	s30 =	sor.u32 $0x80, s4;
	s0 =	sand.u32 $0x3FFFFFFF, s0;
	s1 =	sadd.s32 s1, s3  }
0x68: {  	[tilespmem:s2], [sflag:$0x1] =	stream.strided.gather [hbm4b:s1+s30], s0, s31, s30, $0x38;
	[tilespmem:$0x10000] =	vst v63  }
.LBB1_3:
0x69: {  	p0 =	seq.s32 s12, $0x0  }
0x6a: {  	p1 =	seq.s32 @!p0 s12, $0x63  }
0x6b: {  	p0 =	por p0, p1  }
.Ltmp3:
0x6c: {  	_ = 	snop;
	(pc) =	sbr.rel @p0 .LBB1_21-.Ltmp3, $1  }
0x6d: {  	_ =	sdelay $0x3  }
0x6e: {  	[dreg:$0xe] =	wrdreg s23  }
0x6f: {  	[dreg:$0xd] =	wrdreg s22  }
0x70: {  	[dreg:$0xc] =	wrdreg s21  }
0x71: {  	[dreg:$0xb] =	wrdreg s20  }
0x72: {  	[dreg:$0xa] =	wrdreg s17;
	p0 =	sgt.s32 s16, $0x3  }
0x73: {  	s0 =	smov.u32 s16;
	s1 =	sshra.s32 s16, $0x1F;
	p1 =	sgt.s32 s15, $0x368  }
0x74: {  	s2 =	sshra.s32 s15, $0x1F;
	s0 =	simm.s32 @!p0 $0x3;
	s1 =	sand.u32 s1, s16  }
0x75: {  	s3 =	sshra.s32 s13, $0x1F;
	s17 =	ssub.s32 $0x0, s10;
	s0 =	ssub.s32 s0, s1  }
0x76: {  	s20 =	sshra.s32 s10, $0x1F;
	s23 =	sshra.s32 s11, $0x1F;
	s1 =	sadd.s32 $0xFFFFFFFD, s0  }
0x77: {  	s2 =	sand.u32 s2, s15;
	p0 =	sgt.s32 s1, $0x0;
	s1 =	smov.u32 s15  }
0x78: {  	s3 =	sand.u32 s3, s13;
	s0 =	ssub.s32 $0x4, s0;
	s1 =	simm.s32 @!p1 $0x368  }
0x79: {  	p1 =	sgt.s32 s13, $0x6;
	s1 =	ssub.s32 s1, s2;
	s2 =	smov.u32 s13  }
0x7a: {  	s0 =	simm.s32 @p0 $0x0;
	s4 =	sadd.s32 $0xFFFFFC98, s1;
	s2 =	simm.s32 @!p1 $0x6  }
0x7b: {  	s1 =	ssub.s32 $0x3E8, s1;
	p1 =	sgt.s32 s4, $0x7F;
	s2 =	ssub.s32 s2, s3  }
0x7c: {  	s4 =	smov.u32 s10;
	s1 =	simm.s32 @p1 $0x0;
	s3 =	sadd.s32 $0xFFFFFFFA, s2  }
0x7d: {  	p1 =	sgt.s32 s10, $0x7;
	s2 =	ssub.s32 $0x7, s2;
	s0 =	smul.u32 s0, s1  }
0x7e: {  	p0 =	sgt.s32 s3, $0x0;
	s1 =	sand.u32 s17, s20;
	s4 =	simm.s32 @!p1 $0x7  }
0x7f: {  	p1 =	sgt.s32 s11, $0x80;
	s2 =	simm.s32 @p0 $0x0;
	[dreg:$0x11] =	wrdreg s1  }
0x80: {  	s1 =	sadd.s32 s1, s4;
	s21 =	smul.u32 s2, s0;
	s0 =	smov.u32 s11  }
0x81: {  	s22 =	sadd.s32 $0xFFFFFFF9, s1;
	s2 =	sand.u32 s23, s11;
	s0 =	simm.s32 @!p1 $0x80  }
0x82: {  	s1 =	ssub.s32 $0x8, s1;
	p0 =	sgt.s32 s22, $0x0;
	s0 =	ssub.s32 s0, s2  }
0x83: {  	[dreg:$0xf] =	wrdreg s25;
	s1 =	simm.s32 @p0 $0x0;
	s2 =	sadd.s32 $0xFFFFFF80, s0  }
0x84: {  	s3 =	ssub.s32 $0x100, s0;
	s0 =	sadd.s32 $0x1, s16;
	p0 =	sgt.s32 s2, $0x7F  }
0x85: {  	s2 =	sadd.s32 $0x80, s15;
	s3 =	simm.s32 @p0 $0x0;
	p0 =	slt.s32 s0, $0x4  }
0x86: {  	[dreg:$0x6] =	wrdreg s11;
	s0 =	simm.s32 @!p0 $0x4;
	p0 =	slt.s32 s2, $0x3E8  }
0x87: {  	s29 =	ssub.s32 s0, s16;
	s2 =	simm.s32 @!p0 $0x3E8;
	s0 =	sadd.s32 $0x1, s13  }
0x88: {  	s30 =	ssub.s32 s2, s15;
	p1 =	slt.s32 s0, $0x7;
	p0 =	slt.s32 s29, $0x1  }
0x89: {  	s2 =	sadd.s32 $0x1, s10;
	s0 =	simm.s32 @!p1 $0x7;
	p1 =	slt.s32 @!p0 s30, $0x1  }
0x8a: {  	p2 =	slt.s32 s2, $0x7;
	s31 =	ssub.s32 s0, s13;
	p1 =	por p0, p1  }
0x8b: {  	[dreg:$0x9] =	wrdreg s16;
	s2 =	simm.s32 @!p2 $0x7;
	p2 =	slt.s32 @!p1 s31, $0x1  }
0x8c: {  	s1 =	smul.u32 s1, s21;
	s0 =	ssub.s32 s2, s10;
	p1 =	por p1, p2  }
0x8d: {  	[dreg:$0x8] =	wrdreg s15;
	p2 =	slt.s32 @!p1 s0, $0x1  }
0x8e: {  	[dreg:$0x7] =	wrdreg s13;
	s1 =	smul.u32 s3, s1;
	p1 =	por p1, p2  }
.Ltmp4:
0x8f: {  	[dreg:$0x10] =	wrdreg s21;
	(pc) =	sbr.rel @p1 .LBB1_20-.Ltmp4, $4  }
0x90: {  	s26 =	simm.s32 $0x1;
	[dreg:$0x12] =	wrdreg s3;
	s1 =	sand.u32 $0x3FFFFFFF, s1  }
0x91: {  	_ =	swait.ge [sflag:s26], s1  }
0x92: {  	s27 =	sshll.u32 s12, $0xE;
	s25 =	ssub.s32 $0x0, s1;
	[sflag:s26] =	ssyncset.done $0x0  }
0x93: {  	s28 =	sand.u32 $0x4000, s27;
	[sflag:s26] =	ssyncadd.s32 s25  }
0x94: {  	s2 =	rddreg [dreg:$0x6]  }
0x95: {  	s1 =	sadd.s32 $0x80, s2  }
0x96: {  	p1 =	slt.s32 s1, $0x100  }
0x97: {  	s1 =	simm.s32 @!p1 $0x100  }
.Ltmp5:
0x98: {  	s1 =	ssub.s32 s1, s2;
	(pc) =	sbr.rel .LBB1_6-.Ltmp5, $4  }
0x99: {  	s4 =	sadd.s32 $0xF, s1  }
0x9a: {  	s7 =	sor.u32 @!p0 $0x8000, s28;
	s1 =	sand.u32 $0xFFFFFFF0, s4  }
0x9b: {  	s3 =	sshll.u32 s4, $0x3;
	s2 =	sand.u32 @!p0 $0xFFFFFF00, s4;
	p0 =	slt.s32 s4, $0x100  }
0x9c: {  	s8 =	sand.u32 $0xFFFFF800, s3;
	s3 =	simm.s32 $0x0;
	p1 =	sge.s32 s2, s1  }
.LBB1_19:
0x9d: {  	s3 =	sadd.s32 $0x1, s3  }
0x9e: {  	p2 =	sne.s32 s3, s29  }
.Ltmp6:
0x9f: {  	_ = 	snop;
	(pc) =	sbr.rel @!p2 .LBB1_20-.Ltmp6, $1  }
0xa0: {  	_ =	sdelay $0x3  }
.LBB1_6:
.Ltmp7:
0xa1: {  	(pc) =	sbr.rel .LBB1_7-.Ltmp7, $4  }
0xa2: {  	_ = 	snop  }
0xa3: {  	s4 =	sshll.u32 s3, $0x10  }
0xa4: {  	s4 =	sshra.s32 s4, $0x2  }
0xa5: {  	s13 =	simm.s32 $0x400;
	s6 =	simm.s32 $0x0;
	s5 =	sadd.s32 s4, s28  }
.LBB1_18:
0xa6: {  	s6 =	sadd.s32 $0x1, s6  }
0xa7: {  	p2 =	sne.s32 s6, s30  }
.Ltmp8:
0xa8: {  	_ = 	snop;
	(pc) =	sbr.rel @!p2 .LBB1_19-.Ltmp8, $2  }
0xa9: {  	_ =	sdelay $0x2  }
0xaa: {  	s13 =	sadd.s32 $0x80, s13  }
.LBB1_7:
.Ltmp9:
0xab: {  	(pc) =	sbr.rel .LBB1_8-.Ltmp9, $4  }
0xac: {  	_ = 	snop  }
0xad: {  	s25 =	sshll.u32 s6, $0x7  }
0xae: {  	s4 =	sand.u32 $0x380, s25  }
0xaf: {  	s27 =	simm.s32 $0x0;
	s26 =	sadd.s32 s4, s7  }
.LBB1_17:
0xb0: {  	s27 =	sadd.s32 $0x1, s27  }
0xb1: {  	p2 =	sne.s32 s27, s31  }
.Ltmp10:
0xb2: {  	_ = 	snop;
	(pc) =	sbr.rel @!p2 .LBB1_18-.Ltmp10, $1  }
0xb3: {  	_ =	sdelay $0x3  }
.LBB1_8:
.Ltmp11:
0xb4: {  	(pc) =	sbr.rel .LBB1_9-.Ltmp11, $4  }
0xb5: {  	s4 =	sadd.s32 s6, s27  }
0xb6: {  	s4 =	sshll.u32 s4, $0x9  }
0xb7: {  	s4 =	sshra.s32 s4, $0x2  }
0xb8: {  	s11 =	sadd.s32 s3, s27;
	s15 =	simm.s32 $0x0;
	s20 =	sadd.s32 s4, s5  }
.LBB1_16:
0xb9: {  	s15 =	sadd.s32 $0x1, s15  }
0xba: {  	p2 =	sne.s32 s15, s0  }
.Ltmp12:
0xbb: {  	_ = 	snop;
	(pc) =	sbr.rel @!p2 .LBB1_17-.Ltmp12, $1  }
0xbc: {  	_ =	sdelay $0x3  }
.LBB1_9:
.Ltmp13:
0xbd: {  	(pc) =	sbr.rel @p0 .LBB1_13-.Ltmp13, $2  }
0xbe: {  	_ =	sdelay $0x2  }
0xbf: {  	s16 =	sshll.u32 s15, $0x7;
	s17 =	sadd.s32 s15, s11  }
0xc0: {  	s4 =	sshll.u32 s17, $0x10  }
0xc1: {  	s21 =	sand.u32 $0x380, s16;
	s4 =	sshra.s32 s4, $0x2  }
0xc2: {  	s21 =	sadd.s32 s21, s20;
	s4 =	sadd.s32 s4, s26  }
0xc3: {  	v6 =	vld [tilespmem:s21+$0x70];
	v0 =	vmov s4  }
0xc4: {  	v7 =	vld [tilespmem:s21+$0x0]  }
0xc5: {  	v8 =	vld [tilespmem:s21+$0x10]  }
0xc6: {  	v1 =	vld [tilespmem:s21+$0x20]  }
0xc7: {  	s23 =	sadd.s32 $0xFFFFFC00, s13;
	s22 =	sand.u32 $0x3C00, s13;
	v2 =	vld [tilespmem:s21+$0x30]  }
0xc8: {  	v3 =	vld [tilespmem:s21+$0x40];
	s4 =	sand.u32 $0x3C00, s23;
	[tilespmem:v0+s22+$0x70 ss:$0x1] =	vst.idx.msk $0xffff, v6  }
0xc9: {  	v5 =	vld [tilespmem:s21+$0x50];
	[tilespmem:v0+s4+$0x0 ss:$0x1] =	vst.idx.msk $0xffff, v7  }
0xca: {  	v4 =	vld [tilespmem:s21+$0x60];
	[tilespmem:v0+s4+$0x10 ss:$0x1] =	vst.idx.msk $0xffff, v8  }
0xcb: {  	[tilespmem:v0+s4+$0x20 ss:$0x1] =	vst.idx.msk $0xffff, v1  }
0xcc: {  	[tilespmem:v0+s4+$0x30 ss:$0x1] =	vst.idx.msk $0xffff, v2  }
0xcd: {  	p2 =	sgt.s32 s2, $0x100;
	[tilespmem:v0+s4+$0x40 ss:$0x1] =	vst.idx.msk $0xffff, v3  }
.Ltmp14:
0xce: {  	[tilespmem:v0+s4+$0x50 ss:$0x1] =	vst.idx.msk $0xffff, v5;
	(pc) =	sbr.rel @!p2 .LBB1_12-.Ltmp14, $4  }
0xcf: {  	[tilespmem:v0+s4+$0x60 ss:$0x1] =	vst.idx.msk $0xffff, v4  }
0xd0: {  	[tilespmem:v0+s4+$0x70 ss:$0x1] =	vst.idx.msk $0xffff, v6  }
0xd1: {  	[tilespmem:v0+s22+$0x0 ss:$0x1] =	vst.idx.msk $0xffff, v7  }
0xd2: {  	s23 =	simm.s32 $0x100;
	[tilespmem:v0+s22+$0x10 ss:$0x1] =	vst.idx.msk $0xffff, v8;
	s4 =	smov.u32 s13  }
.LBB1_11:
0xd3: {  	v6 =	vld [tilespmem:s21+$0x70];
	s23 =	sadd.s32 $0x100, s23;
	[tilespmem:v0+s22+$0x20 ss:$0x1] =	vst.idx.msk $0xffff, v1  }
0xd4: {  	v7 =	vld [tilespmem:s21+$0x0];
	p2 =	slt.s32 s23, s2;
	[tilespmem:v0+s22+$0x30 ss:$0x1] =	vst.idx.msk $0xffff, v2  }
0xd5: {  	v8 =	vld [tilespmem:s21+$0x10];
	[tilespmem:v0+s22+$0x40 ss:$0x1] =	vst.idx.msk $0xffff, v3  }
0xd6: {  	s4 =	sadd.s32 $0x800, s4;
	v1 =	vld [tilespmem:s21+$0x20];
	[tilespmem:v0+s22+$0x50 ss:$0x1] =	vst.idx.msk $0xffff, v5  }
0xd7: {  	s9 =	sadd.s32 $0xFFFFFC00, s4;
	v2 =	vld [tilespmem:s21+$0x30];
	[tilespmem:v0+s22+$0x60 ss:$0x1] =	vst.idx.msk $0xffff, v4;
	s22 =	sand.u32 $0x3C00, s4  }
0xd8: {  	s9 =	sand.u32 $0x3C00, s9;
	v3 =	vld [tilespmem:s21+$0x40];
	[tilespmem:v0+s22+$0x70 ss:$0x1] =	vst.idx.msk $0xffff, v6  }
0xd9: {  	[tilespmem:v0+s9+$0x0 ss:$0x1] =	vst.idx.msk $0xffff, v7;
	v5 =	vld [tilespmem:s21+$0x50]  }
0xda: {  	[tilespmem:v0+s9+$0x10 ss:$0x1] =	vst.idx.msk $0xffff, v8;
	v4 =	vld [tilespmem:s21+$0x60]  }
0xdb: {  	[tilespmem:v0+s9+$0x20 ss:$0x1] =	vst.idx.msk $0xffff, v1  }
0xdc: {  	[tilespmem:v0+s9+$0x30 ss:$0x1] =	vst.idx.msk $0xffff, v2  }
0xdd: {  	[tilespmem:v0+s9+$0x40 ss:$0x1] =	vst.idx.msk $0xffff, v3  }
.Ltmp15:
0xde: {  	[tilespmem:v0+s9+$0x50 ss:$0x1] =	vst.idx.msk $0xffff, v5;
	(pc) =	sbr.rel @p2 .LBB1_11-.Ltmp15, $4  }
0xdf: {  	[tilespmem:v0+s9+$0x60 ss:$0x1] =	vst.idx.msk $0xffff, v4  }
0xe0: {  	[tilespmem:v0+s9+$0x70 ss:$0x1] =	vst.idx.msk $0xffff, v6  }
0xe1: {  	[tilespmem:v0+s22+$0x0 ss:$0x1] =	vst.idx.msk $0xffff, v7  }
0xe2: {  	[tilespmem:v0+s22+$0x10 ss:$0x1] =	vst.idx.msk $0xffff, v8  }
.LBB1_12:
0xe3: {  	_ =	sdelay $0x3  }
0xe4: {  	[tilespmem:v0+s22+$0x20 ss:$0x1] =	vst.idx.msk $0xffff, v1  }
0xe5: {  	[tilespmem:v0+s22+$0x30 ss:$0x1] =	vst.idx.msk $0xffff, v2  }
0xe6: {  	[tilespmem:v0+s22+$0x40 ss:$0x1] =	vst.idx.msk $0xffff, v3  }
0xe7: {  	[tilespmem:v0+s22+$0x50 ss:$0x1] =	vst.idx.msk $0xffff, v5  }
0xe8: {  	[tilespmem:v0+s22+$0x60 ss:$0x1] =	vst.idx.msk $0xffff, v4  }
.LBB1_13:
.Ltmp16:
0xe9: {  	(pc) =	sbr.rel @p1 .LBB1_16-.Ltmp16, $1  }
0xea: {  	_ =	sdelay $0x3  }
0xeb: {  	s4 =	sand.u32 $0x380, s16  }
0xec: {  	s22 =	sadd.s32 s4, s20  }
0xed: {  	v0 =	vmov s22  }
0xee: {  	s21 =	sshll.u32 s17, $0x10  }
0xef: {  	s23 =	sshra.s32 s21, $0x2  }
0xf0: {  	s16 =	smov.u32 s8;
	s17 =	smov.u32 s2;
	s4 =	sadd.s32 s23, s26  }
.LBB1_15:
0xf1: {  	s9 =	sand.u32 $0x70, s17;
	s17 =	sadd.s32 $0x10, s17  }
0xf2: {  	s21 =	sand.u32 $0x3C00, s16;
	v1 =	vld.idx.msk [tilespmem:v0+s9+$0x0 ss:$0x1], $0xffff;
	p2 =	slt.s32 s17, s1  }
.Ltmp17:
0xf3: {  	s21 =	sadd.s32 s25, s21;
	(pc) =	sbr.rel @p2 .LBB1_15-.Ltmp17, $4  }
0xf4: {  	s21 =	sand.u32 $0x3C00, s21  }
0xf5: {  	s21 =	sadd.s32 s21, s4  }
0xf6: {  	s9 =	sadd.s32 s9, s21  }
0xf7: {  	s16 =	sadd.s32 $0x80, s16;
	[tilespmem:s9+$0x0] =	vst v1  }
.Ltmp18:
0xf8: {  	_ = 	snop;
	(pc) =	sbr.rel .LBB1_16-.Ltmp18, $1  }
0xf9: {  	_ =	sdelay $0x3  }
.LBB1_22:
0xfa: {  	_ =	sfence.sel $0x180000  }
0xfb: {  	s0 =	simm.s32 $0x1;
	[bflag:$0x0] =	sbarrier.arrive $0xFFFF  }
0xfc: {  	s30 =	simm.s32 $0x2;
	[sflag:s0] =	ssyncpa.u1 $0x1  }
0xfd: {  	[sflag:s30] =	ssyncpa.u1 $0x1  }
0xfe: {  	_ =	strace $0x9000004A  }
0xff: {  	s31 =	stileid.u32;
	[bflag:$0x2] =	sbarrier.arrive $0xFFFF  }
0x100: {  	p0 =	sne.s32 s31, $0x0;
	s0 =	rddreg [dreg:$0x2]  }
0x101: {  	s0 =	sadd.s32 @!p0 $0x100000, s0  }
0x102: {  	[sflag:s0] =	ssyncadd.tile.s32 @!p0 $0x1;
	_ =	shalt  }
.Lfunc_end1:
_tile_overlayer_lowered:
.L_overlay_start_2:
0x103: {  	(tag) =	ssettag $0x2  }
0x104: {  	s0 =	rddreg [dreg:$0x0];
	s2 =	stileid.u32  }
0x105: {  	s1 =	rddreg [dreg:$0x1];
	p0 =	sne.s32 s2, $0x0  }
0x106: {  	s3 =	rddreg [dreg:$0x2];
	[bflag:$0x3] =	sbarrier.arrive $0xFFFF;
	s2 =	simm.s32 @!p0 $0x1C01  }
0x107: {  	[timem:s3], [sflag:s2] =	dma.local @!p0 [hbm:s0], s1  }
0x108: {  	s0 =	simm.s32 @!p0 $0x1  }
0x109: {  	_ =	swait.ge @!p0 [sflag:s0], s1  }
0x10a: {  	s1 =	ssub.s32 @!p0 $0x0, s1;
	[sflag:s0] =	ssyncset.done @!p0 $0x0  }
0x10b: {  	[sflag:s0] =	ssyncadd.s32 @!p0 s1  }
0x10c: {  	[bflag:$0x3] =	sbarrier.arrive $0xFFFF  }
0x10d: {  	_ =	shalt  }

</sc_bundles>
